<compile_context>
chip_gen: v7x
topology: tpu7x:2x2x1
jax: 0.10.2.dev20260603
libtpu: 0.0.44.dev20260713+nightly
codegen_flags: <defaults>
</compile_context>

<pallas_src>
import functools

import jax
import jax.numpy as jnp
from jax import lax
from jax.experimental import pallas as pl
from jax.experimental.pallas import tpu as pltpu
from jax.experimental.pallas import tpu_sc as plsc

_N = 100000
_E = 3200000
_FN = 16
_FE = 8
_MSG = 32

_G = 8
_RP = _E // _G
_RB = 2000
_SB = _RB // 2
_R16 = _E // 16
_NBG = 4000

_NW = 32
_CH = 128
_MROWS = 40
_MEGA = _MROWS * _CH
_NMEGA = _E // _MEGA
_GPW = -(-_NMEGA // _NW)
_NPAD = 100096
_STRIPE = _NPAD // 16


def _bd(w, g):
    return jax.scipy.linalg.block_diag(*([w] * g))



def _enc128(x):
    return jnp.concatenate([x[:_SB], x[_SB:]], axis=1)


def _mlp0_body(ea_ref, w1e, b1, w2, b2, w3, b3, w4, b4, m_ref):
    f32 = jnp.float32
    x = jnp.maximum(jnp.dot(ea_ref[...], w1e[...], preferred_element_type=f32) + b1[...], 0.0)
    x = jnp.maximum(jnp.dot(x, w2[...], preferred_element_type=f32) + b2[...], 0.0)
    x = jnp.maximum(jnp.dot(x, w3[...], preferred_element_type=f32) + b3[...], 0.0)
    m = jnp.dot(x, w4[...], preferred_element_type=f32) + b4[...]
    m_ref[...] = _enc128(m)


def _mlp1_body(hs_ref, hd_ref, ea_ref, w1s, w1d, w1e, b1, w2, b2, w3, b3, w4, b4, m_ref):
    f32 = jnp.float32
    pre = (jnp.dot(hs_ref[...], w1s[...], preferred_element_type=f32)
           + jnp.dot(hd_ref[...], w1d[...], preferred_element_type=f32)
           + jnp.dot(ea_ref[...], w1e[...], preferred_element_type=f32)
           + b1[...])
    x = jnp.maximum(pre, 0.0)
    x = jnp.maximum(jnp.dot(x, w2[...], preferred_element_type=f32) + b2[...], 0.0)
    x = jnp.maximum(jnp.dot(x, w3[...], preferred_element_type=f32) + b3[...], 0.0)
    m = jnp.dot(x, w4[...], preferred_element_type=f32) + b4[...]
    m_ref[...] = _enc128(m)


def _wspec(w):
    return pl.BlockSpec(w.shape, lambda i: (0,) * w.ndim)


def _mlp0_call(eaP, ws, interpret=False):
    grid = (_RP // _RB,)
    in_specs = [pl.BlockSpec((_RB, _FE * _G), lambda i: (i, 0))] + [_wspec(w) for w in ws]
    return pl.pallas_call(
        _mlp0_body, grid=grid, in_specs=in_specs,
        out_specs=pl.BlockSpec((_SB, 128), lambda i: (i, 0)),
        out_shape=jax.ShapeDtypeStruct((_R16, 128), jnp.float32),
        interpret=interpret,
    )(eaP, *ws)


def _mlp1_call(hsP, hdP, eaP, ws, interpret=False):
    grid = (_RP // _RB,)
    in_specs = [
        pl.BlockSpec((_RB, _FN * _G), lambda i: (i, 0)),
        pl.BlockSpec((_RB, _FN * _G), lambda i: (i, 0)),
        pl.BlockSpec((_RB, _FE * _G), lambda i: (i, 0)),
    ] + [_wspec(w) for w in ws]
    return pl.pallas_call(
        _mlp1_body, grid=grid, in_specs=in_specs,
        out_specs=pl.BlockSpec((_SB, 128), lambda i: (i, 0)),
        out_shape=jax.ShapeDtypeStruct((_R16, 128), jnp.float32),
        interpret=interpret,
    )(hsP, hdP, eaP, *ws)



def _gru_body(a0_ref, a1_ref, ni_ref, h_ref, wia, win, bih, whh, bhh, wf, bf,
              h_out, o_out):
    f32 = jnp.float32
    agg = a0_ref[...] + a1_ref[...]
    gi = (jnp.dot(agg, wia[...], preferred_element_type=f32)
          + jnp.dot(ni_ref[...], win[...], preferred_element_type=f32)
          + bih[...])
    h = h_ref[...]
    gh = jnp.dot(h, whh[...], preferred_element_type=f32) + bhh[...]
    r = jax.nn.sigmoid(gi[:, :_FN] + gh[:, :_FN])
    z = jax.nn.sigmoid(gi[:, _FN:2 * _FN] + gh[:, _FN:2 * _FN])
    n = jnp.tanh(gi[:, 2 * _FN:] + r * gh[:, 2 * _FN:])
    hn = (1.0 - z) * n + z * h
    h_out[...] = hn
    o_out[...] = jnp.dot(hn, wf[...], preferred_element_type=f32) + bf[...]


def _gru_call(a0, a1, ni, h, ws, interpret=False):
    grid = (_N // _NBG,)
    in_specs = [
        pl.BlockSpec((_NBG, _FE), lambda i: (i, 0)),
        pl.BlockSpec((_NBG, _FE), lambda i: (i, 0)),
        pl.BlockSpec((_NBG, _FN), lambda i: (i, 0)),
        pl.BlockSpec((_NBG, _FN), lambda i: (i, 0)),
    ] + [_wspec(w) for w in ws]
    return pl.pallas_call(
        _gru_body, grid=grid, in_specs=in_specs,
        out_specs=[
            pl.BlockSpec((_NBG, _FN), lambda i: (i, 0)),
            pl.BlockSpec((_NBG, 2), lambda i: (i, 0)),
        ],
        out_shape=[
            jax.ShapeDtypeStruct((_N, _FN), jnp.float32),
            jax.ShapeDtypeStruct((_N, 2), jnp.float32),
        ],
        interpret=interpret,
    )(a0, a1, ni, h, *ws)



def _sc_gather(h, src2d, dst2d):
    mesh = plsc.VectorSubcoreMesh(core_axis_name="c", subcore_axis_name="s")
    rows3 = (_E // _CH, _CH, _FN)

    @functools.partial(
        pl.kernel,
        out_type=(jax.ShapeDtypeStruct(rows3, jnp.float32),
                  jax.ShapeDtypeStruct(rows3, jnp.float32)),
        mesh=mesh,
        scratch_types=(
            pltpu.VMEM((_MROWS, _CH), jnp.int32),
            pltpu.VMEM((_MROWS, _CH, _FN), jnp.float32),
            pltpu.SemaphoreType.DMA,
        ),
        compiler_params=pltpu.CompilerParams(use_tc_tiling_on_sc=False),
    )
    def gk(h_hbm, src_hbm, dst_hbm, hs_hbm, hd_hbm, idx_v, rows_v, sem):
        w = lax.axis_index("s") * 2 + lax.axis_index("c")

        def table(ids_hbm, out_hbm):
            def body(g, carry):
                mega = w + _NW * g

                @pl.when(mega < _NMEGA)
                def _():
                    r0 = mega * _MROWS
                    pltpu.sync_copy(ids_hbm.at[pl.ds(r0, _MROWS)], idx_v)

                    def fire8(jj, c2):
                        for b in range(8):
                            k = jj * 8 + b
                            pltpu.async_copy(
                                h_hbm.at[idx_v.at[k]], rows_v.at[k], sem)
                        return c2

                    lax.fori_loop(0, _MROWS // 8, fire8, 0)
                    pltpu.make_async_copy(
                        out_hbm.at[pl.ds(0, _MROWS)], rows_v, sem).wait()
                    pltpu.sync_copy(rows_v, out_hbm.at[pl.ds(r0, _MROWS)])

                return carry

            lax.fori_loop(0, _GPW, body, 0)

        table(src_hbm, hs_hbm)
        table(dst_hbm, hd_hbm)

    return gk(h, src2d, dst2d)



def _sc_scatter(m3, dst2d, zer):
    mesh = plsc.VectorSubcoreMesh(core_axis_name="c", subcore_axis_name="s")

    @functools.partial(
        pl.kernel,
        out_type=jax.ShapeDtypeStruct((2, _NPAD, _FE), jnp.float32),
        mesh=mesh,
        scratch_types=(
            pltpu.VMEM((_MROWS, _CH), jnp.int32),
            pltpu.VMEM((_MROWS, _CH, _FE), jnp.float32),
            pltpu.SemaphoreType.DMA,
            pltpu.VMEM_SHARED((_NPAD, _FE), jnp.float32),
        ),
        compiler_params=pltpu.CompilerParams(use_tc_tiling_on_sc=False),
    )
    def sk(m_hbm, dst_hbm, z_hbm, out_hbm, idx_v, m_v, sem, agg_sh):
        c = lax.axis_index("c")
        s = lax.axis_index("s")
        w = s * 2 + c
        pltpu.sync_copy(z_hbm.at[pl.ds(s * _STRIPE, _STRIPE)],
                        agg_sh.at[pl.ds(s * _STRIPE, _STRIPE)])
        plsc.subcore_barrier()

        def body(g, carry):
            mega = w + _NW * g

            @pl.when(mega < _NMEGA)
            def _():
                r0 = mega * _MROWS
                pltpu.sync_copy(dst_hbm.at[pl.ds(r0, _MROWS)], idx_v)
                pltpu.sync_copy(m_hbm.at[pl.ds(r0, _MROWS)], m_v)

                def fire8(jj, c2):
                    for b in range(8):
                        k = jj * 8 + b
                        pltpu.async_copy(
                            m_v.at[k], agg_sh.at[idx_v.at[k]], sem, add=True)
                    return c2

                lax.fori_loop(0, _MROWS // 8, fire8, 0)
                pltpu.make_async_copy(
                    m_hbm.at[pl.ds(0, _MROWS)], m_v, sem).wait()

            return carry

        lax.fori_loop(0, _GPW, body, 0)
        plsc.subcore_barrier()
        pltpu.sync_copy(agg_sh.at[pl.ds(s * _STRIPE, _STRIPE)],
                        out_hbm.at[c, pl.ds(s * _STRIPE, _STRIPE)])

    return sk(m3, dst2d, zer)



def kernel(node_inputs, src_ids, dst_ids, edge_attr, W1, b1, W2, b2, W3, b3,
           W4, b4, Wih, bih, Whh, bhh, Wf, bf):
    f32 = jnp.float32

    w1s_p = _bd(W1[:_FN], _G)
    w1d_p = _bd(W1[_FN:2 * _FN], _G)
    w1e_p = _bd(W1[2 * _FN:], _G)
    w2_p, w3_p, w4_p = _bd(W2, _G), _bd(W3, _G), _bd(W4, _G)
    b1_p = jnp.tile(b1, _G)[None]
    b2_p = jnp.tile(b2, _G)[None]
    b3_p = jnp.tile(b3, _G)[None]
    b4_p = jnp.tile(b4, _G)[None]
    mlp0_ws = (w1e_p, b1_p, w2_p, b2_p, w3_p, b3_p, w4_p, b4_p)
    mlp1_ws = (w1s_p, w1d_p, w1e_p, b1_p, w2_p, b2_p, w3_p, b3_p, w4_p, b4_p)

    WihT = Wih.T
    gru_ws = (WihT[:_FE], WihT[_FE:], bih[None], Whh.T, bhh[None], Wf, bf[None])

    src2d = src_ids.reshape(_E // _CH, _CH)
    dst2d = dst_ids.reshape(_E // _CH, _CH)
    dstS = dst_ids.reshape(_RP // _RB, 2, _SB, _G).transpose(0, 2, 1, 3) \
                  .reshape(_E // _CH, _CH)
    eaP = edge_attr.reshape(_RP, _FE * _G)
    zer = jnp.zeros((_NPAD, _FE), f32)
    h0 = jnp.zeros((_N, _FN), f32)

    m0 = _mlp0_call(eaP, mlp0_ws)
    aggp0 = _sc_scatter(m0.reshape(_E // _CH, _CH, _FE), dstS, zer)
    h1, o0 = _gru_call(aggp0[0, :_N], aggp0[1, :_N], node_inputs, h0, gru_ws)

    hs, hd = _sc_gather(h1, src2d, dst2d)
    m1 = _mlp1_call(hs.reshape(_RP, _FN * _G), hd.reshape(_RP, _FN * _G),
                    eaP, mlp1_ws)
    aggp1 = _sc_scatter(m1.reshape(_E // _CH, _CH, _FE), dstS, zer)
    _, o1 = _gru_call(aggp1[0, :_N], aggp1[1, :_N], node_inputs, h1, gru_ws)

    return jnp.stack([o0, o1], axis=0)

# --- scband reference (transcript-rebuilt; emitter-appended) ---
"""Pipeline reference for scband-graph-decoder-core-88012469829876 (READ-ONLY COPY).

The authoritative reference and input builder live on the scoring server;
editing this copy changes nothing except your own understanding.
"""

import jax, jax.numpy as jnp
import numpy as np

N = 100000
E = 3200000
F_IN = 16
F_NODE = 16
F_EDGE = 8
MSG = 32
N_OUT = 2
T = 2


def setup_inputs(seed: int = 0):
    key = jax.random.key(seed)
    ks = jax.random.split(key, 12)
    s = 0.05
    inp = {}
    inp['node_inputs'] = jax.random.normal(ks[0], (N, F_IN), dtype=jnp.float32)
    inp['src_ids'] = jax.random.randint(ks[1], (E,), 0, N, dtype=jnp.int32)
    inp['dst_ids'] = jax.random.randint(ks[2], (E,), 0, N, dtype=jnp.int32)
    inp['edge_attr'] = jax.random.normal(ks[3], (E, F_EDGE), dtype=jnp.float32)
    inp['W1'] = jax.random.normal(ks[4], (2 * F_NODE + F_EDGE, MSG), dtype=jnp.float32) * s
    inp['b1'] = jnp.zeros((MSG,), dtype=jnp.float32)
    inp['W2'] = jax.random.normal(ks[5], (MSG, MSG), dtype=jnp.float32) * s
    inp['b2'] = jnp.zeros((MSG,), dtype=jnp.float32)
    inp['W3'] = jax.random.normal(ks[6], (MSG, MSG), dtype=jnp.float32) * s
    inp['b3'] = jnp.zeros((MSG,), dtype=jnp.float32)
    inp['W4'] = jax.random.normal(ks[7], (MSG, F_EDGE), dtype=jnp.float32) * s
    inp['b4'] = jnp.zeros((F_EDGE,), dtype=jnp.float32)
    inp['Wih'] = jax.random.normal(ks[8], (3 * F_NODE, F_EDGE + F_IN), dtype=jnp.float32) * s
    inp['bih'] = jnp.zeros((3 * F_NODE,), dtype=jnp.float32)
    inp['Whh'] = jax.random.normal(ks[9], (3 * F_NODE, F_NODE), dtype=jnp.float32) * s
    inp['bhh'] = jnp.zeros((3 * F_NODE,), dtype=jnp.float32)
    inp['Wf'] = jax.random.normal(ks[10], (F_NODE, N_OUT), dtype=jnp.float32) * s
    inp['bf'] = jnp.zeros((N_OUT,), dtype=jnp.float32)
    return inp


def _gru_cell(x, h, Wih, bih, Whh, bhh):
    gi = x @ Wih.T + bih
    gh = h @ Whh.T + bhh
    H = h.shape[1]
    r = jax.nn.sigmoid(gi[:, :H] + gh[:, :H])
    z = jax.nn.sigmoid(gi[:, H:2 * H] + gh[:, H:2 * H])
    n = jnp.tanh(gi[:, 2 * H:] + r * gh[:, 2 * H:])
    return (1.0 - z) * n + z * h


def reference(node_inputs, src_ids, dst_ids, edge_attr, W1, b1, W2, b2, W3, b3, W4, b4, Wih, bih, Whh, bhh, Wf, bf):
    n_nodes = node_inputs.shape[0]
    h = jnp.zeros((n_nodes, F_NODE), dtype=node_inputs.dtype)
    outs = []
    for _ in range(T):
        msg_in = jnp.concatenate([h[src_ids], h[dst_ids], edge_attr], axis=1)
        m = jax.nn.relu(msg_in @ W1 + b1)
        m = jax.nn.relu(m @ W2 + b2)
        m = jax.nn.relu(m @ W3 + b3)
        m = m @ W4 + b4
        agg = jnp.zeros((n_nodes, F_EDGE), dtype=m.dtype).at[dst_ids].add(m)
        gru_in = jnp.concatenate([agg, node_inputs], axis=1)
        h = _gru_cell(gru_in, h, Wih, bih, Whh, bhh)
        outs.append(h @ Wf + bf)
    return jnp.stack(outs, axis=0)

if __name__ == "__main__":
    import jax
    _d = setup_inputs()
    print(jax.jit(kernel)(*tuple(_d.values())))

</pallas_src>

<mosaic_0001>
#map = affine_map<(d0, d1) -> (0, 0)>
#map1 = affine_map<(d0, d1) -> (0, 0, 0)>
module attributes {stable_mosaic.version = 14 : i64} {
  func.func @gk(%arg0: i32, %arg1: i32, %arg2: memref<100000x16xf32, #tpu.memory_space<hbm>>, %arg3: memref<25000x128xi32, #tpu.memory_space<hbm>>, %arg4: memref<25000x128xi32, #tpu.memory_space<hbm>>, %arg5: memref<25000x128x16xf32, #tpu.memory_space<hbm>>, %arg6: memref<25000x128x16xf32, #tpu.memory_space<hbm>>, %arg7: memref<40x128xi32, #tpu.memory_space<vmem>>, %arg8: memref<40x128x16xf32, #tpu.memory_space<vmem>>, %arg9: memref<!tpu.dma_semaphore, #tpu.memory_space<semaphore_mem>>) attributes {dimension_semantics = [#tpu.dimension_semantics<core_parallel>, #tpu.dimension_semantics<subcore_parallel>], iteration_bounds = array<i64: 2, 16>, scalar_prefetch = 0 : i64, scratch_operands = 3 : i64, tpu.core_type = #tpu.core_type<sc_vector_subcore>, window_params = [{transform_indices = #map}, {transform_indices = #map}, {transform_indices = #map}, {transform_indices = #map1}, {transform_indices = #map1}]} {
    %mul3A = arith.constant 2 : i32
    %mul3A_0 = arith.muli %arg1, %mul3A : i32
    %add3A = arith.addi %mul3A_0, %arg0 : i32
    %scan3A = arith.constant 0 : i32
    %scan3A_1 = arith.constant 0 : i32
    %scan3A_2 = arith.constant 20 : i32
    %scan3A_3 = arith.addi %scan3A_1, %scan3A_2 : i32
    %scan3A_4 = arith.constant 1 : i32
    scf.for %scan3A_12 = %scan3A_1 to %scan3A_3 step %scan3A_4  : i32 {
      %mul3A_13 = arith.constant 32 : i32
      %mul3A_14 = arith.muli %mul3A_13, %scan3A_12 : i32
      %add3A_15 = arith.addi %add3A, %mul3A_14 : i32
      %lt3A = arith.constant 625 : i32
      %lt3A_16 = arith.cmpi slt, %add3A_15, %lt3A : i32
      %convert_element_type3A = arith.extui %lt3A_16 : i1 to i32
      %cond3A = arith.constant 0 : i32
      %cond3A_17 = arith.cmpi ne, %convert_element_type3A, %cond3A : i32
      scf.if %cond3A_17 {
        %mul3A_18 = arith.constant 40 : i32
        %mul3A_19 = arith.muli %add3A_15, %mul3A_18 : i32
        "tpu.region"() ({
          %run_scoped3A = tpu.sem_alloc : memref<!tpu.dma_semaphore, #tpu.memory_space<semaphore_mem>>
          %dma_start3A = arith.constant 0 : i32
          %dma_start3A_33 = tpu.memref_slice %arg3[%mul3A_19, %dma_start3A] : memref<25000x128xi32, #tpu.memory_space<hbm>> -> memref<40x128xi32, #tpu.memory_space<hbm>>
          %dma_start3A_34 = arith.constant 0 : i32
          %dma_start3A_35 = tpu.memref_slice %arg3[%mul3A_19, %dma_start3A_34] : memref<25000x128xi32, #tpu.memory_space<hbm>> -> memref<40x128xi32, #tpu.memory_space<hbm>>
          tpu.enqueue_dma source(%dma_start3A_35 : memref<40x128xi32, #tpu.memory_space<hbm>>) target(%arg7 : memref<40x128xi32, #tpu.memory_space<vmem>>) target_semaphore(%run_scoped3A : memref<!tpu.dma_semaphore, #tpu.memory_space<semaphore_mem>>)
          %dma_wait3A_36 = arith.constant 0 : i32
          %dma_wait3A_37 = tpu.memref_slice %arg3[%mul3A_19, %dma_wait3A_36] : memref<25000x128xi32, #tpu.memory_space<hbm>> -> memref<40x128xi32, #tpu.memory_space<hbm>>
          %dma_wait3A_38 = arith.constant 0 : i32
          %dma_wait3A_39 = tpu.memref_slice %arg3[%mul3A_19, %dma_wait3A_38] : memref<25000x128xi32, #tpu.memory_space<hbm>> -> memref<40x128xi32, #tpu.memory_space<hbm>>
          tpu.wait_dma2 semaphore(%run_scoped3A : memref<!tpu.dma_semaphore, #tpu.memory_space<semaphore_mem>>) src(%dma_wait3A_39 : memref<40x128xi32, #tpu.memory_space<hbm>>) dst(%arg7 : memref<40x128xi32, #tpu.memory_space<vmem>>)
          tpu.yield
        }) : () -> ()
        %scan3A_20 = arith.constant 0 : i32
        %scan3A_21 = arith.constant 0 : i32
        %scan3A_22 = arith.constant 5 : i32
        %scan3A_23 = arith.addi %scan3A_21, %scan3A_22 : i32
        %scan3A_24 = arith.constant 1 : i32
        scf.for %scan3A_33 = %scan3A_21 to %scan3A_23 step %scan3A_24  : i32 {
          %mul3A_34 = arith.constant 8 : i32
          %mul3A_35 = arith.muli %scan3A_33, %mul3A_34 : i32
          %add3A_36 = arith.constant 0 : i32
          %add3A_37 = arith.addi %mul3A_35, %add3A_36 : i32
          %dma_start3A = arith.constant 0 : i32
          %dma_start3A_38 = arith.constant 0 : i32
          %dma_start3A_39 = tpu.memref_slice %arg8[%add3A_37, %dma_start3A, %dma_start3A_38] : memref<40x128x16xf32, #tpu.memory_space<vmem>> -> memref<1x128x16xf32, #tpu.memory_space<vmem>>
          %dma_start3A_40 = tpu.memref_squeeze %dma_start3A_39 : memref<1x128x16xf32, #tpu.memory_space<vmem>> -> memref<128x16xf32, #tpu.memory_space<vmem>>
          %dma_start3A_41 = arith.constant 0 : i32
          %dma_start3A_42 = tpu.memref_slice %arg7[%add3A_37, %dma_start3A_41] : memref<40x128xi32, #tpu.memory_space<vmem>> -> memref<1x128xi32, #tpu.memory_space<vmem>>
          %dma_start3A_43 = tpu.memref_squeeze %dma_start3A_42 : memref<1x128xi32, #tpu.memory_space<vmem>> -> memref<128xi32, #tpu.memory_space<vmem>>
          %dma_start3A_44 = arith.constant 0 : i32
          %dma_start3A_45 = arith.constant 0 : i32
          %dma_start3A_46 = tpu.memref_slice %arg2[%dma_start3A_44, %dma_start3A_45] : memref<100000x16xf32, #tpu.memory_space<hbm>> -> memref<100000x16xf32, #tpu.memory_space<hbm>>
          tpu.enqueue_indirect_dma source(%dma_start3A_46 : memref<100000x16xf32, #tpu.memory_space<hbm>>) target(%dma_start3A_40 : memref<128x16xf32, #tpu.memory_space<vmem>>) offsets(%dma_start3A_43 : memref<128xi32, #tpu.memory_space<vmem>>) semaphore(%arg9 : memref<!tpu.dma_semaphore, #tpu.memory_space<semaphore_mem>>)
          %mul3A_47 = arith.constant 8 : i32
          %mul3A_48 = arith.muli %scan3A_33, %mul3A_47 : i32
          %add3A_49 = arith.constant 1 : i32
          %add3A_50 = arith.addi %mul3A_48, %add3A_49 : i32
          %dma_start3A_51 = arith.constant 0 : i32
          %dma_start3A_52 = arith.constant 0 : i32
          %dma_start3A_53 = tpu.memref_slice %arg8[%add3A_50, %dma_start3A_51, %dma_start3A_52] : memref<40x128x16xf32, #tpu.memory_space<vmem>> -> memref<1x128x16xf32, #tpu.memory_space<vmem>>
          %dma_start3A_54 = tpu.memref_squeeze %dma_start3A_53 : memref<1x128x16xf32, #tpu.memory_space<vmem>> -> memref<128x16xf32, #tpu.memory_space<vmem>>
          %dma_start3A_55 = arith.constant 0 : i32
          %dma_start3A_56 = tpu.memref_slice %arg7[%add3A_50, %dma_start3A_55] : memref<40x128xi32, #tpu.memory_space<vmem>> -> memref<1x128xi32, #tpu.memory_space<vmem>>
          %dma_start3A_57 = tpu.memref_squeeze %dma_start3A_56 : memref<1x128xi32, #tpu.memory_space<vmem>> -> memref<128xi32, #tpu.memory_space<vmem>>
          %dma_start3A_58 = arith.constant 0 : i32
          %dma_start3A_59 = arith.constant 0 : i32
          %dma_start3A_60 = tpu.memref_slice %arg2[%dma_start3A_58, %dma_start3A_59] : memref<100000x16xf32, #tpu.memory_space<hbm>> -> memref<100000x16xf32, #tpu.memory_space<hbm>>
          tpu.enqueue_indirect_dma source(%dma_start3A_60 : memref<100000x16xf32, #tpu.memory_space<hbm>>) target(%dma_start3A_54 : memref<128x16xf32, #tpu.memory_space<vmem>>) offsets(%dma_start3A_57 : memref<128xi32, #tpu.memory_space<vmem>>) semaphore(%arg9 : memref<!tpu.dma_semaphore, #tpu.memory_space<semaphore_mem>>)
          %mul3A_61 = arith.constant 8 : i32
          %mul3A_62 = arith.muli %scan3A_33, %mul3A_61 : i32
          %add3A_63 = arith.constant 2 : i32
          %add3A_64 = arith.addi %mul3A_62, %add3A_63 : i32
          %dma_start3A_65 = arith.constant 0 : i32
          %dma_start3A_66 = arith.constant 0 : i32
          %dma_start3A_67 = tpu.memref_slice %arg8[%add3A_64, %dma_start3A_65, %dma_start3A_66] : memref<40x128x16xf32, #tpu.memory_space<vmem>> -> memref<1x128x16xf32, #tpu.memory_space<vmem>>
          %dma_start3A_68 = tpu.memref_squeeze %dma_start3A_67 : memref<1x128x16xf32, #tpu.memory_space<vmem>> -> memref<128x16xf32, #tpu.memory_space<vmem>>
          %dma_start3A_69 = arith.constant 0 : i32
          %dma_start3A_70 = tpu.memref_slice %arg7[%add3A_64, %dma_start3A_69] : memref<40x128xi32, #tpu.memory_space<vmem>> -> memref<1x128xi32, #tpu.memory_space<vmem>>
          %dma_start3A_71 = tpu.memref_squeeze %dma_start3A_70 : memref<1x128xi32, #tpu.memory_space<vmem>> -> memref<128xi32, #tpu.memory_space<vmem>>
          %dma_start3A_72 = arith.constant 0 : i32
          %dma_start3A_73 = arith.constant 0 : i32
          %dma_start3A_74 = tpu.memref_slice %arg2[%dma_start3A_72, %dma_start3A_73] : memref<100000x16xf32, #tpu.memory_space<hbm>> -> memref<100000x16xf32, #tpu.memory_space<hbm>>
          tpu.enqueue_indirect_dma source(%dma_start3A_74 : memref<100000x16xf32, #tpu.memory_space<hbm>>) target(%dma_start3A_68 : memref<128x16xf32, #tpu.memory_space<vmem>>) offsets(%dma_start3A_71 : memref<128xi32, #tpu.memory_space<vmem>>) semaphore(%arg9 : memref<!tpu.dma_semaphore, #tpu.memory_space<semaphore_mem>>)
          %mul3A_75 = arith.constant 8 : i32
          %mul3A_76 = arith.muli %scan3A_33, %mul3A_75 : i32
          %add3A_77 = arith.constant 3 : i32
          %add3A_78 = arith.addi %mul3A_76, %add3A_77 : i32
          %dma_start3A_79 = arith.constant 0 : i32
          %dma_start3A_80 = arith.constant 0 : i32
          %dma_start3A_81 = tpu.memref_slice %arg8[%add3A_78, %dma_start3A_79, %dma_start3A_80] : memref<40x128x16xf32, #tpu.memory_space<vmem>> -> memref<1x128x16xf32, #tpu.memory_space<vmem>>
          %dma_start3A_82 = tpu.memref_squeeze %dma_start3A_81 : memref<1x128x16xf32, #tpu.memory_space<vmem>> -> memref<128x16xf32, #tpu.memory_space<vmem>>
          %dma_start3A_83 = arith.constant 0 : i32
          %dma_start3A_84 = tpu.memref_slice %arg7[%add3A_78, %dma_start3A_83] : memref<40x128xi32, #tpu.memory_space<vmem>> -> memref<1x128xi32, #tpu.memory_space<vmem>>
          %dma_start3A_85 = tpu.memref_squeeze %dma_start3A_84 : memref<1x128xi32, #tpu.memory_space<vmem>> -> memref<128xi32, #tpu.memory_space<vmem>>
          %dma_start3A_86 = arith.constant 0 : i32
          %dma_start3A_87 = arith.constant 0 : i32
          %dma_start3A_88 = tpu.memref_slice %arg2[%dma_start3A_86, %dma_start3A_87] : memref<100000x16xf32, #tpu.memory_space<hbm>> -> memref<100000x16xf32, #tpu.memory_space<hbm>>
          tpu.enqueue_indirect_dma source(%dma_start3A_88 : memref<100000x16xf32, #tpu.memory_space<hbm>>) target(%dma_start3A_82 : memref<128x16xf32, #tpu.memory_space<vmem>>) offsets(%dma_start3A_85 : memref<128xi32, #tpu.memory_space<vmem>>) semaphore(%arg9 : memref<!tpu.dma_semaphore, #tpu.memory_space<semaphore_mem>>)
          %mul3A_89 = arith.constant 8 : i32
          %mul3A_90 = arith.muli %scan3A_33, %mul3A_89 : i32
          %add3A_91 = arith.constant 4 : i32
          %add3A_92 = arith.addi %mul3A_90, %add3A_91 : i32
          %dma_start3A_93 = arith.constant 0 : i32
          %dma_start3A_94 = arith.constant 0 : i32
          %dma_start3A_95 = tpu.memref_slice %arg8[%add3A_92, %dma_start3A_93, %dma_start3A_94] : memref<40x128x16xf32, #tpu.memory_space<vmem>> -> memref<1x128x16xf32, #tpu.memory_space<vmem>>
          %dma_start3A_96 = tpu.memref_squeeze %dma_start3A_95 : memref<1x128x16xf32, #tpu.memory_space<vmem>> -> memref<128x16xf32, #tpu.memory_space<vmem>>
          %dma_start3A_97 = arith.constant 0 : i32
          %dma_start3A_98 = tpu.memref_slice %arg7[%add3A_92, %dma_start3A_97] : memref<40x128xi32, #tpu.memory_space<vmem>> -> memref<1x128xi32, #tpu.memory_space<vmem>>
          %dma_start3A_99 = tpu.memref_squeeze %dma_start3A_98 : memref<1x128xi32, #tpu.memory_space<vmem>> -> memref<128xi32, #tpu.memory_space<vmem>>
          %dma_start3A_100 = arith.constant 0 : i32
          %dma_start3A_101 = arith.constant 0 : i32
          %dma_start3A_102 = tpu.memref_slice %arg2[%dma_start3A_100, %dma_start3A_101] : memref<100000x16xf32, #tpu.memory_space<hbm>> -> memref<100000x16xf32, #tpu.memory_space<hbm>>
          tpu.enqueue_indirect_dma source(%dma_start3A_102 : memref<100000x16xf32, #tpu.memory_space<hbm>>) target(%dma_start3A_96 : memref<128x16xf32, #tpu.memory_space<vmem>>) offsets(%dma_start3A_99 : memref<128xi32, #tpu.memory_space<vmem>>) semaphore(%arg9 : memref<!tpu.dma_semaphore, #tpu.memory_space<semaphore_mem>>)
          %mul3A_103 = arith.constant 8 : i32
          %mul3A_104 = arith.muli %scan3A_33, %mul3A_103 : i32
          %add3A_105 = arith.constant 5 : i32
          %add3A_106 = arith.addi %mul3A_104, %add3A_105 : i32
          %dma_start3A_107 = arith.constant 0 : i32
          %dma_start3A_108 = arith.constant 0 : i32
          %dma_start3A_109 = tpu.memref_slice %arg8[%add3A_106, %dma_start3A_107, %dma_start3A_108] : memref<40x128x16xf32, #tpu.memory_space<vmem>> -> memref<1x128x16xf32, #tpu.memory_space<vmem>>
          %dma_start3A_110 = tpu.memref_squeeze %dma_start3A_109 : memref<1x128x16xf32, #tpu.memory_space<vmem>> -> memref<128x16xf32, #tpu.memory_space<vmem>>
          %dma_start3A_111 = arith.constant 0 : i32
          %dma_start3A_112 = tpu.memref_slice %arg7[%add3A_106, %dma_start3A_111] : memref<40x128xi32, #tpu.memory_space<vmem>> -> memref<1x128xi32, #tpu.memory_space<vmem>>
          %dma_start3A_113 = tpu.memref_squeeze %dma_start3A_112 : memref<1x128xi32, #tpu.memory_space<vmem>> -> memref<128xi32, #tpu.memory_space<vmem>>
          %dma_start3A_114 = arith.constant 0 : i32
          %dma_start3A_115 = arith.constant 0 : i32
          %dma_start3A_116 = tpu.memref_slice %arg2[%dma_start3A_114, %dma_start3A_115] : memref<100000x16xf32, #tpu.memory_space<hbm>> -> memref<100000x16xf32, #tpu.memory_space<hbm>>
          tpu.enqueue_indirect_dma source(%dma_start3A_116 : memref<100000x16xf32, #tpu.memory_space<hbm>>) target(%dma_start3A_110 : memref<128x16xf32, #tpu.memory_space<vmem>>) offsets(%dma_start3A_113 : memref<128xi32, #tpu.memory_space<vmem>>) semaphore(%arg9 : memref<!tpu.dma_semaphore, #tpu.memory_space<semaphore_mem>>)
          %mul3A_117 = arith.constant 8 : i32
          %mul3A_118 = arith.muli %scan3A_33, %mul3A_117 : i32
          %add3A_119 = arith.constant 6 : i32
          %add3A_120 = arith.addi %mul3A_118, %add3A_119 : i32
          %dma_start3A_121 = arith.constant 0 : i32
          %dma_start3A_122 = arith.constant 0 : i32
          %dma_start3A_123 = tpu.memref_slice %arg8[%add3A_120, %dma_start3A_121, %dma_start3A_122] : memref<40x128x16xf32, #tpu.memory_space<vmem>> -> memref<1x128x16xf32, #tpu.memory_space<vmem>>
          %dma_start3A_124 = tpu.memref_squeeze %dma_start3A_123 : memref<1x128x16xf32, #tpu.memory_space<vmem>> -> memref<128x16xf32, #tpu.memory_space<vmem>>
          %dma_start3A_125 = arith.constant 0 : i32
          %dma_start3A_126 = tpu.memref_slice %arg7[%add3A_120, %dma_start3A_125] : memref<40x128xi32, #tpu.memory_space<vmem>> -> memref<1x128xi32, #tpu.memory_space<vmem>>
          %dma_start3A_127 = tpu.memref_squeeze %dma_start3A_126 : memref<1x128xi32, #tpu.memory_space<vmem>> -> memref<128xi32, #tpu.memory_space<vmem>>
          %dma_start3A_128 = arith.constant 0 : i32
          %dma_start3A_129 = arith.constant 0 : i32
          %dma_start3A_130 = tpu.memref_slice %arg2[%dma_start3A_128, %dma_start3A_129] : memref<100000x16xf32, #tpu.memory_space<hbm>> -> memref<100000x16xf32, #tpu.memory_space<hbm>>
          tpu.enqueue_indirect_dma source(%dma_start3A_130 : memref<100000x16xf32, #tpu.memory_space<hbm>>) target(%dma_start3A_124 : memref<128x16xf32, #tpu.memory_space<vmem>>) offsets(%dma_start3A_127 : memref<128xi32, #tpu.memory_space<vmem>>) semaphore(%arg9 : memref<!tpu.dma_semaphore, #tpu.memory_space<semaphore_mem>>)
          %mul3A_131 = arith.constant 8 : i32
          %mul3A_132 = arith.muli %scan3A_33, %mul3A_131 : i32
          %add3A_133 = arith.constant 7 : i32
          %add3A_134 = arith.addi %mul3A_132, %add3A_133 : i32
          %dma_start3A_135 = arith.constant 0 : i32
          %dma_start3A_136 = arith.constant 0 : i32
          %dma_start3A_137 = tpu.memref_slice %arg8[%add3A_134, %dma_start3A_135, %dma_start3A_136] : memref<40x128x16xf32, #tpu.memory_space<vmem>> -> memref<1x128x16xf32, #tpu.memory_space<vmem>>
          %dma_start3A_138 = tpu.memref_squeeze %dma_start3A_137 : memref<1x128x16xf32, #tpu.memory_space<vmem>> -> memref<128x16xf32, #tpu.memory_space<vmem>>
          %dma_start3A_139 = arith.constant 0 : i32
          %dma_start3A_140 = tpu.memref_slice %arg7[%add3A_134, %dma_start3A_139] : memref<40x128xi32, #tpu.memory_space<vmem>> -> memref<1x128xi32, #tpu.memory_space<vmem>>
          %dma_start3A_141 = tpu.memref_squeeze %dma_start3A_140 : memref<1x128xi32, #tpu.memory_space<vmem>> -> memref<128xi32, #tpu.memory_space<vmem>>
          %dma_start3A_142 = arith.constant 0 : i32
          %dma_start3A_143 = arith.constant 0 : i32
          %dma_start3A_144 = tpu.memref_slice %arg2[%dma_start3A_142, %dma_start3A_143] : memref<100000x16xf32, #tpu.memory_space<hbm>> -> memref<100000x16xf32, #tpu.memory_space<hbm>>
          tpu.enqueue_indirect_dma source(%dma_start3A_144 : memref<100000x16xf32, #tpu.memory_space<hbm>>) target(%dma_start3A_138 : memref<128x16xf32, #tpu.memory_space<vmem>>) offsets(%dma_start3A_141 : memref<128xi32, #tpu.memory_space<vmem>>) semaphore(%arg9 : memref<!tpu.dma_semaphore, #tpu.memory_space<semaphore_mem>>)
        }
        %scan3A_25 = arith.constant 5 : i32
        %dma_wait3A = arith.constant 0 : i32
        %dma_wait3A_26 = arith.constant 0 : i32
        %dma_wait3A_27 = arith.constant 0 : i32
        %dma_wait3A_28 = tpu.memref_slice %arg5[%dma_wait3A, %dma_wait3A_26, %dma_wait3A_27] : memref<25000x128x16xf32, #tpu.memory_space<hbm>> -> memref<40x128x16xf32, #tpu.memory_space<hbm>>
        %dma_wait3A_29 = arith.constant 0 : i32
        %dma_wait3A_30 = arith.constant 0 : i32
        %dma_wait3A_31 = arith.constant 0 : i32
        %dma_wait3A_32 = tpu.memref_slice %arg5[%dma_wait3A_29, %dma_wait3A_30, %dma_wait3A_31] : memref<25000x128x16xf32, #tpu.memory_space<hbm>> -> memref<40x128x16xf32, #tpu.memory_space<hbm>>
        tpu.wait_dma2 semaphore(%arg9 : memref<!tpu.dma_semaphore, #tpu.memory_space<semaphore_mem>>) src(%dma_wait3A_32 : memref<40x128x16xf32, #tpu.memory_space<hbm>>) dst(%arg8 : memref<40x128x16xf32, #tpu.memory_space<vmem>>)
        "tpu.region"() ({
          %run_scoped3A = tpu.sem_alloc : memref<!tpu.dma_semaphore, #tpu.memory_space<semaphore_mem>>
          %dma_start3A = arith.constant 0 : i32
          %dma_start3A_33 = arith.constant 0 : i32
          %dma_start3A_34 = tpu.memref_slice %arg5[%mul3A_19, %dma_start3A, %dma_start3A_33] : memref<25000x128x16xf32, #tpu.memory_space<hbm>> -> memref<40x128x16xf32, #tpu.memory_space<hbm>>
          %dma_start3A_35 = arith.constant 0 : i32
          %dma_start3A_36 = arith.constant 0 : i32
          %dma_start3A_37 = tpu.memref_slice %arg5[%mul3A_19, %dma_start3A_35, %dma_start3A_36] : memref<25000x128x16xf32, #tpu.memory_space<hbm>> -> memref<40x128x16xf32, #tpu.memory_space<hbm>>
          tpu.enqueue_dma source(%arg8 : memref<40x128x16xf32, #tpu.memory_space<vmem>>) target(%dma_start3A_37 : memref<40x128x16xf32, #tpu.memory_space<hbm>>) target_semaphore(%run_scoped3A : memref<!tpu.dma_semaphore, #tpu.memory_space<semaphore_mem>>)
          %dma_wait3A_38 = arith.constant 0 : i32
          %dma_wait3A_39 = arith.constant 0 : i32
          %dma_wait3A_40 = tpu.memref_slice %arg5[%mul3A_19, %dma_wait3A_38, %dma_wait3A_39] : memref<25000x128x16xf32, #tpu.memory_space<hbm>> -> memref<40x128x16xf32, #tpu.memory_space<hbm>>
          %dma_wait3A_41 = arith.constant 0 : i32
          %dma_wait3A_42 = arith.constant 0 : i32
          %dma_wait3A_43 = tpu.memref_slice %arg5[%mul3A_19, %dma_wait3A_41, %dma_wait3A_42] : memref<25000x128x16xf32, #tpu.memory_space<hbm>> -> memref<40x128x16xf32, #tpu.memory_space<hbm>>
          tpu.wait_dma2 semaphore(%run_scoped3A : memref<!tpu.dma_semaphore, #tpu.memory_space<semaphore_mem>>) src(%arg8 : memref<40x128x16xf32, #tpu.memory_space<vmem>>) dst(%dma_wait3A_43 : memref<40x128x16xf32, #tpu.memory_space<hbm>>)
          tpu.yield
        }) : () -> ()
      } else {
      }
    }
    %scan3A_5 = arith.constant 20 : i32
    %scan3A_6 = arith.constant 0 : i32
    %scan3A_7 = arith.constant 0 : i32
    %scan3A_8 = arith.constant 20 : i32
    %scan3A_9 = arith.addi %scan3A_7, %scan3A_8 : i32
    %scan3A_10 = arith.constant 1 : i32
    scf.for %scan3A_12 = %scan3A_7 to %scan3A_9 step %scan3A_10  : i32 {
      %mul3A_13 = arith.constant 32 : i32
      %mul3A_14 = arith.muli %mul3A_13, %scan3A_12 : i32
      %add3A_15 = arith.addi %add3A, %mul3A_14 : i32
      %lt3A = arith.constant 625 : i32
      %lt3A_16 = arith.cmpi slt, %add3A_15, %lt3A : i32
      %convert_element_type3A = arith.extui %lt3A_16 : i1 to i32
      %cond3A = arith.constant 0 : i32
      %cond3A_17 = arith.cmpi ne, %convert_element_type3A, %cond3A : i32
      scf.if %cond3A_17 {
        %mul3A_18 = arith.constant 40 : i32
        %mul3A_19 = arith.muli %add3A_15, %mul3A_18 : i32
        "tpu.region"() ({
          %run_scoped3A = tpu.sem_alloc : memref<!tpu.dma_semaphore, #tpu.memory_space<semaphore_mem>>
          %dma_start3A = arith.constant 0 : i32
          %dma_start3A_33 = tpu.memref_slice %arg4[%mul3A_19, %dma_start3A] : memref<25000x128xi32, #tpu.memory_space<hbm>> -> memref<40x128xi32, #tpu.memory_space<hbm>>
          %dma_start3A_34 = arith.constant 0 : i32
          %dma_start3A_35 = tpu.memref_slice %arg4[%mul3A_19, %dma_start3A_34] : memref<25000x128xi32, #tpu.memory_space<hbm>> -> memref<40x128xi32, #tpu.memory_space<hbm>>
          tpu.enqueue_dma source(%dma_start3A_35 : memref<40x128xi32, #tpu.memory_space<hbm>>) target(%arg7 : memref<40x128xi32, #tpu.memory_space<vmem>>) target_semaphore(%run_scoped3A : memref<!tpu.dma_semaphore, #tpu.memory_space<semaphore_mem>>)
          %dma_wait3A_36 = arith.constant 0 : i32
          %dma_wait3A_37 = tpu.memref_slice %arg4[%mul3A_19, %dma_wait3A_36] : memref<25000x128xi32, #tpu.memory_space<hbm>> -> memref<40x128xi32, #tpu.memory_space<hbm>>
          %dma_wait3A_38 = arith.constant 0 : i32
          %dma_wait3A_39 = tpu.memref_slice %arg4[%mul3A_19, %dma_wait3A_38] : memref<25000x128xi32, #tpu.memory_space<hbm>> -> memref<40x128xi32, #tpu.memory_space<hbm>>
          tpu.wait_dma2 semaphore(%run_scoped3A : memref<!tpu.dma_semaphore, #tpu.memory_space<semaphore_mem>>) src(%dma_wait3A_39 : memref<40x128xi32, #tpu.memory_space<hbm>>) dst(%arg7 : memref<40x128xi32, #tpu.memory_space<vmem>>)
          tpu.yield
        }) : () -> ()
        %scan3A_20 = arith.constant 0 : i32
        %scan3A_21 = arith.constant 0 : i32
        %scan3A_22 = arith.constant 5 : i32
        %scan3A_23 = arith.addi %scan3A_21, %scan3A_22 : i32
        %scan3A_24 = arith.constant 1 : i32
        scf.for %scan3A_33 = %scan3A_21 to %scan3A_23 step %scan3A_24  : i32 {
          %mul3A_34 = arith.constant 8 : i32
          %mul3A_35 = arith.muli %scan3A_33, %mul3A_34 : i32
          %add3A_36 = arith.constant 0 : i32
          %add3A_37 = arith.addi %mul3A_35, %add3A_36 : i32
          %dma_start3A = arith.constant 0 : i32
          %dma_start3A_38 = arith.constant 0 : i32
          %dma_start3A_39 = tpu.memref_slice %arg8[%add3A_37, %dma_start3A, %dma_start3A_38] : memref<40x128x16xf32, #tpu.memory_space<vmem>> -> memref<1x128x16xf32, #tpu.memory_space<vmem>>
          %dma_start3A_40 = tpu.memref_squeeze %dma_start3A_39 : memref<1x128x16xf32, #tpu.memory_space<vmem>> -> memref<128x16xf32, #tpu.memory_space<vmem>>
          %dma_start3A_41 = arith.constant 0 : i32
          %dma_start3A_42 = tpu.memref_slice %arg7[%add3A_37, %dma_start3A_41] : memref<40x128xi32, #tpu.memory_space<vmem>> -> memref<1x128xi32, #tpu.memory_space<vmem>>
          %dma_start3A_43 = tpu.memref_squeeze %dma_start3A_42 : memref<1x128xi32, #tpu.memory_space<vmem>> -> memref<128xi32, #tpu.memory_space<vmem>>
          %dma_start3A_44 = arith.constant 0 : i32
          %dma_start3A_45 = arith.constant 0 : i32
          %dma_start3A_46 = tpu.memref_slice %arg2[%dma_start3A_44, %dma_start3A_45] : memref<100000x16xf32, #tpu.memory_space<hbm>> -> memref<100000x16xf32, #tpu.memory_space<hbm>>
          tpu.enqueue_indirect_dma source(%dma_start3A_46 : memref<100000x16xf32, #tpu.memory_space<hbm>>) target(%dma_start3A_40 : memref<128x16xf32, #tpu.memory_space<vmem>>) offsets(%dma_start3A_43 : memref<128xi32, #tpu.memory_space<vmem>>) semaphore(%arg9 : memref<!tpu.dma_semaphore, #tpu.memory_space<semaphore_mem>>)
          %mul3A_47 = arith.constant 8 : i32
          %mul3A_48 = arith.muli %scan3A_33, %mul3A_47 : i32
          %add3A_49 = arith.constant 1 : i32
          %add3A_50 = arith.addi %mul3A_48, %add3A_49 : i32
          %dma_start3A_51 = arith.constant 0 : i32
          %dma_start3A_52 = arith.constant 0 : i32
          %dma_start3A_53 = tpu.memref_slice %arg8[%add3A_50, %dma_start3A_51, %dma_start3A_52] : memref<40x128x16xf32, #tpu.memory_space<vmem>> -> memref<1x128x16xf32, #tpu.memory_space<vmem>>
          %dma_start3A_54 = tpu.memref_squeeze %dma_start3A_53 : memref<1x128x16xf32, #tpu.memory_space<vmem>> -> memref<128x16xf32, #tpu.memory_space<vmem>>
          %dma_start3A_55 = arith.constant 0 : i32
          %dma_start3A_56 = tpu.memref_slice %arg7[%add3A_50, %dma_start3A_55] : memref<40x128xi32, #tpu.memory_space<vmem>> -> memref<1x128xi32, #tpu.memory_space<vmem>>
          %dma_start3A_57 = tpu.memref_squeeze %dma_start3A_56 : memref<1x128xi32, #tpu.memory_space<vmem>> -> memref<128xi32, #tpu.memory_space<vmem>>
          %dma_start3A_58 = arith.constant 0 : i32
          %dma_start3A_59 = arith.constant 0 : i32
          %dma_start3A_60 = tpu.memref_slice %arg2[%dma_start3A_58, %dma_start3A_59] : memref<100000x16xf32, #tpu.memory_space<hbm>> -> memref<100000x16xf32, #tpu.memory_space<hbm>>
          tpu.enqueue_indirect_dma source(%dma_start3A_60 : memref<100000x16xf32, #tpu.memory_space<hbm>>) target(%dma_start3A_54 : memref<128x16xf32, #tpu.memory_space<vmem>>) offsets(%dma_start3A_57 : memref<128xi32, #tpu.memory_space<vmem>>) semaphore(%arg9 : memref<!tpu.dma_semaphore, #tpu.memory_space<semaphore_mem>>)
          %mul3A_61 = arith.constant 8 : i32
          %mul3A_62 = arith.muli %scan3A_33, %mul3A_61 : i32
          %add3A_63 = arith.constant 2 : i32
          %add3A_64 = arith.addi %mul3A_62, %add3A_63 : i32
          %dma_start3A_65 = arith.constant 0 : i32
          %dma_start3A_66 = arith.constant 0 : i32
          %dma_start3A_67 = tpu.memref_slice %arg8[%add3A_64, %dma_start3A_65, %dma_start3A_66] : memref<40x128x16xf32, #tpu.memory_space<vmem>> -> memref<1x128x16xf32, #tpu.memory_space<vmem>>
          %dma_start3A_68 = tpu.memref_squeeze %dma_start3A_67 : memref<1x128x16xf32, #tpu.memory_space<vmem>> -> memref<128x16xf32, #tpu.memory_space<vmem>>
          %dma_start3A_69 = arith.constant 0 : i32
          %dma_start3A_70 = tpu.memref_slice %arg7[%add3A_64, %dma_start3A_69] : memref<40x128xi32, #tpu.memory_space<vmem>> -> memref<1x128xi32, #tpu.memory_space<vmem>>
          %dma_start3A_71 = tpu.memref_squeeze %dma_start3A_70 : memref<1x128xi32, #tpu.memory_space<vmem>> -> memref<128xi32, #tpu.memory_space<vmem>>
          %dma_start3A_72 = arith.constant 0 : i32
          %dma_start3A_73 = arith.constant 0 : i32
          %dma_start3A_74 = tpu.memref_slice %arg2[%dma_start3A_72, %dma_start3A_73] : memref<100000x16xf32, #tpu.memory_space<hbm>> -> memref<100000x16xf32, #tpu.memory_space<hbm>>
          tpu.enqueue_indirect_dma source(%dma_start3A_74 : memref<100000x16xf32, #tpu.memory_space<hbm>>) target(%dma_start3A_68 : memref<128x16xf32, #tpu.memory_space<vmem>>) offsets(%dma_start3A_71 : memref<128xi32, #tpu.memory_space<vmem>>) semaphore(%arg9 : memref<!tpu.dma_semaphore, #tpu.memory_space<semaphore_mem>>)
          %mul3A_75 = arith.constant 8 : i32
          %mul3A_76 = arith.muli %scan3A_33, %mul3A_75 : i32
          %add3A_77 = arith.constant 3 : i32
          %add3A_78 = arith.addi %mul3A_76, %add3A_77 : i32
          %dma_start3A_79 = arith.constant 0 : i32
          %dma_start3A_80 = arith.constant 0 : i32
          %dma_start3A_81 = tpu.memref_slice %arg8[%add3A_78, %dma_start3A_79, %dma_start3A_80] : memref<40x128x16xf32, #tpu.memory_space<vmem>> -> memref<1x128x16xf32, #tpu.memory_space<vmem>>
          %dma_start3A_82 = tpu.memref_squeeze %dma_start3A_81 : memref<1x128x16xf32, #tpu.memory_space<vmem>> -> memref<128x16xf32, #tpu.memory_space<vmem>>
          %dma_start3A_83 = arith.constant 0 : i32
          %dma_start3A_84 = tpu.memref_slice %arg7[%add3A_78, %dma_start3A_83] : memref<40x128xi32, #tpu.memory_space<vmem>> -> memref<1x128xi32, #tpu.memory_space<vmem>>
          %dma_start3A_85 = tpu.memref_squeeze %dma_start3A_84 : memref<1x128xi32, #tpu.memory_space<vmem>> -> memref<128xi32, #tpu.memory_space<vmem>>
          %dma_start3A_86 = arith.constant 0 : i32
          %dma_start3A_87 = arith.constant 0 : i32
          %dma_start3A_88 = tpu.memref_slice %arg2[%dma_start3A_86, %dma_start3A_87] : memref<100000x16xf32, #tpu.memory_space<hbm>> -> memref<100000x16xf32, #tpu.memory_space<hbm>>
          tpu.enqueue_indirect_dma source(%dma_start3A_88 : memref<100000x16xf32, #tpu.memory_space<hbm>>) target(%dma_start3A_82 : memref<128x16xf32, #tpu.memory_space<vmem>>) offsets(%dma_start3A_85 : memref<128xi32, #tpu.memory_space<vmem>>) semaphore(%arg9 : memref<!tpu.dma_semaphore, #tpu.memory_space<semaphore_mem>>)
          %mul3A_89 = arith.constant 8 : i32
          %mul3A_90 = arith.muli %scan3A_33, %mul3A_89 : i32
          %add3A_91 = arith.constant 4 : i32
          %add3A_92 = arith.addi %mul3A_90, %add3A_91 : i32
          %dma_start3A_93 = arith.constant 0 : i32
          %dma_start3A_94 = arith.constant 0 : i32
          %dma_start3A_95 = tpu.memref_slice %arg8[%add3A_92, %dma_start3A_93, %dma_start3A_94] : memref<40x128x16xf32, #tpu.memory_space<vmem>> -> memref<1x128x16xf32, #tpu.memory_space<vmem>>
          %dma_start3A_96 = tpu.memref_squeeze %dma_start3A_95 : memref<1x128x16xf32, #tpu.memory_space<vmem>> -> memref<128x16xf32, #tpu.memory_space<vmem>>
          %dma_start3A_97 = arith.constant 0 : i32
          %dma_start3A_98 = tpu.memref_slice %arg7[%add3A_92, %dma_start3A_97] : memref<40x128xi32, #tpu.memory_space<vmem>> -> memref<1x128xi32, #tpu.memory_space<vmem>>
          %dma_start3A_99 = tpu.memref_squeeze %dma_start3A_98 : memref<1x128xi32, #tpu.memory_space<vmem>> -> memref<128xi32, #tpu.memory_space<vmem>>
          %dma_start3A_100 = arith.constant 0 : i32
          %dma_start3A_101 = arith.constant 0 : i32
          %dma_start3A_102 = tpu.memref_slice %arg2[%dma_start3A_100, %dma_start3A_101] : memref<100000x16xf32, #tpu.memory_space<hbm>> -> memref<100000x16xf32, #tpu.memory_space<hbm>>
          tpu.enqueue_indirect_dma source(%dma_start3A_102 : memref<100000x16xf32, #tpu.memory_space<hbm>>) target(%dma_start3A_96 : memref<128x16xf32, #tpu.memory_space<vmem>>) offsets(%dma_start3A_99 : memref<128xi32, #tpu.memory_space<vmem>>) semaphore(%arg9 : memref<!tpu.dma_semaphore, #tpu.memory_space<semaphore_mem>>)
          %mul3A_103 = arith.constant 8 : i32
          %mul3A_104 = arith.muli %scan3A_33, %mul3A_103 : i32
          %add3A_105 = arith.constant 5 : i32
          %add3A_106 = arith.addi %mul3A_104, %add3A_105 : i32
          %dma_start3A_107 = arith.constant 0 : i32
          %dma_start3A_108 = arith.constant 0 : i32
          %dma_start3A_109 = tpu.memref_slice %arg8[%add3A_106, %dma_start3A_107, %dma_start3A_108] : memref<40x128x16xf32, #tpu.memory_space<vmem>> -> memref<1x128x16xf32, #tpu.memory_space<vmem>>
          %dma_start3A_110 = tpu.memref_squeeze %dma_start3A_109 : memref<1x128x16xf32, #tpu.memory_space<vmem>> -> memref<128x16xf32, #tpu.memory_space<vmem>>
          %dma_start3A_111 = arith.constant 0 : i32
          %dma_start3A_112 = tpu.memref_slice %arg7[%add3A_106, %dma_start3A_111] : memref<40x128xi32, #tpu.memory_space<vmem>> -> memref<1x128xi32, #tpu.memory_space<vmem>>
          %dma_start3A_113 = tpu.memref_squeeze %dma_start3A_112 : memref<1x128xi32, #tpu.memory_space<vmem>> -> memref<128xi32, #tpu.memory_space<vmem>>
          %dma_start3A_114 = arith.constant 0 : i32
          %dma_start3A_115 = arith.constant 0 : i32
          %dma_start3A_116 = tpu.memref_slice %arg2[%dma_start3A_114, %dma_start3A_115] : memref<100000x16xf32, #tpu.memory_space<hbm>> -> memref<100000x16xf32, #tpu.memory_space<hbm>>
          tpu.enqueue_indirect_dma source(%dma_start3A_116 : memref<100000x16xf32, #tpu.memory_space<hbm>>) target(%dma_start3A_110 : memref<128x16xf32, #tpu.memory_space<vmem>>) offsets(%dma_start3A_113 : memref<128xi32, #tpu.memory_space<vmem>>) semaphore(%arg9 : memref<!tpu.dma_semaphore, #tpu.memory_space<semaphore_mem>>)
          %mul3A_117 = arith.constant 8 : i32
          %mul3A_118 = arith.muli %scan3A_33, %mul3A_117 : i32
          %add3A_119 = arith.constant 6 : i32
          %add3A_120 = arith.addi %mul3A_118, %add3A_119 : i32
          %dma_start3A_121 = arith.constant 0 : i32
          %dma_start3A_122 = arith.constant 0 : i32
          %dma_start3A_123 = tpu.memref_slice %arg8[%add3A_120, %dma_start3A_121, %dma_start3A_122] : memref<40x128x16xf32, #tpu.memory_space<vmem>> -> memref<1x128x16xf32, #tpu.memory_space<vmem>>
          %dma_start3A_124 = tpu.memref_squeeze %dma_start3A_123 : memref<1x128x16xf32, #tpu.memory_space<vmem>> -> memref<128x16xf32, #tpu.memory_space<vmem>>
          %dma_start3A_125 = arith.constant 0 : i32
          %dma_start3A_126 = tpu.memref_slice %arg7[%add3A_120, %dma_start3A_125] : memref<40x128xi32, #tpu.memory_space<vmem>> -> memref<1x128xi32, #tpu.memory_space<vmem>>
          %dma_start3A_127 = tpu.memref_squeeze %dma_start3A_126 : memref<1x128xi32, #tpu.memory_space<vmem>> -> memref<128xi32, #tpu.memory_space<vmem>>
          %dma_start3A_128 = arith.constant 0 : i32
          %dma_start3A_129 = arith.constant 0 : i32
          %dma_start3A_130 = tpu.memref_slice %arg2[%dma_start3A_128, %dma_start3A_129] : memref<100000x16xf32, #tpu.memory_space<hbm>> -> memref<100000x16xf32, #tpu.memory_space<hbm>>
          tpu.enqueue_indirect_dma source(%dma_start3A_130 : memref<100000x16xf32, #tpu.memory_space<hbm>>) target(%dma_start3A_124 : memref<128x16xf32, #tpu.memory_space<vmem>>) offsets(%dma_start3A_127 : memref<128xi32, #tpu.memory_space<vmem>>) semaphore(%arg9 : memref<!tpu.dma_semaphore, #tpu.memory_space<semaphore_mem>>)
          %mul3A_131 = arith.constant 8 : i32
          %mul3A_132 = arith.muli %scan3A_33, %mul3A_131 : i32
          %add3A_133 = arith.constant 7 : i32
          %add3A_134 = arith.addi %mul3A_132, %add3A_133 : i32
          %dma_start3A_135 = arith.constant 0 : i32
          %dma_start3A_136 = arith.constant 0 : i32
          %dma_start3A_137 = tpu.memref_slice %arg8[%add3A_134, %dma_start3A_135, %dma_start3A_136] : memref<40x128x16xf32, #tpu.memory_space<vmem>> -> memref<1x128x16xf32, #tpu.memory_space<vmem>>
          %dma_start3A_138 = tpu.memref_squeeze %dma_start3A_137 : memref<1x128x16xf32, #tpu.memory_space<vmem>> -> memref<128x16xf32, #tpu.memory_space<vmem>>
          %dma_start3A_139 = arith.constant 0 : i32
          %dma_start3A_140 = tpu.memref_slice %arg7[%add3A_134, %dma_start3A_139] : memref<40x128xi32, #tpu.memory_space<vmem>> -> memref<1x128xi32, #tpu.memory_space<vmem>>
          %dma_start3A_141 = tpu.memref_squeeze %dma_start3A_140 : memref<1x128xi32, #tpu.memory_space<vmem>> -> memref<128xi32, #tpu.memory_space<vmem>>
          %dma_start3A_142 = arith.constant 0 : i32
          %dma_start3A_143 = arith.constant 0 : i32
          %dma_start3A_144 = tpu.memref_slice %arg2[%dma_start3A_142, %dma_start3A_143] : memref<100000x16xf32, #tpu.memory_space<hbm>> -> memref<100000x16xf32, #tpu.memory_space<hbm>>
          tpu.enqueue_indirect_dma source(%dma_start3A_144 : memref<100000x16xf32, #tpu.memory_space<hbm>>) target(%dma_start3A_138 : memref<128x16xf32, #tpu.memory_space<vmem>>) offsets(%dma_start3A_141 : memref<128xi32, #tpu.memory_space<vmem>>) semaphore(%arg9 : memref<!tpu.dma_semaphore, #tpu.memory_space<semaphore_mem>>)
        }
        %scan3A_25 = arith.constant 5 : i32
        %dma_wait3A = arith.constant 0 : i32
        %dma_wait3A_26 = arith.constant 0 : i32
        %dma_wait3A_27 = arith.constant 0 : i32
        %dma_wait3A_28 = tpu.memref_slice %arg6[%dma_wait3A, %dma_wait3A_26, %dma_wait3A_27] : memref<25000x128x16xf32, #tpu.memory_space<hbm>> -> memref<40x128x16xf32, #tpu.memory_space<hbm>>
        %dma_wait3A_29 = arith.constant 0 : i32
        %dma_wait3A_30 = arith.constant 0 : i32
        %dma_wait3A_31 = arith.constant 0 : i32
        %dma_wait3A_32 = tpu.memref_slice %arg6[%dma_wait3A_29, %dma_wait3A_30, %dma_wait3A_31] : memref<25000x128x16xf32, #tpu.memory_space<hbm>> -> memref<40x128x16xf32, #tpu.memory_space<hbm>>
        tpu.wait_dma2 semaphore(%arg9 : memref<!tpu.dma_semaphore, #tpu.memory_space<semaphore_mem>>) src(%dma_wait3A_32 : memref<40x128x16xf32, #tpu.memory_space<hbm>>) dst(%arg8 : memref<40x128x16xf32, #tpu.memory_space<vmem>>)
        "tpu.region"() ({
          %run_scoped3A = tpu.sem_alloc : memref<!tpu.dma_semaphore, #tpu.memory_space<semaphore_mem>>
          %dma_start3A = arith.constant 0 : i32
          %dma_start3A_33 = arith.constant 0 : i32
          %dma_start3A_34 = tpu.memref_slice %arg6[%mul3A_19, %dma_start3A, %dma_start3A_33] : memref<25000x128x16xf32, #tpu.memory_space<hbm>> -> memref<40x128x16xf32, #tpu.memory_space<hbm>>
          %dma_start3A_35 = arith.constant 0 : i32
          %dma_start3A_36 = arith.constant 0 : i32
          %dma_start3A_37 = tpu.memref_slice %arg6[%mul3A_19, %dma_start3A_35, %dma_start3A_36] : memref<25000x128x16xf32, #tpu.memory_space<hbm>> -> memref<40x128x16xf32, #tpu.memory_space<hbm>>
          tpu.enqueue_dma source(%arg8 : memref<40x128x16xf32, #tpu.memory_space<vmem>>) target(%dma_start3A_37 : memref<40x128x16xf32, #tpu.memory_space<hbm>>) target_semaphore(%run_scoped3A : memref<!tpu.dma_semaphore, #tpu.memory_space<semaphore_mem>>)
          %dma_wait3A_38 = arith.constant 0 : i32
          %dma_wait3A_39 = arith.constant 0 : i32
          %dma_wait3A_40 = tpu.memref_slice %arg6[%mul3A_19, %dma_wait3A_38, %dma_wait3A_39] : memref<25000x128x16xf32, #tpu.memory_space<hbm>> -> memref<40x128x16xf32, #tpu.memory_space<hbm>>
          %dma_wait3A_41 = arith.constant 0 : i32
          %dma_wait3A_42 = arith.constant 0 : i32
          %dma_wait3A_43 = tpu.memref_slice %arg6[%mul3A_19, %dma_wait3A_41, %dma_wait3A_42] : memref<25000x128x16xf32, #tpu.memory_space<hbm>> -> memref<40x128x16xf32, #tpu.memory_space<hbm>>
          tpu.wait_dma2 semaphore(%run_scoped3A : memref<!tpu.dma_semaphore, #tpu.memory_space<semaphore_mem>>) src(%arg8 : memref<40x128x16xf32, #tpu.memory_space<vmem>>) dst(%dma_wait3A_43 : memref<40x128x16xf32, #tpu.memory_space<hbm>>)
          tpu.yield
        }) : () -> ()
      } else {
      }
    }
    %scan3A_11 = arith.constant 20 : i32
    return
  }
}

#map = affine_map<(d0, d1) -> (0, 0, 0)>
#map1 = affine_map<(d0, d1) -> (0, 0)>
module attributes {stable_mosaic.version = 14 : i64} {
  func.func @sk(%arg0: i32, %arg1: i32, %arg2: memref<25000x128x8xf32, #tpu.memory_space<hbm>>, %arg3: memref<25000x128xi32, #tpu.memory_space<hbm>>, %arg4: memref<100096x8xf32, #tpu.memory_space<hbm>>, %arg5: memref<2x100096x8xf32, #tpu.memory_space<hbm>>, %arg6: memref<40x128xi32, #tpu.memory_space<vmem>>, %arg7: memref<40x128x8xf32, #tpu.memory_space<vmem>>, %arg8: memref<!tpu.dma_semaphore, #tpu.memory_space<semaphore_mem>>, %arg9: memref<100096x8xf32, #tpu.memory_space<vmem_shared>>) attributes {dimension_semantics = [#tpu.dimension_semantics<core_parallel>, #tpu.dimension_semantics<subcore_parallel>], iteration_bounds = array<i64: 2, 16>, scalar_prefetch = 0 : i64, scratch_operands = 4 : i64, tpu.core_type = #tpu.core_type<sc_vector_subcore>, window_params = [{transform_indices = #map}, {transform_indices = #map1}, {transform_indices = #map1}, {transform_indices = #map}]} {
    %mul3A = arith.constant 2 : i32
    %mul3A_0 = arith.muli %arg1, %mul3A : i32
    %add3A = arith.addi %mul3A_0, %arg0 : i32
    %mul3A_1 = arith.constant 6256 : i32
    %mul3A_2 = arith.muli %arg1, %mul3A_1 : i32
    %mul3A_3 = arith.constant 6256 : i32
    %mul3A_4 = arith.muli %arg1, %mul3A_3 : i32
    "tpu.region"() ({
      %run_scoped3A = tpu.sem_alloc : memref<!tpu.dma_semaphore, #tpu.memory_space<semaphore_mem>>
      %dma_start3A = arith.constant 0 : i32
      %dma_start3A_15 = tpu.memref_slice %arg9[%mul3A_4, %dma_start3A] : memref<100096x8xf32, #tpu.memory_space<vmem_shared>> -> memref<6256x8xf32, #tpu.memory_space<vmem_shared>>
      %dma_start3A_16 = arith.constant 0 : i32
      %dma_start3A_17 = tpu.memref_slice %arg4[%mul3A_2, %dma_start3A_16] : memref<100096x8xf32, #tpu.memory_space<hbm>> -> memref<6256x8xf32, #tpu.memory_space<hbm>>
      tpu.enqueue_dma source(%dma_start3A_17 : memref<6256x8xf32, #tpu.memory_space<hbm>>) target(%dma_start3A_15 : memref<6256x8xf32, #tpu.memory_space<vmem_shared>>) target_semaphore(%run_scoped3A : memref<!tpu.dma_semaphore, #tpu.memory_space<semaphore_mem>>)
      %dma_wait3A = arith.constant 0 : i32
      %dma_wait3A_18 = tpu.memref_slice %arg9[%mul3A_4, %dma_wait3A] : memref<100096x8xf32, #tpu.memory_space<vmem_shared>> -> memref<6256x8xf32, #tpu.memory_space<vmem_shared>>
      %dma_wait3A_19 = arith.constant 0 : i32
      %dma_wait3A_20 = tpu.memref_slice %arg4[%mul3A_2, %dma_wait3A_19] : memref<100096x8xf32, #tpu.memory_space<hbm>> -> memref<6256x8xf32, #tpu.memory_space<hbm>>
      tpu.wait_dma2 semaphore(%run_scoped3A : memref<!tpu.dma_semaphore, #tpu.memory_space<semaphore_mem>>) src(%dma_wait3A_20 : memref<6256x8xf32, #tpu.memory_space<hbm>>) dst(%dma_wait3A_18 : memref<6256x8xf32, #tpu.memory_space<vmem_shared>>)
      tpu.yield
    }) : () -> ()
    %barrier3A = arith.constant 0 : index
    tpu.barrier barrier_id(%barrier3A)
    %scan3A = arith.constant 0 : i32
    %scan3A_5 = arith.constant 0 : i32
    %scan3A_6 = arith.constant 20 : i32
    %scan3A_7 = arith.addi %scan3A_5, %scan3A_6 : i32
    %scan3A_8 = arith.constant 1 : i32
    scf.for %scan3A_15 = %scan3A_5 to %scan3A_7 step %scan3A_8  : i32 {
      %mul3A_16 = arith.constant 32 : i32
      %mul3A_17 = arith.muli %mul3A_16, %scan3A_15 : i32
      %add3A_18 = arith.addi %add3A, %mul3A_17 : i32
      %lt3A = arith.constant 625 : i32
      %lt3A_19 = arith.cmpi slt, %add3A_18, %lt3A : i32
      %convert_element_type3A = arith.extui %lt3A_19 : i1 to i32
      %cond3A = arith.constant 0 : i32
      %cond3A_20 = arith.cmpi ne, %convert_element_type3A, %cond3A : i32
      scf.if %cond3A_20 {
        %mul3A_21 = arith.constant 40 : i32
        %mul3A_22 = arith.muli %add3A_18, %mul3A_21 : i32
        "tpu.region"() ({
          %run_scoped3A = tpu.sem_alloc : memref<!tpu.dma_semaphore, #tpu.memory_space<semaphore_mem>>
          %dma_start3A = arith.constant 0 : i32
          %dma_start3A_36 = tpu.memref_slice %arg3[%mul3A_22, %dma_start3A] : memref<25000x128xi32, #tpu.memory_space<hbm>> -> memref<40x128xi32, #tpu.memory_space<hbm>>
          %dma_start3A_37 = arith.constant 0 : i32
          %dma_start3A_38 = tpu.memref_slice %arg3[%mul3A_22, %dma_start3A_37] : memref<25000x128xi32, #tpu.memory_space<hbm>> -> memref<40x128xi32, #tpu.memory_space<hbm>>
          tpu.enqueue_dma source(%dma_start3A_38 : memref<40x128xi32, #tpu.memory_space<hbm>>) target(%arg6 : memref<40x128xi32, #tpu.memory_space<vmem>>) target_semaphore(%run_scoped3A : memref<!tpu.dma_semaphore, #tpu.memory_space<semaphore_mem>>)
          %dma_wait3A_39 = arith.constant 0 : i32
          %dma_wait3A_40 = tpu.memref_slice %arg3[%mul3A_22, %dma_wait3A_39] : memref<25000x128xi32, #tpu.memory_space<hbm>> -> memref<40x128xi32, #tpu.memory_space<hbm>>
          %dma_wait3A_41 = arith.constant 0 : i32
          %dma_wait3A_42 = tpu.memref_slice %arg3[%mul3A_22, %dma_wait3A_41] : memref<25000x128xi32, #tpu.memory_space<hbm>> -> memref<40x128xi32, #tpu.memory_space<hbm>>
          tpu.wait_dma2 semaphore(%run_scoped3A : memref<!tpu.dma_semaphore, #tpu.memory_space<semaphore_mem>>) src(%dma_wait3A_42 : memref<40x128xi32, #tpu.memory_space<hbm>>) dst(%arg6 : memref<40x128xi32, #tpu.memory_space<vmem>>)
          tpu.yield
        }) : () -> ()
        "tpu.region"() ({
          %run_scoped3A = tpu.sem_alloc : memref<!tpu.dma_semaphore, #tpu.memory_space<semaphore_mem>>
          %dma_start3A = arith.constant 0 : i32
          %dma_start3A_36 = arith.constant 0 : i32
          %dma_start3A_37 = tpu.memref_slice %arg2[%mul3A_22, %dma_start3A, %dma_start3A_36] : memref<25000x128x8xf32, #tpu.memory_space<hbm>> -> memref<40x128x8xf32, #tpu.memory_space<hbm>>
          %dma_start3A_38 = arith.constant 0 : i32
          %dma_start3A_39 = arith.constant 0 : i32
          %dma_start3A_40 = tpu.memref_slice %arg2[%mul3A_22, %dma_start3A_38, %dma_start3A_39] : memref<25000x128x8xf32, #tpu.memory_space<hbm>> -> memref<40x128x8xf32, #tpu.memory_space<hbm>>
          tpu.enqueue_dma source(%dma_start3A_40 : memref<40x128x8xf32, #tpu.memory_space<hbm>>) target(%arg7 : memref<40x128x8xf32, #tpu.memory_space<vmem>>) target_semaphore(%run_scoped3A : memref<!tpu.dma_semaphore, #tpu.memory_space<semaphore_mem>>)
          %dma_wait3A_41 = arith.constant 0 : i32
          %dma_wait3A_42 = arith.constant 0 : i32
          %dma_wait3A_43 = tpu.memref_slice %arg2[%mul3A_22, %dma_wait3A_41, %dma_wait3A_42] : memref<25000x128x8xf32, #tpu.memory_space<hbm>> -> memref<40x128x8xf32, #tpu.memory_space<hbm>>
          %dma_wait3A_44 = arith.constant 0 : i32
          %dma_wait3A_45 = arith.constant 0 : i32
          %dma_wait3A_46 = tpu.memref_slice %arg2[%mul3A_22, %dma_wait3A_44, %dma_wait3A_45] : memref<25000x128x8xf32, #tpu.memory_space<hbm>> -> memref<40x128x8xf32, #tpu.memory_space<hbm>>
          tpu.wait_dma2 semaphore(%run_scoped3A : memref<!tpu.dma_semaphore, #tpu.memory_space<semaphore_mem>>) src(%dma_wait3A_46 : memref<40x128x8xf32, #tpu.memory_space<hbm>>) dst(%arg7 : memref<40x128x8xf32, #tpu.memory_space<vmem>>)
          tpu.yield
        }) : () -> ()
        %scan3A_23 = arith.constant 0 : i32
        %scan3A_24 = arith.constant 0 : i32
        %scan3A_25 = arith.constant 5 : i32
        %scan3A_26 = arith.addi %scan3A_24, %scan3A_25 : i32
        %scan3A_27 = arith.constant 1 : i32
        scf.for %scan3A_36 = %scan3A_24 to %scan3A_26 step %scan3A_27  : i32 {
          %mul3A_37 = arith.constant 8 : i32
          %mul3A_38 = arith.muli %scan3A_36, %mul3A_37 : i32
          %add3A_39 = arith.constant 0 : i32
          %add3A_40 = arith.addi %mul3A_38, %add3A_39 : i32
          %dma_start3A = arith.constant 0 : i32
          %dma_start3A_41 = arith.constant 0 : i32
          %dma_start3A_42 = tpu.memref_slice %arg7[%add3A_40, %dma_start3A, %dma_start3A_41] : memref<40x128x8xf32, #tpu.memory_space<vmem>> -> memref<1x128x8xf32, #tpu.memory_space<vmem>>
          %dma_start3A_43 = tpu.memref_squeeze %dma_start3A_42 : memref<1x128x8xf32, #tpu.memory_space<vmem>> -> memref<128x8xf32, #tpu.memory_space<vmem>>
          %dma_start3A_44 = arith.constant 0 : i32
          %dma_start3A_45 = tpu.memref_slice %arg6[%add3A_40, %dma_start3A_44] : memref<40x128xi32, #tpu.memory_space<vmem>> -> memref<1x128xi32, #tpu.memory_space<vmem>>
          %dma_start3A_46 = tpu.memref_squeeze %dma_start3A_45 : memref<1x128xi32, #tpu.memory_space<vmem>> -> memref<128xi32, #tpu.memory_space<vmem>>
          %dma_start3A_47 = arith.constant 0 : i32
          %dma_start3A_48 = arith.constant 0 : i32
          %dma_start3A_49 = tpu.memref_slice %arg9[%dma_start3A_47, %dma_start3A_48] : memref<100096x8xf32, #tpu.memory_space<vmem_shared>> -> memref<100096x8xf32, #tpu.memory_space<vmem_shared>>
          tpu.enqueue_indirect_dma source(%dma_start3A_43 : memref<128x8xf32, #tpu.memory_space<vmem>>) target(%dma_start3A_49 : memref<100096x8xf32, #tpu.memory_space<vmem_shared>>) offsets(%dma_start3A_46 : memref<128xi32, #tpu.memory_space<vmem>>) semaphore(%arg8 : memref<!tpu.dma_semaphore, #tpu.memory_space<semaphore_mem>>) {add = true}
          %mul3A_50 = arith.constant 8 : i32
          %mul3A_51 = arith.muli %scan3A_36, %mul3A_50 : i32
          %add3A_52 = arith.constant 1 : i32
          %add3A_53 = arith.addi %mul3A_51, %add3A_52 : i32
          %dma_start3A_54 = arith.constant 0 : i32
          %dma_start3A_55 = arith.constant 0 : i32
          %dma_start3A_56 = tpu.memref_slice %arg7[%add3A_53, %dma_start3A_54, %dma_start3A_55] : memref<40x128x8xf32, #tpu.memory_space<vmem>> -> memref<1x128x8xf32, #tpu.memory_space<vmem>>
          %dma_start3A_57 = tpu.memref_squeeze %dma_start3A_56 : memref<1x128x8xf32, #tpu.memory_space<vmem>> -> memref<128x8xf32, #tpu.memory_space<vmem>>
          %dma_start3A_58 = arith.constant 0 : i32
          %dma_start3A_59 = tpu.memref_slice %arg6[%add3A_53, %dma_start3A_58] : memref<40x128xi32, #tpu.memory_space<vmem>> -> memref<1x128xi32, #tpu.memory_space<vmem>>
          %dma_start3A_60 = tpu.memref_squeeze %dma_start3A_59 : memref<1x128xi32, #tpu.memory_space<vmem>> -> memref<128xi32, #tpu.memory_space<vmem>>
          %dma_start3A_61 = arith.constant 0 : i32
          %dma_start3A_62 = arith.constant 0 : i32
          %dma_start3A_63 = tpu.memref_slice %arg9[%dma_start3A_61, %dma_start3A_62] : memref<100096x8xf32, #tpu.memory_space<vmem_shared>> -> memref<100096x8xf32, #tpu.memory_space<vmem_shared>>
          tpu.enqueue_indirect_dma source(%dma_start3A_57 : memref<128x8xf32, #tpu.memory_space<vmem>>) target(%dma_start3A_63 : memref<100096x8xf32, #tpu.memory_space<vmem_shared>>) offsets(%dma_start3A_60 : memref<128xi32, #tpu.memory_space<vmem>>) semaphore(%arg8 : memref<!tpu.dma_semaphore, #tpu.memory_space<semaphore_mem>>) {add = true}
          %mul3A_64 = arith.constant 8 : i32
          %mul3A_65 = arith.muli %scan3A_36, %mul3A_64 : i32
          %add3A_66 = arith.constant 2 : i32
          %add3A_67 = arith.addi %mul3A_65, %add3A_66 : i32
          %dma_start3A_68 = arith.constant 0 : i32
          %dma_start3A_69 = arith.constant 0 : i32
          %dma_start3A_70 = tpu.memref_slice %arg7[%add3A_67, %dma_start3A_68, %dma_start3A_69] : memref<40x128x8xf32, #tpu.memory_space<vmem>> -> memref<1x128x8xf32, #tpu.memory_space<vmem>>
          %dma_start3A_71 = tpu.memref_squeeze %dma_start3A_70 : memref<1x128x8xf32, #tpu.memory_space<vmem>> -> memref<128x8xf32, #tpu.memory_space<vmem>>
          %dma_start3A_72 = arith.constant 0 : i32
          %dma_start3A_73 = tpu.memref_slice %arg6[%add3A_67, %dma_start3A_72] : memref<40x128xi32, #tpu.memory_space<vmem>> -> memref<1x128xi32, #tpu.memory_space<vmem>>
          %dma_start3A_74 = tpu.memref_squeeze %dma_start3A_73 : memref<1x128xi32, #tpu.memory_space<vmem>> -> memref<128xi32, #tpu.memory_space<vmem>>
          %dma_start3A_75 = arith.constant 0 : i32
          %dma_start3A_76 = arith.constant 0 : i32
          %dma_start3A_77 = tpu.memref_slice %arg9[%dma_start3A_75, %dma_start3A_76] : memref<100096x8xf32, #tpu.memory_space<vmem_shared>> -> memref<100096x8xf32, #tpu.memory_space<vmem_shared>>
          tpu.enqueue_indirect_dma source(%dma_start3A_71 : memref<128x8xf32, #tpu.memory_space<vmem>>) target(%dma_start3A_77 : memref<100096x8xf32, #tpu.memory_space<vmem_shared>>) offsets(%dma_start3A_74 : memref<128xi32, #tpu.memory_space<vmem>>) semaphore(%arg8 : memref<!tpu.dma_semaphore, #tpu.memory_space<semaphore_mem>>) {add = true}
          %mul3A_78 = arith.constant 8 : i32
          %mul3A_79 = arith.muli %scan3A_36, %mul3A_78 : i32
          %add3A_80 = arith.constant 3 : i32
          %add3A_81 = arith.addi %mul3A_79, %add3A_80 : i32
          %dma_start3A_82 = arith.constant 0 : i32
          %dma_start3A_83 = arith.constant 0 : i32
          %dma_start3A_84 = tpu.memref_slice %arg7[%add3A_81, %dma_start3A_82, %dma_start3A_83] : memref<40x128x8xf32, #tpu.memory_space<vmem>> -> memref<1x128x8xf32, #tpu.memory_space<vmem>>
          %dma_start3A_85 = tpu.memref_squeeze %dma_start3A_84 : memref<1x128x8xf32, #tpu.memory_space<vmem>> -> memref<128x8xf32, #tpu.memory_space<vmem>>
          %dma_start3A_86 = arith.constant 0 : i32
          %dma_start3A_87 = tpu.memref_slice %arg6[%add3A_81, %dma_start3A_86] : memref<40x128xi32, #tpu.memory_space<vmem>> -> memref<1x128xi32, #tpu.memory_space<vmem>>
          %dma_start3A_88 = tpu.memref_squeeze %dma_start3A_87 : memref<1x128xi32, #tpu.memory_space<vmem>> -> memref<128xi32, #tpu.memory_space<vmem>>
          %dma_start3A_89 = arith.constant 0 : i32
          %dma_start3A_90 = arith.constant 0 : i32
          %dma_start3A_91 = tpu.memref_slice %arg9[%dma_start3A_89, %dma_start3A_90] : memref<100096x8xf32, #tpu.memory_space<vmem_shared>> -> memref<100096x8xf32, #tpu.memory_space<vmem_shared>>
          tpu.enqueue_indirect_dma source(%dma_start3A_85 : memref<128x8xf32, #tpu.memory_space<vmem>>) target(%dma_start3A_91 : memref<100096x8xf32, #tpu.memory_space<vmem_shared>>) offsets(%dma_start3A_88 : memref<128xi32, #tpu.memory_space<vmem>>) semaphore(%arg8 : memref<!tpu.dma_semaphore, #tpu.memory_space<semaphore_mem>>) {add = true}
          %mul3A_92 = arith.constant 8 : i32
          %mul3A_93 = arith.muli %scan3A_36, %mul3A_92 : i32
          %add3A_94 = arith.constant 4 : i32
          %add3A_95 = arith.addi %mul3A_93, %add3A_94 : i32
          %dma_start3A_96 = arith.constant 0 : i32
          %dma_start3A_97 = arith.constant 0 : i32
          %dma_start3A_98 = tpu.memref_slice %arg7[%add3A_95, %dma_start3A_96, %dma_start3A_97] : memref<40x128x8xf32, #tpu.memory_space<vmem>> -> memref<1x128x8xf32, #tpu.memory_space<vmem>>
          %dma_start3A_99 = tpu.memref_squeeze %dma_start3A_98 : memref<1x128x8xf32, #tpu.memory_space<vmem>> -> memref<128x8xf32, #tpu.memory_space<vmem>>
          %dma_start3A_100 = arith.constant 0 : i32
          %dma_start3A_101 = tpu.memref_slice %arg6[%add3A_95, %dma_start3A_100] : memref<40x128xi32, #tpu.memory_space<vmem>> -> memref<1x128xi32, #tpu.memory_space<vmem>>
          %dma_start3A_102 = tpu.memref_squeeze %dma_start3A_101 : memref<1x128xi32, #tpu.memory_space<vmem>> -> memref<128xi32, #tpu.memory_space<vmem>>
          %dma_start3A_103 = arith.constant 0 : i32
          %dma_start3A_104 = arith.constant 0 : i32
          %dma_start3A_105 = tpu.memref_slice %arg9[%dma_start3A_103, %dma_start3A_104] : memref<100096x8xf32, #tpu.memory_space<vmem_shared>> -> memref<100096x8xf32, #tpu.memory_space<vmem_shared>>
          tpu.enqueue_indirect_dma source(%dma_start3A_99 : memref<128x8xf32, #tpu.memory_space<vmem>>) target(%dma_start3A_105 : memref<100096x8xf32, #tpu.memory_space<vmem_shared>>) offsets(%dma_start3A_102 : memref<128xi32, #tpu.memory_space<vmem>>) semaphore(%arg8 : memref<!tpu.dma_semaphore, #tpu.memory_space<semaphore_mem>>) {add = true}
          %mul3A_106 = arith.constant 8 : i32
          %mul3A_107 = arith.muli %scan3A_36, %mul3A_106 : i32
          %add3A_108 = arith.constant 5 : i32
          %add3A_109 = arith.addi %mul3A_107, %add3A_108 : i32
          %dma_start3A_110 = arith.constant 0 : i32
          %dma_start3A_111 = arith.constant 0 : i32
          %dma_start3A_112 = tpu.memref_slice %arg7[%add3A_109, %dma_start3A_110, %dma_start3A_111] : memref<40x128x8xf32, #tpu.memory_space<vmem>> -> memref<1x128x8xf32, #tpu.memory_space<vmem>>
          %dma_start3A_113 = tpu.memref_squeeze %dma_start3A_112 : memref<1x128x8xf32, #tpu.memory_space<vmem>> -> memref<128x8xf32, #tpu.memory_space<vmem>>
          %dma_start3A_114 = arith.constant 0 : i32
          %dma_start3A_115 = tpu.memref_slice %arg6[%add3A_109, %dma_start3A_114] : memref<40x128xi32, #tpu.memory_space<vmem>> -> memref<1x128xi32, #tpu.memory_space<vmem>>
          %dma_start3A_116 = tpu.memref_squeeze %dma_start3A_115 : memref<1x128xi32, #tpu.memory_space<vmem>> -> memref<128xi32, #tpu.memory_space<vmem>>
          %dma_start3A_117 = arith.constant 0 : i32
          %dma_start3A_118 = arith.constant 0 : i32
          %dma_start3A_119 = tpu.memref_slice %arg9[%dma_start3A_117, %dma_start3A_118] : memref<100096x8xf32, #tpu.memory_space<vmem_shared>> -> memref<100096x8xf32, #tpu.memory_space<vmem_shared>>
          tpu.enqueue_indirect_dma source(%dma_start3A_113 : memref<128x8xf32, #tpu.memory_space<vmem>>) target(%dma_start3A_119 : memref<100096x8xf32, #tpu.memory_space<vmem_shared>>) offsets(%dma_start3A_116 : memref<128xi32, #tpu.memory_space<vmem>>) semaphore(%arg8 : memref<!tpu.dma_semaphore, #tpu.memory_space<semaphore_mem>>) {add = true}
          %mul3A_120 = arith.constant 8 : i32
          %mul3A_121 = arith.muli %scan3A_36, %mul3A_120 : i32
          %add3A_122 = arith.constant 6 : i32
          %add3A_123 = arith.addi %mul3A_121, %add3A_122 : i32
          %dma_start3A_124 = arith.constant 0 : i32
          %dma_start3A_125 = arith.constant 0 : i32
          %dma_start3A_126 = tpu.memref_slice %arg7[%add3A_123, %dma_start3A_124, %dma_start3A_125] : memref<40x128x8xf32, #tpu.memory_space<vmem>> -> memref<1x128x8xf32, #tpu.memory_space<vmem>>
          %dma_start3A_127 = tpu.memref_squeeze %dma_start3A_126 : memref<1x128x8xf32, #tpu.memory_space<vmem>> -> memref<128x8xf32, #tpu.memory_space<vmem>>
          %dma_start3A_128 = arith.constant 0 : i32
          %dma_start3A_129 = tpu.memref_slice %arg6[%add3A_123, %dma_start3A_128] : memref<40x128xi32, #tpu.memory_space<vmem>> -> memref<1x128xi32, #tpu.memory_space<vmem>>
          %dma_start3A_130 = tpu.memref_squeeze %dma_start3A_129 : memref<1x128xi32, #tpu.memory_space<vmem>> -> memref<128xi32, #tpu.memory_space<vmem>>
          %dma_start3A_131 = arith.constant 0 : i32
          %dma_start3A_132 = arith.constant 0 : i32
          %dma_start3A_133 = tpu.memref_slice %arg9[%dma_start3A_131, %dma_start3A_132] : memref<100096x8xf32, #tpu.memory_space<vmem_shared>> -> memref<100096x8xf32, #tpu.memory_space<vmem_shared>>
          tpu.enqueue_indirect_dma source(%dma_start3A_127 : memref<128x8xf32, #tpu.memory_space<vmem>>) target(%dma_start3A_133 : memref<100096x8xf32, #tpu.memory_space<vmem_shared>>) offsets(%dma_start3A_130 : memref<128xi32, #tpu.memory_space<vmem>>) semaphore(%arg8 : memref<!tpu.dma_semaphore, #tpu.memory_space<semaphore_mem>>) {add = true}
          %mul3A_134 = arith.constant 8 : i32
          %mul3A_135 = arith.muli %scan3A_36, %mul3A_134 : i32
          %add3A_136 = arith.constant 7 : i32
          %add3A_137 = arith.addi %mul3A_135, %add3A_136 : i32
          %dma_start3A_138 = arith.constant 0 : i32
          %dma_start3A_139 = arith.constant 0 : i32
          %dma_start3A_140 = tpu.memref_slice %arg7[%add3A_137, %dma_start3A_138, %dma_start3A_139] : memref<40x128x8xf32, #tpu.memory_space<vmem>> -> memref<1x128x8xf32, #tpu.memory_space<vmem>>
          %dma_start3A_141 = tpu.memref_squeeze %dma_start3A_140 : memref<1x128x8xf32, #tpu.memory_space<vmem>> -> memref<128x8xf32, #tpu.memory_space<vmem>>
          %dma_start3A_142 = arith.constant 0 : i32
          %dma_start3A_143 = tpu.memref_slice %arg6[%add3A_137, %dma_start3A_142] : memref<40x128xi32, #tpu.memory_space<vmem>> -> memref<1x128xi32, #tpu.memory_space<vmem>>
          %dma_start3A_144 = tpu.memref_squeeze %dma_start3A_143 : memref<1x128xi32, #tpu.memory_space<vmem>> -> memref<128xi32, #tpu.memory_space<vmem>>
          %dma_start3A_145 = arith.constant 0 : i32
          %dma_start3A_146 = arith.constant 0 : i32
          %dma_start3A_147 = tpu.memref_slice %arg9[%dma_start3A_145, %dma_start3A_146] : memref<100096x8xf32, #tpu.memory_space<vmem_shared>> -> memref<100096x8xf32, #tpu.memory_space<vmem_shared>>
          tpu.enqueue_indirect_dma source(%dma_start3A_141 : memref<128x8xf32, #tpu.memory_space<vmem>>) target(%dma_start3A_147 : memref<100096x8xf32, #tpu.memory_space<vmem_shared>>) offsets(%dma_start3A_144 : memref<128xi32, #tpu.memory_space<vmem>>) semaphore(%arg8 : memref<!tpu.dma_semaphore, #tpu.memory_space<semaphore_mem>>) {add = true}
        }
        %scan3A_28 = arith.constant 5 : i32
        %dma_wait3A = arith.constant 0 : i32
        %dma_wait3A_29 = arith.constant 0 : i32
        %dma_wait3A_30 = arith.constant 0 : i32
        %dma_wait3A_31 = tpu.memref_slice %arg2[%dma_wait3A, %dma_wait3A_29, %dma_wait3A_30] : memref<25000x128x8xf32, #tpu.memory_space<hbm>> -> memref<40x128x8xf32, #tpu.memory_space<hbm>>
        %dma_wait3A_32 = arith.constant 0 : i32
        %dma_wait3A_33 = arith.constant 0 : i32
        %dma_wait3A_34 = arith.constant 0 : i32
        %dma_wait3A_35 = tpu.memref_slice %arg2[%dma_wait3A_32, %dma_wait3A_33, %dma_wait3A_34] : memref<25000x128x8xf32, #tpu.memory_space<hbm>> -> memref<40x128x8xf32, #tpu.memory_space<hbm>>
        tpu.wait_dma2 semaphore(%arg8 : memref<!tpu.dma_semaphore, #tpu.memory_space<semaphore_mem>>) src(%dma_wait3A_35 : memref<40x128x8xf32, #tpu.memory_space<hbm>>) dst(%arg7 : memref<40x128x8xf32, #tpu.memory_space<vmem>>)
      } else {
      }
    }
    %scan3A_9 = arith.constant 20 : i32
    %barrier3A_10 = arith.constant 0 : index
    tpu.barrier barrier_id(%barrier3A_10)
    %mul3A_11 = arith.constant 6256 : i32
    %mul3A_12 = arith.muli %arg1, %mul3A_11 : i32
    %mul3A_13 = arith.constant 6256 : i32
    %mul3A_14 = arith.muli %arg1, %mul3A_13 : i32
    "tpu.region"() ({
      %run_scoped3A = tpu.sem_alloc : memref<!tpu.dma_semaphore, #tpu.memory_space<semaphore_mem>>
      %dma_start3A = arith.constant 0 : i32
      %dma_start3A_15 = tpu.memref_slice %arg5[%arg0, %mul3A_14, %dma_start3A] : memref<2x100096x8xf32, #tpu.memory_space<hbm>> -> memref<1x6256x8xf32, #tpu.memory_space<hbm>>
      %dma_start3A_16 = tpu.memref_squeeze %dma_start3A_15 : memref<1x6256x8xf32, #tpu.memory_space<hbm>> -> memref<6256x8xf32, #tpu.memory_space<hbm>>
      %dma_start3A_17 = arith.constant 0 : i32
      %dma_start3A_18 = tpu.memref_slice %arg9[%mul3A_12, %dma_start3A_17] : memref<100096x8xf32, #tpu.memory_space<vmem_shared>> -> memref<6256x8xf32, #tpu.memory_space<vmem_shared>>
      tpu.enqueue_dma source(%dma_start3A_18 : memref<6256x8xf32, #tpu.memory_space<vmem_shared>>) target(%dma_start3A_16 : memref<6256x8xf32, #tpu.memory_space<hbm>>) target_semaphore(%run_scoped3A : memref<!tpu.dma_semaphore, #tpu.memory_space<semaphore_mem>>)
      %dma_wait3A = arith.constant 0 : i32
      %dma_wait3A_19 = tpu.memref_slice %arg5[%arg0, %mul3A_14, %dma_wait3A] : memref<2x100096x8xf32, #tpu.memory_space<hbm>> -> memref<1x6256x8xf32, #tpu.memory_space<hbm>>
      %dma_wait3A_20 = tpu.memref_squeeze %dma_wait3A_19 : memref<1x6256x8xf32, #tpu.memory_space<hbm>> -> memref<6256x8xf32, #tpu.memory_space<hbm>>
      %dma_wait3A_21 = arith.constant 0 : i32
      %dma_wait3A_22 = tpu.memref_slice %arg9[%mul3A_12, %dma_wait3A_21] : memref<100096x8xf32, #tpu.memory_space<vmem_shared>> -> memref<6256x8xf32, #tpu.memory_space<vmem_shared>>
      tpu.wait_dma2 semaphore(%run_scoped3A : memref<!tpu.dma_semaphore, #tpu.memory_space<semaphore_mem>>) src(%dma_wait3A_22 : memref<6256x8xf32, #tpu.memory_space<vmem_shared>>) dst(%dma_wait3A_20 : memref<6256x8xf32, #tpu.memory_space<hbm>>)
      tpu.yield
    }) : () -> ()
    return
  }
}

#map = affine_map<(d0, d1) -> (0, 0, 0)>
#map1 = affine_map<(d0, d1) -> (0, 0)>
module attributes {stable_mosaic.version = 14 : i64} {
  func.func @sk(%arg0: i32, %arg1: i32, %arg2: memref<25000x128x8xf32, #tpu.memory_space<hbm>>, %arg3: memref<25000x128xi32, #tpu.memory_space<hbm>>, %arg4: memref<100096x8xf32, #tpu.memory_space<hbm>>, %arg5: memref<2x100096x8xf32, #tpu.memory_space<hbm>>, %arg6: memref<40x128xi32, #tpu.memory_space<vmem>>, %arg7: memref<40x128x8xf32, #tpu.memory_space<vmem>>, %arg8: memref<!tpu.dma_semaphore, #tpu.memory_space<semaphore_mem>>, %arg9: memref<100096x8xf32, #tpu.memory_space<vmem_shared>>) attributes {dimension_semantics = [#tpu.dimension_semantics<core_parallel>, #tpu.dimension_semantics<subcore_parallel>], iteration_bounds = array<i64: 2, 16>, scalar_prefetch = 0 : i64, scratch_operands = 4 : i64, tpu.core_type = #tpu.core_type<sc_vector_subcore>, window_params = [{transform_indices = #map}, {transform_indices = #map1}, {transform_indices = #map1}, {transform_indices = #map}]} {
    %mul3A = arith.constant 2 : i32
    %mul3A_0 = arith.muli %arg1, %mul3A : i32
    %add3A = arith.addi %mul3A_0, %arg0 : i32
    %mul3A_1 = arith.constant 6256 : i32
    %mul3A_2 = arith.muli %arg1, %mul3A_1 : i32
    %mul3A_3 = arith.constant 6256 : i32
    %mul3A_4 = arith.muli %arg1, %mul3A_3 : i32
    "tpu.region"() ({
      %run_scoped3A = tpu.sem_alloc : memref<!tpu.dma_semaphore, #tpu.memory_space<semaphore_mem>>
      %dma_start3A = arith.constant 0 : i32
      %dma_start3A_15 = tpu.memref_slice %arg9[%mul3A_4, %dma_start3A] : memref<100096x8xf32, #tpu.memory_space<vmem_shared>> -> memref<6256x8xf32, #tpu.memory_space<vmem_shared>>
      %dma_start3A_16 = arith.constant 0 : i32
      %dma_start3A_17 = tpu.memref_slice %arg4[%mul3A_2, %dma_start3A_16] : memref<100096x8xf32, #tpu.memory_space<hbm>> -> memref<6256x8xf32, #tpu.memory_space<hbm>>
      tpu.enqueue_dma source(%dma_start3A_17 : memref<6256x8xf32, #tpu.memory_space<hbm>>) target(%dma_start3A_15 : memref<6256x8xf32, #tpu.memory_space<vmem_shared>>) target_semaphore(%run_scoped3A : memref<!tpu.dma_semaphore, #tpu.memory_space<semaphore_mem>>)
      %dma_wait3A = arith.constant 0 : i32
      %dma_wait3A_18 = tpu.memref_slice %arg9[%mul3A_4, %dma_wait3A] : memref<100096x8xf32, #tpu.memory_space<vmem_shared>> -> memref<6256x8xf32, #tpu.memory_space<vmem_shared>>
      %dma_wait3A_19 = arith.constant 0 : i32
      %dma_wait3A_20 = tpu.memref_slice %arg4[%mul3A_2, %dma_wait3A_19] : memref<100096x8xf32, #tpu.memory_space<hbm>> -> memref<6256x8xf32, #tpu.memory_space<hbm>>
      tpu.wait_dma2 semaphore(%run_scoped3A : memref<!tpu.dma_semaphore, #tpu.memory_space<semaphore_mem>>) src(%dma_wait3A_20 : memref<6256x8xf32, #tpu.memory_space<hbm>>) dst(%dma_wait3A_18 : memref<6256x8xf32, #tpu.memory_space<vmem_shared>>)
      tpu.yield
    }) : () -> ()
    %barrier3A = arith.constant 0 : index
    tpu.barrier barrier_id(%barrier3A)
    %scan3A = arith.constant 0 : i32
    %scan3A_5 = arith.constant 0 : i32
    %scan3A_6 = arith.constant 20 : i32
    %scan3A_7 = arith.addi %scan3A_5, %scan3A_6 : i32
    %scan3A_8 = arith.constant 1 : i32
    scf.for %scan3A_15 = %scan3A_5 to %scan3A_7 step %scan3A_8  : i32 {
      %mul3A_16 = arith.constant 32 : i32
      %mul3A_17 = arith.muli %mul3A_16, %scan3A_15 : i32
      %add3A_18 = arith.addi %add3A, %mul3A_17 : i32
      %lt3A = arith.constant 625 : i32
      %lt3A_19 = arith.cmpi slt, %add3A_18, %lt3A : i32
      %convert_element_type3A = arith.extui %lt3A_19 : i1 to i32
      %cond3A = arith.constant 0 : i32
      %cond3A_20 = arith.cmpi ne, %convert_element_type3A, %cond3A : i32
      scf.if %cond3A_20 {
        %mul3A_21 = arith.constant 40 : i32
        %mul3A_22 = arith.muli %add3A_18, %mul3A_21 : i32
        "tpu.region"() ({
          %run_scoped3A = tpu.sem_alloc : memref<!tpu.dma_semaphore, #tpu.memory_space<semaphore_mem>>
          %dma_start3A = arith.constant 0 : i32
          %dma_start3A_36 = tpu.memref_slice %arg3[%mul3A_22, %dma_start3A] : memref<25000x128xi32, #tpu.memory_space<hbm>> -> memref<40x128xi32, #tpu.memory_space<hbm>>
          %dma_start3A_37 = arith.constant 0 : i32
          %dma_start3A_38 = tpu.memref_slice %arg3[%mul3A_22, %dma_start3A_37] : memref<25000x128xi32, #tpu.memory_space<hbm>> -> memref<40x128xi32, #tpu.memory_space<hbm>>
          tpu.enqueue_dma source(%dma_start3A_38 : memref<40x128xi32, #tpu.memory_space<hbm>>) target(%arg6 : memref<40x128xi32, #tpu.memory_space<vmem>>) target_semaphore(%run_scoped3A : memref<!tpu.dma_semaphore, #tpu.memory_space<semaphore_mem>>)
          %dma_wait3A_39 = arith.constant 0 : i32
          %dma_wait3A_40 = tpu.memref_slice %arg3[%mul3A_22, %dma_wait3A_39] : memref<25000x128xi32, #tpu.memory_space<hbm>> -> memref<40x128xi32, #tpu.memory_space<hbm>>
          %dma_wait3A_41 = arith.constant 0 : i32
          %dma_wait3A_42 = tpu.memref_slice %arg3[%mul3A_22, %dma_wait3A_41] : memref<25000x128xi32, #tpu.memory_space<hbm>> -> memref<40x128xi32, #tpu.memory_space<hbm>>
          tpu.wait_dma2 semaphore(%run_scoped3A : memref<!tpu.dma_semaphore, #tpu.memory_space<semaphore_mem>>) src(%dma_wait3A_42 : memref<40x128xi32, #tpu.memory_space<hbm>>) dst(%arg6 : memref<40x128xi32, #tpu.memory_space<vmem>>)
          tpu.yield
        }) : () -> ()
        "tpu.region"() ({
          %run_scoped3A = tpu.sem_alloc : memref<!tpu.dma_semaphore, #tpu.memory_space<semaphore_mem>>
          %dma_start3A = arith.constant 0 : i32
          %dma_start3A_36 = arith.constant 0 : i32
          %dma_start3A_37 = tpu.memref_slice %arg2[%mul3A_22, %dma_start3A, %dma_start3A_36] : memref<25000x128x8xf32, #tpu.memory_space<hbm>> -> memref<40x128x8xf32, #tpu.memory_space<hbm>>
          %dma_start3A_38 = arith.constant 0 : i32
          %dma_start3A_39 = arith.constant 0 : i32
          %dma_start3A_40 = tpu.memref_slice %arg2[%mul3A_22, %dma_start3A_38, %dma_start3A_39] : memref<25000x128x8xf32, #tpu.memory_space<hbm>> -> memref<40x128x8xf32, #tpu.memory_space<hbm>>
          tpu.enqueue_dma source(%dma_start3A_40 : memref<40x128x8xf32, #tpu.memory_space<hbm>>) target(%arg7 : memref<40x128x8xf32, #tpu.memory_space<vmem>>) target_semaphore(%run_scoped3A : memref<!tpu.dma_semaphore, #tpu.memory_space<semaphore_mem>>)
          %dma_wait3A_41 = arith.constant 0 : i32
          %dma_wait3A_42 = arith.constant 0 : i32
          %dma_wait3A_43 = tpu.memref_slice %arg2[%mul3A_22, %dma_wait3A_41, %dma_wait3A_42] : memref<25000x128x8xf32, #tpu.memory_space<hbm>> -> memref<40x128x8xf32, #tpu.memory_space<hbm>>
          %dma_wait3A_44 = arith.constant 0 : i32
          %dma_wait3A_45 = arith.constant 0 : i32
          %dma_wait3A_46 = tpu.memref_slice %arg2[%mul3A_22, %dma_wait3A_44, %dma_wait3A_45] : memref<25000x128x8xf32, #tpu.memory_space<hbm>> -> memref<40x128x8xf32, #tpu.memory_space<hbm>>
          tpu.wait_dma2 semaphore(%run_scoped3A : memref<!tpu.dma_semaphore, #tpu.memory_space<semaphore_mem>>) src(%dma_wait3A_46 : memref<40x128x8xf32, #tpu.memory_space<hbm>>) dst(%arg7 : memref<40x128x8xf32, #tpu.memory_space<vmem>>)
          tpu.yield
        }) : () -> ()
        %scan3A_23 = arith.constant 0 : i32
        %scan3A_24 = arith.constant 0 : i32
        %scan3A_25 = arith.constant 5 : i32
        %scan3A_26 = arith.addi %scan3A_24, %scan3A_25 : i32
        %scan3A_27 = arith.constant 1 : i32
        scf.for %scan3A_36 = %scan3A_24 to %scan3A_26 step %scan3A_27  : i32 {
          %mul3A_37 = arith.constant 8 : i32
          %mul3A_38 = arith.muli %scan3A_36, %mul3A_37 : i32
          %add3A_39 = arith.constant 0 : i32
          %add3A_40 = arith.addi %mul3A_38, %add3A_39 : i32
          %dma_start3A = arith.constant 0 : i32
          %dma_start3A_41 = arith.constant 0 : i32
          %dma_start3A_42 = tpu.memref_slice %arg7[%add3A_40, %dma_start3A, %dma_start3A_41] : memref<40x128x8xf32, #tpu.memory_space<vmem>> -> memref<1x128x8xf32, #tpu.memory_space<vmem>>
          %dma_start3A_43 = tpu.memref_squeeze %dma_start3A_42 : memref<1x128x8xf32, #tpu.memory_space<vmem>> -> memref<128x8xf32, #tpu.memory_space<vmem>>
          %dma_start3A_44 = arith.constant 0 : i32
          %dma_start3A_45 = tpu.memref_slice %arg6[%add3A_40, %dma_start3A_44] : memref<40x128xi32, #tpu.memory_space<vmem>> -> memref<1x128xi32, #tpu.memory_space<vmem>>
          %dma_start3A_46 = tpu.memref_squeeze %dma_start3A_45 : memref<1x128xi32, #tpu.memory_space<vmem>> -> memref<128xi32, #tpu.memory_space<vmem>>
          %dma_start3A_47 = arith.constant 0 : i32
          %dma_start3A_48 = arith.constant 0 : i32
          %dma_start3A_49 = tpu.memref_slice %arg9[%dma_start3A_47, %dma_start3A_48] : memref<100096x8xf32, #tpu.memory_space<vmem_shared>> -> memref<100096x8xf32, #tpu.memory_space<vmem_shared>>
          tpu.enqueue_indirect_dma source(%dma_start3A_43 : memref<128x8xf32, #tpu.memory_space<vmem>>) target(%dma_start3A_49 : memref<100096x8xf32, #tpu.memory_space<vmem_shared>>) offsets(%dma_start3A_46 : memref<128xi32, #tpu.memory_space<vmem>>) semaphore(%arg8 : memref<!tpu.dma_semaphore, #tpu.memory_space<semaphore_mem>>) {add = true}
          %mul3A_50 = arith.constant 8 : i32
          %mul3A_51 = arith.muli %scan3A_36, %mul3A_50 : i32
          %add3A_52 = arith.constant 1 : i32
          %add3A_53 = arith.addi %mul3A_51, %add3A_52 : i32
          %dma_start3A_54 = arith.constant 0 : i32
          %dma_start3A_55 = arith.constant 0 : i32
          %dma_start3A_56 = tpu.memref_slice %arg7[%add3A_53, %dma_start3A_54, %dma_start3A_55] : memref<40x128x8xf32, #tpu.memory_space<vmem>> -> memref<1x128x8xf32, #tpu.memory_space<vmem>>
          %dma_start3A_57 = tpu.memref_squeeze %dma_start3A_56 : memref<1x128x8xf32, #tpu.memory_space<vmem>> -> memref<128x8xf32, #tpu.memory_space<vmem>>
          %dma_start3A_58 = arith.constant 0 : i32
          %dma_start3A_59 = tpu.memref_slice %arg6[%add3A_53, %dma_start3A_58] : memref<40x128xi32, #tpu.memory_space<vmem>> -> memref<1x128xi32, #tpu.memory_space<vmem>>
          %dma_start3A_60 = tpu.memref_squeeze %dma_start3A_59 : memref<1x128xi32, #tpu.memory_space<vmem>> -> memref<128xi32, #tpu.memory_space<vmem>>
          %dma_start3A_61 = arith.constant 0 : i32
          %dma_start3A_62 = arith.constant 0 : i32
          %dma_start3A_63 = tpu.memref_slice %arg9[%dma_start3A_61, %dma_start3A_62] : memref<100096x8xf32, #tpu.memory_space<vmem_shared>> -> memref<100096x8xf32, #tpu.memory_space<vmem_shared>>
          tpu.enqueue_indirect_dma source(%dma_start3A_57 : memref<128x8xf32, #tpu.memory_space<vmem>>) target(%dma_start3A_63 : memref<100096x8xf32, #tpu.memory_space<vmem_shared>>) offsets(%dma_start3A_60 : memref<128xi32, #tpu.memory_space<vmem>>) semaphore(%arg8 : memref<!tpu.dma_semaphore, #tpu.memory_space<semaphore_mem>>) {add = true}
          %mul3A_64 = arith.constant 8 : i32
          %mul3A_65 = arith.muli %scan3A_36, %mul3A_64 : i32
          %add3A_66 = arith.constant 2 : i32
          %add3A_67 = arith.addi %mul3A_65, %add3A_66 : i32
          %dma_start3A_68 = arith.constant 0 : i32
          %dma_start3A_69 = arith.constant 0 : i32
          %dma_start3A_70 = tpu.memref_slice %arg7[%add3A_67, %dma_start3A_68, %dma_start3A_69] : memref<40x128x8xf32, #tpu.memory_space<vmem>> -> memref<1x128x8xf32, #tpu.memory_space<vmem>>
          %dma_start3A_71 = tpu.memref_squeeze %dma_start3A_70 : memref<1x128x8xf32, #tpu.memory_space<vmem>> -> memref<128x8xf32, #tpu.memory_space<vmem>>
          %dma_start3A_72 = arith.constant 0 : i32
          %dma_start3A_73 = tpu.memref_slice %arg6[%add3A_67, %dma_start3A_72] : memref<40x128xi32, #tpu.memory_space<vmem>> -> memref<1x128xi32, #tpu.memory_space<vmem>>
          %dma_start3A_74 = tpu.memref_squeeze %dma_start3A_73 : memref<1x128xi32, #tpu.memory_space<vmem>> -> memref<128xi32, #tpu.memory_space<vmem>>
          %dma_start3A_75 = arith.constant 0 : i32
          %dma_start3A_76 = arith.constant 0 : i32
          %dma_start3A_77 = tpu.memref_slice %arg9[%dma_start3A_75, %dma_start3A_76] : memref<100096x8xf32, #tpu.memory_space<vmem_shared>> -> memref<100096x8xf32, #tpu.memory_space<vmem_shared>>
          tpu.enqueue_indirect_dma source(%dma_start3A_71 : memref<128x8xf32, #tpu.memory_space<vmem>>) target(%dma_start3A_77 : memref<100096x8xf32, #tpu.memory_space<vmem_shared>>) offsets(%dma_start3A_74 : memref<128xi32, #tpu.memory_space<vmem>>) semaphore(%arg8 : memref<!tpu.dma_semaphore, #tpu.memory_space<semaphore_mem>>) {add = true}
          %mul3A_78 = arith.constant 8 : i32
          %mul3A_79 = arith.muli %scan3A_36, %mul3A_78 : i32
          %add3A_80 = arith.constant 3 : i32
          %add3A_81 = arith.addi %mul3A_79, %add3A_80 : i32
          %dma_start3A_82 = arith.constant 0 : i32
          %dma_start3A_83 = arith.constant 0 : i32
          %dma_start3A_84 = tpu.memref_slice %arg7[%add3A_81, %dma_start3A_82, %dma_start3A_83] : memref<40x128x8xf32, #tpu.memory_space<vmem>> -> memref<1x128x8xf32, #tpu.memory_space<vmem>>
          %dma_start3A_85 = tpu.memref_squeeze %dma_start3A_84 : memref<1x128x8xf32, #tpu.memory_space<vmem>> -> memref<128x8xf32, #tpu.memory_space<vmem>>
          %dma_start3A_86 = arith.constant 0 : i32
          %dma_start3A_87 = tpu.memref_slice %arg6[%add3A_81, %dma_start3A_86] : memref<40x128xi32, #tpu.memory_space<vmem>> -> memref<1x128xi32, #tpu.memory_space<vmem>>
          %dma_start3A_88 = tpu.memref_squeeze %dma_start3A_87 : memref<1x128xi32, #tpu.memory_space<vmem>> -> memref<128xi32, #tpu.memory_space<vmem>>
          %dma_start3A_89 = arith.constant 0 : i32
          %dma_start3A_90 = arith.constant 0 : i32
          %dma_start3A_91 = tpu.memref_slice %arg9[%dma_start3A_89, %dma_start3A_90] : memref<100096x8xf32, #tpu.memory_space<vmem_shared>> -> memref<100096x8xf32, #tpu.memory_space<vmem_shared>>
          tpu.enqueue_indirect_dma source(%dma_start3A_85 : memref<128x8xf32, #tpu.memory_space<vmem>>) target(%dma_start3A_91 : memref<100096x8xf32, #tpu.memory_space<vmem_shared>>) offsets(%dma_start3A_88 : memref<128xi32, #tpu.memory_space<vmem>>) semaphore(%arg8 : memref<!tpu.dma_semaphore, #tpu.memory_space<semaphore_mem>>) {add = true}
          %mul3A_92 = arith.constant 8 : i32
          %mul3A_93 = arith.muli %scan3A_36, %mul3A_92 : i32
          %add3A_94 = arith.constant 4 : i32
          %add3A_95 = arith.addi %mul3A_93, %add3A_94 : i32
          %dma_start3A_96 = arith.constant 0 : i32
          %dma_start3A_97 = arith.constant 0 : i32
          %dma_start3A_98 = tpu.memref_slice %arg7[%add3A_95, %dma_start3A_96, %dma_start3A_97] : memref<40x128x8xf32, #tpu.memory_space<vmem>> -> memref<1x128x8xf32, #tpu.memory_space<vmem>>
          %dma_start3A_99 = tpu.memref_squeeze %dma_start3A_98 : memref<1x128x8xf32, #tpu.memory_space<vmem>> -> memref<128x8xf32, #tpu.memory_space<vmem>>
          %dma_start3A_100 = arith.constant 0 : i32
          %dma_start3A_101 = tpu.memref_slice %arg6[%add3A_95, %dma_start3A_100] : memref<40x128xi32, #tpu.memory_space<vmem>> -> memref<1x128xi32, #tpu.memory_space<vmem>>
          %dma_start3A_102 = tpu.memref_squeeze %dma_start3A_101 : memref<1x128xi32, #tpu.memory_space<vmem>> -> memref<128xi32, #tpu.memory_space<vmem>>
          %dma_start3A_103 = arith.constant 0 : i32
          %dma_start3A_104 = arith.constant 0 : i32
          %dma_start3A_105 = tpu.memref_slice %arg9[%dma_start3A_103, %dma_start3A_104] : memref<100096x8xf32, #tpu.memory_space<vmem_shared>> -> memref<100096x8xf32, #tpu.memory_space<vmem_shared>>
          tpu.enqueue_indirect_dma source(%dma_start3A_99 : memref<128x8xf32, #tpu.memory_space<vmem>>) target(%dma_start3A_105 : memref<100096x8xf32, #tpu.memory_space<vmem_shared>>) offsets(%dma_start3A_102 : memref<128xi32, #tpu.memory_space<vmem>>) semaphore(%arg8 : memref<!tpu.dma_semaphore, #tpu.memory_space<semaphore_mem>>) {add = true}
          %mul3A_106 = arith.constant 8 : i32
          %mul3A_107 = arith.muli %scan3A_36, %mul3A_106 : i32
          %add3A_108 = arith.constant 5 : i32
          %add3A_109 = arith.addi %mul3A_107, %add3A_108 : i32
          %dma_start3A_110 = arith.constant 0 : i32
          %dma_start3A_111 = arith.constant 0 : i32
          %dma_start3A_112 = tpu.memref_slice %arg7[%add3A_109, %dma_start3A_110, %dma_start3A_111] : memref<40x128x8xf32, #tpu.memory_space<vmem>> -> memref<1x128x8xf32, #tpu.memory_space<vmem>>
          %dma_start3A_113 = tpu.memref_squeeze %dma_start3A_112 : memref<1x128x8xf32, #tpu.memory_space<vmem>> -> memref<128x8xf32, #tpu.memory_space<vmem>>
          %dma_start3A_114 = arith.constant 0 : i32
          %dma_start3A_115 = tpu.memref_slice %arg6[%add3A_109, %dma_start3A_114] : memref<40x128xi32, #tpu.memory_space<vmem>> -> memref<1x128xi32, #tpu.memory_space<vmem>>
          %dma_start3A_116 = tpu.memref_squeeze %dma_start3A_115 : memref<1x128xi32, #tpu.memory_space<vmem>> -> memref<128xi32, #tpu.memory_space<vmem>>
          %dma_start3A_117 = arith.constant 0 : i32
          %dma_start3A_118 = arith.constant 0 : i32
          %dma_start3A_119 = tpu.memref_slice %arg9[%dma_start3A_117, %dma_start3A_118] : memref<100096x8xf32, #tpu.memory_space<vmem_shared>> -> memref<100096x8xf32, #tpu.memory_space<vmem_shared>>
          tpu.enqueue_indirect_dma source(%dma_start3A_113 : memref<128x8xf32, #tpu.memory_space<vmem>>) target(%dma_start3A_119 : memref<100096x8xf32, #tpu.memory_space<vmem_shared>>) offsets(%dma_start3A_116 : memref<128xi32, #tpu.memory_space<vmem>>) semaphore(%arg8 : memref<!tpu.dma_semaphore, #tpu.memory_space<semaphore_mem>>) {add = true}
          %mul3A_120 = arith.constant 8 : i32
          %mul3A_121 = arith.muli %scan3A_36, %mul3A_120 : i32
          %add3A_122 = arith.constant 6 : i32
          %add3A_123 = arith.addi %mul3A_121, %add3A_122 : i32
          %dma_start3A_124 = arith.constant 0 : i32
          %dma_start3A_125 = arith.constant 0 : i32
          %dma_start3A_126 = tpu.memref_slice %arg7[%add3A_123, %dma_start3A_124, %dma_start3A_125] : memref<40x128x8xf32, #tpu.memory_space<vmem>> -> memref<1x128x8xf32, #tpu.memory_space<vmem>>
          %dma_start3A_127 = tpu.memref_squeeze %dma_start3A_126 : memref<1x128x8xf32, #tpu.memory_space<vmem>> -> memref<128x8xf32, #tpu.memory_space<vmem>>
          %dma_start3A_128 = arith.constant 0 : i32
          %dma_start3A_129 = tpu.memref_slice %arg6[%add3A_123, %dma_start3A_128] : memref<40x128xi32, #tpu.memory_space<vmem>> -> memref<1x128xi32, #tpu.memory_space<vmem>>
          %dma_start3A_130 = tpu.memref_squeeze %dma_start3A_129 : memref<1x128xi32, #tpu.memory_space<vmem>> -> memref<128xi32, #tpu.memory_space<vmem>>
          %dma_start3A_131 = arith.constant 0 : i32
          %dma_start3A_132 = arith.constant 0 : i32
          %dma_start3A_133 = tpu.memref_slice %arg9[%dma_start3A_131, %dma_start3A_132] : memref<100096x8xf32, #tpu.memory_space<vmem_shared>> -> memref<100096x8xf32, #tpu.memory_space<vmem_shared>>
          tpu.enqueue_indirect_dma source(%dma_start3A_127 : memref<128x8xf32, #tpu.memory_space<vmem>>) target(%dma_start3A_133 : memref<100096x8xf32, #tpu.memory_space<vmem_shared>>) offsets(%dma_start3A_130 : memref<128xi32, #tpu.memory_space<vmem>>) semaphore(%arg8 : memref<!tpu.dma_semaphore, #tpu.memory_space<semaphore_mem>>) {add = true}
          %mul3A_134 = arith.constant 8 : i32
          %mul3A_135 = arith.muli %scan3A_36, %mul3A_134 : i32
          %add3A_136 = arith.constant 7 : i32
          %add3A_137 = arith.addi %mul3A_135, %add3A_136 : i32
          %dma_start3A_138 = arith.constant 0 : i32
          %dma_start3A_139 = arith.constant 0 : i32
          %dma_start3A_140 = tpu.memref_slice %arg7[%add3A_137, %dma_start3A_138, %dma_start3A_139] : memref<40x128x8xf32, #tpu.memory_space<vmem>> -> memref<1x128x8xf32, #tpu.memory_space<vmem>>
          %dma_start3A_141 = tpu.memref_squeeze %dma_start3A_140 : memref<1x128x8xf32, #tpu.memory_space<vmem>> -> memref<128x8xf32, #tpu.memory_space<vmem>>
          %dma_start3A_142 = arith.constant 0 : i32
          %dma_start3A_143 = tpu.memref_slice %arg6[%add3A_137, %dma_start3A_142] : memref<40x128xi32, #tpu.memory_space<vmem>> -> memref<1x128xi32, #tpu.memory_space<vmem>>
          %dma_start3A_144 = tpu.memref_squeeze %dma_start3A_143 : memref<1x128xi32, #tpu.memory_space<vmem>> -> memref<128xi32, #tpu.memory_space<vmem>>
          %dma_start3A_145 = arith.constant 0 : i32
          %dma_start3A_146 = arith.constant 0 : i32
          %dma_start3A_147 = tpu.memref_slice %arg9[%dma_start3A_145, %dma_start3A_146] : memref<100096x8xf32, #tpu.memory_space<vmem_shared>> -> memref<100096x8xf32, #tpu.memory_space<vmem_shared>>
          tpu.enqueue_indirect_dma source(%dma_start3A_141 : memref<128x8xf32, #tpu.memory_space<vmem>>) target(%dma_start3A_147 : memref<100096x8xf32, #tpu.memory_space<vmem_shared>>) offsets(%dma_start3A_144 : memref<128xi32, #tpu.memory_space<vmem>>) semaphore(%arg8 : memref<!tpu.dma_semaphore, #tpu.memory_space<semaphore_mem>>) {add = true}
        }
        %scan3A_28 = arith.constant 5 : i32
        %dma_wait3A = arith.constant 0 : i32
        %dma_wait3A_29 = arith.constant 0 : i32
        %dma_wait3A_30 = arith.constant 0 : i32
        %dma_wait3A_31 = tpu.memref_slice %arg2[%dma_wait3A, %dma_wait3A_29, %dma_wait3A_30] : memref<25000x128x8xf32, #tpu.memory_space<hbm>> -> memref<40x128x8xf32, #tpu.memory_space<hbm>>
        %dma_wait3A_32 = arith.constant 0 : i32
        %dma_wait3A_33 = arith.constant 0 : i32
        %dma_wait3A_34 = arith.constant 0 : i32
        %dma_wait3A_35 = tpu.memref_slice %arg2[%dma_wait3A_32, %dma_wait3A_33, %dma_wait3A_34] : memref<25000x128x8xf32, #tpu.memory_space<hbm>> -> memref<40x128x8xf32, #tpu.memory_space<hbm>>
        tpu.wait_dma2 semaphore(%arg8 : memref<!tpu.dma_semaphore, #tpu.memory_space<semaphore_mem>>) src(%dma_wait3A_35 : memref<40x128x8xf32, #tpu.memory_space<hbm>>) dst(%arg7 : memref<40x128x8xf32, #tpu.memory_space<vmem>>)
      } else {
      }
    }
    %scan3A_9 = arith.constant 20 : i32
    %barrier3A_10 = arith.constant 0 : index
    tpu.barrier barrier_id(%barrier3A_10)
    %mul3A_11 = arith.constant 6256 : i32
    %mul3A_12 = arith.muli %arg1, %mul3A_11 : i32
    %mul3A_13 = arith.constant 6256 : i32
    %mul3A_14 = arith.muli %arg1, %mul3A_13 : i32
    "tpu.region"() ({
      %run_scoped3A = tpu.sem_alloc : memref<!tpu.dma_semaphore, #tpu.memory_space<semaphore_mem>>
      %dma_start3A = arith.constant 0 : i32
      %dma_start3A_15 = tpu.memref_slice %arg5[%arg0, %mul3A_14, %dma_start3A] : memref<2x100096x8xf32, #tpu.memory_space<hbm>> -> memref<1x6256x8xf32, #tpu.memory_space<hbm>>
      %dma_start3A_16 = tpu.memref_squeeze %dma_start3A_15 : memref<1x6256x8xf32, #tpu.memory_space<hbm>> -> memref<6256x8xf32, #tpu.memory_space<hbm>>
      %dma_start3A_17 = arith.constant 0 : i32
      %dma_start3A_18 = tpu.memref_slice %arg9[%mul3A_12, %dma_start3A_17] : memref<100096x8xf32, #tpu.memory_space<vmem_shared>> -> memref<6256x8xf32, #tpu.memory_space<vmem_shared>>
      tpu.enqueue_dma source(%dma_start3A_18 : memref<6256x8xf32, #tpu.memory_space<vmem_shared>>) target(%dma_start3A_16 : memref<6256x8xf32, #tpu.memory_space<hbm>>) target_semaphore(%run_scoped3A : memref<!tpu.dma_semaphore, #tpu.memory_space<semaphore_mem>>)
      %dma_wait3A = arith.constant 0 : i32
      %dma_wait3A_19 = tpu.memref_slice %arg5[%arg0, %mul3A_14, %dma_wait3A] : memref<2x100096x8xf32, #tpu.memory_space<hbm>> -> memref<1x6256x8xf32, #tpu.memory_space<hbm>>
      %dma_wait3A_20 = tpu.memref_squeeze %dma_wait3A_19 : memref<1x6256x8xf32, #tpu.memory_space<hbm>> -> memref<6256x8xf32, #tpu.memory_space<hbm>>
      %dma_wait3A_21 = arith.constant 0 : i32
      %dma_wait3A_22 = tpu.memref_slice %arg9[%mul3A_12, %dma_wait3A_21] : memref<100096x8xf32, #tpu.memory_space<vmem_shared>> -> memref<6256x8xf32, #tpu.memory_space<vmem_shared>>
      tpu.wait_dma2 semaphore(%run_scoped3A : memref<!tpu.dma_semaphore, #tpu.memory_space<semaphore_mem>>) src(%dma_wait3A_22 : memref<6256x8xf32, #tpu.memory_space<vmem_shared>>) dst(%dma_wait3A_20 : memref<6256x8xf32, #tpu.memory_space<hbm>>)
      tpu.yield
    }) : () -> ()
    return
  }
}

module attributes {stable_mosaic.version = 14 : i64} {
  func.func @_mlp0_body(%arg0: i32, %arg1: memref<2000x64xf32, #tpu.memory_space<vmem>>, %arg2: memref<64x256xf32, #tpu.memory_space<vmem>>, %arg3: memref<1x256xf32, #tpu.memory_space<vmem>>, %arg4: memref<256x256xf32, #tpu.memory_space<vmem>>, %arg5: memref<1x256xf32, #tpu.memory_space<vmem>>, %arg6: memref<256x256xf32, #tpu.memory_space<vmem>>, %arg7: memref<1x256xf32, #tpu.memory_space<vmem>>, %arg8: memref<256x64xf32, #tpu.memory_space<vmem>>, %arg9: memref<1x64xf32, #tpu.memory_space<vmem>>, %arg10: memref<1000x128xf32, #tpu.memory_space<vmem>>) attributes {dimension_semantics = [#tpu.dimension_semantics<arbitrary>], iteration_bounds = array<i64: 200>, scalar_prefetch = 0 : i64, scratch_operands = 0 : i64, tpu.core_type = #tpu.core_type<tc>, window_params = [{transform_indices = @transform_0, window_bounds = array<i64: 2000, 64>}, {pipeline_mode = #tpu.pipeline_mode<synchronous>, transform_indices = @transform_1, window_bounds = array<i64: 64, 256>}, {pipeline_mode = #tpu.pipeline_mode<synchronous>, transform_indices = @transform_2, window_bounds = array<i64: 1, 256>}, {pipeline_mode = #tpu.pipeline_mode<synchronous>, transform_indices = @transform_3, window_bounds = array<i64: 256, 256>}, {pipeline_mode = #tpu.pipeline_mode<synchronous>, transform_indices = @transform_4, window_bounds = array<i64: 1, 256>}, {pipeline_mode = #tpu.pipeline_mode<synchronous>, transform_indices = @transform_5, window_bounds = array<i64: 256, 256>}, {pipeline_mode = #tpu.pipeline_mode<synchronous>, transform_indices = @transform_6, window_bounds = array<i64: 1, 256>}, {pipeline_mode = #tpu.pipeline_mode<synchronous>, transform_indices = @transform_7, window_bounds = array<i64: 256, 64>}, {pipeline_mode = #tpu.pipeline_mode<synchronous>, transform_indices = @transform_8, window_bounds = array<i64: 1, 64>}, {transform_indices = @transform_9, window_bounds = array<i64: 1000, 128>}]} {
    %get3A = arith.constant 0 : index
    %get3A_0 = arith.constant 0 : index
    %get3A_1 = vector.load %arg1[%get3A, %get3A_0] : memref<2000x64xf32, #tpu.memory_space<vmem>>, vector<2000x64xf32>
    %get3A_2 = arith.constant 0 : index
    %get3A_3 = arith.constant 0 : index
    %get3A_4 = vector.load %arg2[%get3A_2, %get3A_3] : memref<64x256xf32, #tpu.memory_space<vmem>>, vector<64x256xf32>
    %dot_general3A = arith.constant dense<0.000000e+00> : vector<2000x256xf32>
    %dot_general3A_5 = tpu.matmul %get3A_1, %get3A_4, %dot_general3A {dimension_numbers = #tpu.dot_dimension_numbers<[1], [0], [0], [1], [0, 0, 1, 1], [], []>, transpose_lhs_hint = false} : vector<2000x64xf32>, vector<64x256xf32>, vector<2000x256xf32> -> vector<2000x256xf32>
    %get3A_6 = arith.constant 0 : index
    %get3A_7 = arith.constant 0 : index
    %get3A_8 = vector.load %arg3[%get3A_6, %get3A_7] : memref<1x256xf32, #tpu.memory_space<vmem>>, vector<1x256xf32>
    %add3A = vector.broadcast %get3A_8 : vector<1x256xf32> to vector<2000x256xf32>
    %add3A_9 = arith.addf %dot_general3A_5, %add3A : vector<2000x256xf32>
    %max3A = arith.constant 0.000000e+00 : f32
    %max3A_10 = vector.broadcast %max3A : f32 to vector<2000x256xf32>
    %max3A_11 = arith.maximumf %add3A_9, %max3A_10 : vector<2000x256xf32>
    %get3A_12 = arith.constant 0 : index
    %get3A_13 = arith.constant 0 : index
    %get3A_14 = vector.load %arg4[%get3A_12, %get3A_13] : memref<256x256xf32, #tpu.memory_space<vmem>>, vector<256x256xf32>
    %dot_general3A_15 = arith.constant dense<0.000000e+00> : vector<2000x256xf32>
    %dot_general3A_16 = tpu.matmul %max3A_11, %get3A_14, %dot_general3A_15 {dimension_numbers = #tpu.dot_dimension_numbers<[1], [0], [0], [1], [0, 0, 1, 1], [], []>, transpose_lhs_hint = false} : vector<2000x256xf32>, vector<256x256xf32>, vector<2000x256xf32> -> vector<2000x256xf32>
    %get3A_17 = arith.constant 0 : index
    %get3A_18 = arith.constant 0 : index
    %get3A_19 = vector.load %arg5[%get3A_17, %get3A_18] : memref<1x256xf32, #tpu.memory_space<vmem>>, vector<1x256xf32>
    %add3A_20 = vector.broadcast %get3A_19 : vector<1x256xf32> to vector<2000x256xf32>
    %add3A_21 = arith.addf %dot_general3A_16, %add3A_20 : vector<2000x256xf32>
    %max3A_22 = arith.constant 0.000000e+00 : f32
    %max3A_23 = vector.broadcast %max3A_22 : f32 to vector<2000x256xf32>
    %max3A_24 = arith.maximumf %add3A_21, %max3A_23 : vector<2000x256xf32>
    %get3A_25 = arith.constant 0 : index
    %get3A_26 = arith.constant 0 : index
    %get3A_27 = vector.load %arg6[%get3A_25, %get3A_26] : memref<256x256xf32, #tpu.memory_space<vmem>>, vector<256x256xf32>
    %dot_general3A_28 = arith.constant dense<0.000000e+00> : vector<2000x256xf32>
    %dot_general3A_29 = tpu.matmul %max3A_24, %get3A_27, %dot_general3A_28 {dimension_numbers = #tpu.dot_dimension_numbers<[1], [0], [0], [1], [0, 0, 1, 1], [], []>, transpose_lhs_hint = false} : vector<2000x256xf32>, vector<256x256xf32>, vector<2000x256xf32> -> vector<2000x256xf32>
    %get3A_30 = arith.constant 0 : index
    %get3A_31 = arith.constant 0 : index
    %get3A_32 = vector.load %arg7[%get3A_30, %get3A_31] : memref<1x256xf32, #tpu.memory_space<vmem>>, vector<1x256xf32>
    %add3A_33 = vector.broadcast %get3A_32 : vector<1x256xf32> to vector<2000x256xf32>
    %add3A_34 = arith.addf %dot_general3A_29, %add3A_33 : vector<2000x256xf32>
    %max3A_35 = arith.constant 0.000000e+00 : f32
    %max3A_36 = vector.broadcast %max3A_35 : f32 to vector<2000x256xf32>
    %max3A_37 = arith.maximumf %add3A_34, %max3A_36 : vector<2000x256xf32>
    %get3A_38 = arith.constant 0 : index
    %get3A_39 = arith.constant 0 : index
    %get3A_40 = vector.load %arg8[%get3A_38, %get3A_39] : memref<256x64xf32, #tpu.memory_space<vmem>>, vector<256x64xf32>
    %dot_general3A_41 = arith.constant dense<0.000000e+00> : vector<2000x64xf32>
    %dot_general3A_42 = tpu.matmul %max3A_37, %get3A_40, %dot_general3A_41 {dimension_numbers = #tpu.dot_dimension_numbers<[1], [0], [0], [1], [0, 0, 1, 1], [], []>, transpose_lhs_hint = false} : vector<2000x256xf32>, vector<256x64xf32>, vector<2000x64xf32> -> vector<2000x64xf32>
    %get3A_43 = arith.constant 0 : index
    %get3A_44 = arith.constant 0 : index
    %get3A_45 = vector.load %arg9[%get3A_43, %get3A_44] : memref<1x64xf32, #tpu.memory_space<vmem>>, vector<1x64xf32>
    %add3A_46 = vector.broadcast %get3A_45 : vector<1x64xf32> to vector<2000x64xf32>
    %add3A_47 = arith.addf %dot_general3A_42, %add3A_46 : vector<2000x64xf32>
    %slice3A = vector.extract_strided_slice %add3A_47 {offsets = [0, 0], sizes = [1000, 64], strides = [1, 1]} : vector<2000x64xf32> to vector<1000x64xf32>
    %slice3A_48 = vector.extract_strided_slice %add3A_47 {offsets = [1000, 0], sizes = [1000, 64], strides = [1, 1]} : vector<2000x64xf32> to vector<1000x64xf32>
    %concatenate3A = tpu.concatenate %slice3A, %slice3A_48 in 1 : vector<1000x64xf32>, vector<1000x64xf32> -> vector<1000x128xf32>
    %swap3A = arith.constant 0 : index
    %swap3A_49 = arith.constant 0 : index
    %swap3A_50 = vector.load %arg10[%swap3A, %swap3A_49] : memref<1000x128xf32, #tpu.memory_space<vmem>>, vector<1000x128xf32>
    tpu.vector_store %arg10[%swap3A, %swap3A_49], %concatenate3A {strides = array<i32>} : memref<1000x128xf32, #tpu.memory_space<vmem>>, vector<1000x128xf32>,
    return
  }
  func.func @transform_0(%arg0: i32) -> (i32, i32) {
    %c0_i32 = arith.constant 0 : i32
    %c0_i32_0 = arith.constant 0 : i32
    return %arg0, %c0_i32 : i32, i32
  }
  func.func @transform_1(%arg0: i32) -> (i32, i32) {
    %c0_i32 = arith.constant 0 : i32
    %c0_i32_0 = arith.constant 0 : i32
    %c0_i32_1 = arith.constant 0 : i32
    return %c0_i32, %c0_i32_0 : i32, i32
  }
  func.func @transform_2(%arg0: i32) -> (i32, i32) {
    %c0_i32 = arith.constant 0 : i32
    %c0_i32_0 = arith.constant 0 : i32
    %c0_i32_1 = arith.constant 0 : i32
    return %c0_i32, %c0_i32_0 : i32, i32
  }
  func.func @transform_3(%arg0: i32) -> (i32, i32) {
    %c0_i32 = arith.constant 0 : i32
    %c0_i32_0 = arith.constant 0 : i32
    %c0_i32_1 = arith.constant 0 : i32
    return %c0_i32, %c0_i32_0 : i32, i32
  }
  func.func @transform_4(%arg0: i32) -> (i32, i32) {
    %c0_i32 = arith.constant 0 : i32
    %c0_i32_0 = arith.constant 0 : i32
    %c0_i32_1 = arith.constant 0 : i32
    return %c0_i32, %c0_i32_0 : i32, i32
  }
  func.func @transform_5(%arg0: i32) -> (i32, i32) {
    %c0_i32 = arith.constant 0 : i32
    %c0_i32_0 = arith.constant 0 : i32
    %c0_i32_1 = arith.constant 0 : i32
    return %c0_i32, %c0_i32_0 : i32, i32
  }
  func.func @transform_6(%arg0: i32) -> (i32, i32) {
    %c0_i32 = arith.constant 0 : i32
    %c0_i32_0 = arith.constant 0 : i32
    %c0_i32_1 = arith.constant 0 : i32
    return %c0_i32, %c0_i32_0 : i32, i32
  }
  func.func @transform_7(%arg0: i32) -> (i32, i32) {
    %c0_i32 = arith.constant 0 : i32
    %c0_i32_0 = arith.constant 0 : i32
    %c0_i32_1 = arith.constant 0 : i32
    return %c0_i32, %c0_i32_0 : i32, i32
  }
  func.func @transform_8(%arg0: i32) -> (i32, i32) {
    %c0_i32 = arith.constant 0 : i32
    %c0_i32_0 = arith.constant 0 : i32
    %c0_i32_1 = arith.constant 0 : i32
    return %c0_i32, %c0_i32_0 : i32, i32
  }
  func.func @transform_9(%arg0: i32) -> (i32, i32) {
    %c0_i32 = arith.constant 0 : i32
    %c0_i32_0 = arith.constant 0 : i32
    return %arg0, %c0_i32 : i32, i32
  }
}

module attributes {stable_mosaic.version = 14 : i64} {
  func.func @_gru_body(%arg0: i32, %arg1: memref<4000x8xf32, #tpu.memory_space<vmem>>, %arg2: memref<4000x8xf32, #tpu.memory_space<vmem>>, %arg3: memref<4000x16xf32, #tpu.memory_space<vmem>>, %arg4: memref<4000x16xf32, #tpu.memory_space<vmem>>, %arg5: memref<8x48xf32, #tpu.memory_space<vmem>>, %arg6: memref<16x48xf32, #tpu.memory_space<vmem>>, %arg7: memref<1x48xf32, #tpu.memory_space<vmem>>, %arg8: memref<16x48xf32, #tpu.memory_space<vmem>>, %arg9: memref<1x48xf32, #tpu.memory_space<vmem>>, %arg10: memref<16x2xf32, #tpu.memory_space<vmem>>, %arg11: memref<1x2xf32, #tpu.memory_space<vmem>>, %arg12: memref<4000x16xf32, #tpu.memory_space<vmem>>, %arg13: memref<4000x2xf32, #tpu.memory_space<vmem>>) attributes {dimension_semantics = [#tpu.dimension_semantics<arbitrary>], iteration_bounds = array<i64: 25>, scalar_prefetch = 0 : i64, scratch_operands = 0 : i64, tpu.core_type = #tpu.core_type<tc>, window_params = [{transform_indices = @transform_0, window_bounds = array<i64: 4000, 8>}, {transform_indices = @transform_1, window_bounds = array<i64: 4000, 8>}, {transform_indices = @transform_2, window_bounds = array<i64: 4000, 16>}, {transform_indices = @transform_3, window_bounds = array<i64: 4000, 16>}, {pipeline_mode = #tpu.pipeline_mode<synchronous>, transform_indices = @transform_4, window_bounds = array<i64: 8, 48>}, {pipeline_mode = #tpu.pipeline_mode<synchronous>, transform_indices = @transform_5, window_bounds = array<i64: 16, 48>}, {pipeline_mode = #tpu.pipeline_mode<synchronous>, transform_indices = @transform_6, window_bounds = array<i64: 1, 48>}, {pipeline_mode = #tpu.pipeline_mode<synchronous>, transform_indices = @transform_7, window_bounds = array<i64: 16, 48>}, {pipeline_mode = #tpu.pipeline_mode<synchronous>, transform_indices = @transform_8, window_bounds = array<i64: 1, 48>}, {pipeline_mode = #tpu.pipeline_mode<synchronous>, transform_indices = @transform_9, window_bounds = array<i64: 16, 2>}, {pipeline_mode = #tpu.pipeline_mode<synchronous>, transform_indices = @transform_10, window_bounds = array<i64: 1, 2>}, {transform_indices = @transform_11, window_bounds = array<i64: 4000, 16>}, {transform_indices = @transform_12, window_bounds = array<i64: 4000, 2>}]} {
    %get3A = arith.constant 0 : index
    %get3A_0 = arith.constant 0 : index
    %get3A_1 = vector.load %arg1[%get3A, %get3A_0] : memref<4000x8xf32, #tpu.memory_space<vmem>>, vector<4000x8xf32>
    %get3A_2 = arith.constant 0 : index
    %get3A_3 = arith.constant 0 : index
    %get3A_4 = vector.load %arg2[%get3A_2, %get3A_3] : memref<4000x8xf32, #tpu.memory_space<vmem>>, vector<4000x8xf32>
    %add3A = arith.addf %get3A_1, %get3A_4 : vector<4000x8xf32>
    %get3A_5 = arith.constant 0 : index
    %get3A_6 = arith.constant 0 : index
    %get3A_7 = vector.load %arg5[%get3A_5, %get3A_6] : memref<8x48xf32, #tpu.memory_space<vmem>>, vector<8x48xf32>
    %dot_general3A = arith.constant dense<0.000000e+00> : vector<4000x48xf32>
    %dot_general3A_8 = tpu.matmul %add3A, %get3A_7, %dot_general3A {dimension_numbers = #tpu.dot_dimension_numbers<[1], [0], [0], [1], [0, 0, 1, 1], [], []>, transpose_lhs_hint = false} : vector<4000x8xf32>, vector<8x48xf32>, vector<4000x48xf32> -> vector<4000x48xf32>
    %get3A_9 = arith.constant 0 : index
    %get3A_10 = arith.constant 0 : index
    %get3A_11 = vector.load %arg3[%get3A_9, %get3A_10] : memref<4000x16xf32, #tpu.memory_space<vmem>>, vector<4000x16xf32>
    %get3A_12 = arith.constant 0 : index
    %get3A_13 = arith.constant 0 : index
    %get3A_14 = vector.load %arg6[%get3A_12, %get3A_13] : memref<16x48xf32, #tpu.memory_space<vmem>>, vector<16x48xf32>
    %dot_general3A_15 = arith.constant dense<0.000000e+00> : vector<4000x48xf32>
    %dot_general3A_16 = tpu.matmul %get3A_11, %get3A_14, %dot_general3A_15 {dimension_numbers = #tpu.dot_dimension_numbers<[1], [0], [0], [1], [0, 0, 1, 1], [], []>, transpose_lhs_hint = false} : vector<4000x16xf32>, vector<16x48xf32>, vector<4000x48xf32> -> vector<4000x48xf32>
    %add3A_17 = arith.addf %dot_general3A_8, %dot_general3A_16 : vector<4000x48xf32>
    %get3A_18 = arith.constant 0 : index
    %get3A_19 = arith.constant 0 : index
    %get3A_20 = vector.load %arg7[%get3A_18, %get3A_19] : memref<1x48xf32, #tpu.memory_space<vmem>>, vector<1x48xf32>
    %add3A_21 = vector.broadcast %get3A_20 : vector<1x48xf32> to vector<4000x48xf32>
    %add3A_22 = arith.addf %add3A_17, %add3A_21 : vector<4000x48xf32>
    %get3A_23 = arith.constant 0 : index
    %get3A_24 = arith.constant 0 : index
    %get3A_25 = vector.load %arg4[%get3A_23, %get3A_24] : memref<4000x16xf32, #tpu.memory_space<vmem>>, vector<4000x16xf32>
    %get3A_26 = arith.constant 0 : index
    %get3A_27 = arith.constant 0 : index
    %get3A_28 = vector.load %arg8[%get3A_26, %get3A_27] : memref<16x48xf32, #tpu.memory_space<vmem>>, vector<16x48xf32>
    %dot_general3A_29 = arith.constant dense<0.000000e+00> : vector<4000x48xf32>
    %dot_general3A_30 = tpu.matmul %get3A_25, %get3A_28, %dot_general3A_29 {dimension_numbers = #tpu.dot_dimension_numbers<[1], [0], [0], [1], [0, 0, 1, 1], [], []>, transpose_lhs_hint = false} : vector<4000x16xf32>, vector<16x48xf32>, vector<4000x48xf32> -> vector<4000x48xf32>
    %get3A_31 = arith.constant 0 : index
    %get3A_32 = arith.constant 0 : index
    %get3A_33 = vector.load %arg9[%get3A_31, %get3A_32] : memref<1x48xf32, #tpu.memory_space<vmem>>, vector<1x48xf32>
    %add3A_34 = vector.broadcast %get3A_33 : vector<1x48xf32> to vector<4000x48xf32>
    %add3A_35 = arith.addf %dot_general3A_30, %add3A_34 : vector<4000x48xf32>
    %slice3A = vector.extract_strided_slice %add3A_22 {offsets = [0, 0], sizes = [4000, 16], strides = [1, 1]} : vector<4000x48xf32> to vector<4000x16xf32>
    %slice3A_36 = vector.extract_strided_slice %add3A_35 {offsets = [0, 0], sizes = [4000, 16], strides = [1, 1]} : vector<4000x48xf32> to vector<4000x16xf32>
    %add3A_37 = arith.addf %slice3A, %slice3A_36 : vector<4000x16xf32>
    %logistic3A = arith.negf %add3A_37 : vector<4000x16xf32>
    %logistic3A_38 = math.exp %logistic3A : vector<4000x16xf32>
    %logistic3A_39 = arith.constant 1.000000e+00 : f32
    %logistic3A_40 = vector.broadcast %logistic3A_39 : f32 to vector<4000x16xf32>
    %logistic3A_41 = arith.addf %logistic3A_40, %logistic3A_38 : vector<4000x16xf32>
    %logistic3A_42 = arith.divf %logistic3A_40, %logistic3A_41 : vector<4000x16xf32>
    %slice3A_43 = vector.extract_strided_slice %add3A_22 {offsets = [0, 16], sizes = [4000, 16], strides = [1, 1]} : vector<4000x48xf32> to vector<4000x16xf32>
    %slice3A_44 = vector.extract_strided_slice %add3A_35 {offsets = [0, 16], sizes = [4000, 16], strides = [1, 1]} : vector<4000x48xf32> to vector<4000x16xf32>
    %add3A_45 = arith.addf %slice3A_43, %slice3A_44 : vector<4000x16xf32>
    %logistic3A_46 = arith.negf %add3A_45 : vector<4000x16xf32>
    %logistic3A_47 = math.exp %logistic3A_46 : vector<4000x16xf32>
    %logistic3A_48 = arith.constant 1.000000e+00 : f32
    %logistic3A_49 = vector.broadcast %logistic3A_48 : f32 to vector<4000x16xf32>
    %logistic3A_50 = arith.addf %logistic3A_49, %logistic3A_47 : vector<4000x16xf32>
    %logistic3A_51 = arith.divf %logistic3A_49, %logistic3A_50 : vector<4000x16xf32>
    %slice3A_52 = vector.extract_strided_slice %add3A_22 {offsets = [0, 32], sizes = [4000, 16], strides = [1, 1]} : vector<4000x48xf32> to vector<4000x16xf32>
    %slice3A_53 = vector.extract_strided_slice %add3A_35 {offsets = [0, 32], sizes = [4000, 16], strides = [1, 1]} : vector<4000x48xf32> to vector<4000x16xf32>
    %mul3A = arith.mulf %logistic3A_42, %slice3A_53 : vector<4000x16xf32>
    %add3A_54 = arith.addf %slice3A_52, %mul3A : vector<4000x16xf32>
    %tanh3A = math.tanh %add3A_54 : vector<4000x16xf32>
    %sub3A = arith.constant 1.000000e+00 : f32
    %sub3A_55 = vector.broadcast %sub3A : f32 to vector<4000x16xf32>
    %sub3A_56 = arith.subf %sub3A_55, %logistic3A_51 : vector<4000x16xf32>
    %mul3A_57 = arith.mulf %sub3A_56, %tanh3A : vector<4000x16xf32>
    %mul3A_58 = arith.mulf %logistic3A_51, %get3A_25 : vector<4000x16xf32>
    %add3A_59 = arith.addf %mul3A_57, %mul3A_58 : vector<4000x16xf32>
    %swap3A = arith.constant 0 : index
    %swap3A_60 = arith.constant 0 : index
    %swap3A_61 = vector.load %arg12[%swap3A, %swap3A_60] : memref<4000x16xf32, #tpu.memory_space<vmem>>, vector<4000x16xf32>
    tpu.vector_store %arg12[%swap3A, %swap3A_60], %add3A_59 {strides = array<i32>} : memref<4000x16xf32, #tpu.memory_space<vmem>>, vector<4000x16xf32>,
    %get3A_62 = arith.constant 0 : index
    %get3A_63 = arith.constant 0 : index
    %get3A_64 = vector.load %arg10[%get3A_62, %get3A_63] : memref<16x2xf32, #tpu.memory_space<vmem>>, vector<16x2xf32>
    %dot_general3A_65 = arith.constant dense<0.000000e+00> : vector<4000x2xf32>
    %dot_general3A_66 = tpu.matmul %add3A_59, %get3A_64, %dot_general3A_65 {dimension_numbers = #tpu.dot_dimension_numbers<[1], [0], [0], [1], [0, 0, 1, 1], [], []>, transpose_lhs_hint = false} : vector<4000x16xf32>, vector<16x2xf32>, vector<4000x2xf32> -> vector<4000x2xf32>
    %get3A_67 = arith.constant 0 : index
    %get3A_68 = arith.constant 0 : index
    %get3A_69 = vector.load %arg11[%get3A_67, %get3A_68] : memref<1x2xf32, #tpu.memory_space<vmem>>, vector<1x2xf32>
    %add3A_70 = vector.broadcast %get3A_69 : vector<1x2xf32> to vector<4000x2xf32>
    %add3A_71 = arith.addf %dot_general3A_66, %add3A_70 : vector<4000x2xf32>
    %swap3A_72 = arith.constant 0 : index
    %swap3A_73 = arith.constant 0 : index
    %swap3A_74 = vector.load %arg13[%swap3A_72, %swap3A_73] : memref<4000x2xf32, #tpu.memory_space<vmem>>, vector<4000x2xf32>
    tpu.vector_store %arg13[%swap3A_72, %swap3A_73], %add3A_71 {strides = array<i32>} : memref<4000x2xf32, #tpu.memory_space<vmem>>, vector<4000x2xf32>,
    return
  }
  func.func @transform_0(%arg0: i32) -> (i32, i32) {
    %c0_i32 = arith.constant 0 : i32
    %c0_i32_0 = arith.constant 0 : i32
    return %arg0, %c0_i32 : i32, i32
  }
  func.func @transform_1(%arg0: i32) -> (i32, i32) {
    %c0_i32 = arith.constant 0 : i32
    %c0_i32_0 = arith.constant 0 : i32
    return %arg0, %c0_i32 : i32, i32
  }
  func.func @transform_2(%arg0: i32) -> (i32, i32) {
    %c0_i32 = arith.constant 0 : i32
    %c0_i32_0 = arith.constant 0 : i32
    return %arg0, %c0_i32 : i32, i32
  }
  func.func @transform_3(%arg0: i32) -> (i32, i32) {
    %c0_i32 = arith.constant 0 : i32
    %c0_i32_0 = arith.constant 0 : i32
    return %arg0, %c0_i32 : i32, i32
  }
  func.func @transform_4(%arg0: i32) -> (i32, i32) {
    %c0_i32 = arith.constant 0 : i32
    %c0_i32_0 = arith.constant 0 : i32
    %c0_i32_1 = arith.constant 0 : i32
    return %c0_i32, %c0_i32_0 : i32, i32
  }
  func.func @transform_5(%arg0: i32) -> (i32, i32) {
    %c0_i32 = arith.constant 0 : i32
    %c0_i32_0 = arith.constant 0 : i32
    %c0_i32_1 = arith.constant 0 : i32
    return %c0_i32, %c0_i32_0 : i32, i32
  }
  func.func @transform_6(%arg0: i32) -> (i32, i32) {
    %c0_i32 = arith.constant 0 : i32
    %c0_i32_0 = arith.constant 0 : i32
    %c0_i32_1 = arith.constant 0 : i32
    return %c0_i32, %c0_i32_0 : i32, i32
  }
  func.func @transform_7(%arg0: i32) -> (i32, i32) {
    %c0_i32 = arith.constant 0 : i32
    %c0_i32_0 = arith.constant 0 : i32
    %c0_i32_1 = arith.constant 0 : i32
    return %c0_i32, %c0_i32_0 : i32, i32
  }
  func.func @transform_8(%arg0: i32) -> (i32, i32) {
    %c0_i32 = arith.constant 0 : i32
    %c0_i32_0 = arith.constant 0 : i32
    %c0_i32_1 = arith.constant 0 : i32
    return %c0_i32, %c0_i32_0 : i32, i32
  }
  func.func @transform_9(%arg0: i32) -> (i32, i32) {
    %c0_i32 = arith.constant 0 : i32
    %c0_i32_0 = arith.constant 0 : i32
    %c0_i32_1 = arith.constant 0 : i32
    return %c0_i32, %c0_i32_0 : i32, i32
  }
  func.func @transform_10(%arg0: i32) -> (i32, i32) {
    %c0_i32 = arith.constant 0 : i32
    %c0_i32_0 = arith.constant 0 : i32
    %c0_i32_1 = arith.constant 0 : i32
    return %c0_i32, %c0_i32_0 : i32, i32
  }
  func.func @transform_11(%arg0: i32) -> (i32, i32) {
    %c0_i32 = arith.constant 0 : i32
    %c0_i32_0 = arith.constant 0 : i32
    return %arg0, %c0_i32 : i32, i32
  }
  func.func @transform_12(%arg0: i32) -> (i32, i32) {
    %c0_i32 = arith.constant 0 : i32
    %c0_i32_0 = arith.constant 0 : i32
    return %arg0, %c0_i32 : i32, i32
  }
}

module attributes {stable_mosaic.version = 14 : i64} {
  func.func @_mlp1_body(%arg0: i32, %arg1: memref<2000x128xf32, #tpu.memory_space<vmem>>, %arg2: memref<2000x128xf32, #tpu.memory_space<vmem>>, %arg3: memref<2000x64xf32, #tpu.memory_space<vmem>>, %arg4: memref<128x256xf32, #tpu.memory_space<vmem>>, %arg5: memref<128x256xf32, #tpu.memory_space<vmem>>, %arg6: memref<64x256xf32, #tpu.memory_space<vmem>>, %arg7: memref<1x256xf32, #tpu.memory_space<vmem>>, %arg8: memref<256x256xf32, #tpu.memory_space<vmem>>, %arg9: memref<1x256xf32, #tpu.memory_space<vmem>>, %arg10: memref<256x256xf32, #tpu.memory_space<vmem>>, %arg11: memref<1x256xf32, #tpu.memory_space<vmem>>, %arg12: memref<256x64xf32, #tpu.memory_space<vmem>>, %arg13: memref<1x64xf32, #tpu.memory_space<vmem>>, %arg14: memref<1000x128xf32, #tpu.memory_space<vmem>>) attributes {dimension_semantics = [#tpu.dimension_semantics<arbitrary>], iteration_bounds = array<i64: 200>, scalar_prefetch = 0 : i64, scratch_operands = 0 : i64, tpu.core_type = #tpu.core_type<tc>, window_params = [{transform_indices = @transform_0, window_bounds = array<i64: 2000, 128>}, {transform_indices = @transform_1, window_bounds = array<i64: 2000, 128>}, {transform_indices = @transform_2, window_bounds = array<i64: 2000, 64>}, {pipeline_mode = #tpu.pipeline_mode<synchronous>, transform_indices = @transform_3, window_bounds = array<i64: 128, 256>}, {pipeline_mode = #tpu.pipeline_mode<synchronous>, transform_indices = @transform_4, window_bounds = array<i64: 128, 256>}, {pipeline_mode = #tpu.pipeline_mode<synchronous>, transform_indices = @transform_5, window_bounds = array<i64: 64, 256>}, {pipeline_mode = #tpu.pipeline_mode<synchronous>, transform_indices = @transform_6, window_bounds = array<i64: 1, 256>}, {pipeline_mode = #tpu.pipeline_mode<synchronous>, transform_indices = @transform_7, window_bounds = array<i64: 256, 256>}, {pipeline_mode = #tpu.pipeline_mode<synchronous>, transform_indices = @transform_8, window_bounds = array<i64: 1, 256>}, {pipeline_mode = #tpu.pipeline_mode<synchronous>, transform_indices = @transform_9, window_bounds = array<i64: 256, 256>}, {pipeline_mode = #tpu.pipeline_mode<synchronous>, transform_indices = @transform_10, window_bounds = array<i64: 1, 256>}, {pipeline_mode = #tpu.pipeline_mode<synchronous>, transform_indices = @transform_11, window_bounds = array<i64: 256, 64>}, {pipeline_mode = #tpu.pipeline_mode<synchronous>, transform_indices = @transform_12, window_bounds = array<i64: 1, 64>}, {transform_indices = @transform_13, window_bounds = array<i64: 1000, 128>}]} {
    %get3A = arith.constant 0 : index
    %get3A_0 = arith.constant 0 : index
    %get3A_1 = vector.load %arg1[%get3A, %get3A_0] : memref<2000x128xf32, #tpu.memory_space<vmem>>, vector<2000x128xf32>
    %get3A_2 = arith.constant 0 : index
    %get3A_3 = arith.constant 0 : index
    %get3A_4 = vector.load %arg4[%get3A_2, %get3A_3] : memref<128x256xf32, #tpu.memory_space<vmem>>, vector<128x256xf32>
    %dot_general3A = arith.constant dense<0.000000e+00> : vector<2000x256xf32>
    %dot_general3A_5 = tpu.matmul %get3A_1, %get3A_4, %dot_general3A {dimension_numbers = #tpu.dot_dimension_numbers<[1], [0], [0], [1], [0, 0, 1, 1], [], []>, transpose_lhs_hint = false} : vector<2000x128xf32>, vector<128x256xf32>, vector<2000x256xf32> -> vector<2000x256xf32>
    %get3A_6 = arith.constant 0 : index
    %get3A_7 = arith.constant 0 : index
    %get3A_8 = vector.load %arg2[%get3A_6, %get3A_7] : memref<2000x128xf32, #tpu.memory_space<vmem>>, vector<2000x128xf32>
    %get3A_9 = arith.constant 0 : index
    %get3A_10 = arith.constant 0 : index
    %get3A_11 = vector.load %arg5[%get3A_9, %get3A_10] : memref<128x256xf32, #tpu.memory_space<vmem>>, vector<128x256xf32>
    %dot_general3A_12 = arith.constant dense<0.000000e+00> : vector<2000x256xf32>
    %dot_general3A_13 = tpu.matmul %get3A_8, %get3A_11, %dot_general3A_12 {dimension_numbers = #tpu.dot_dimension_numbers<[1], [0], [0], [1], [0, 0, 1, 1], [], []>, transpose_lhs_hint = false} : vector<2000x128xf32>, vector<128x256xf32>, vector<2000x256xf32> -> vector<2000x256xf32>
    %add3A = arith.addf %dot_general3A_5, %dot_general3A_13 : vector<2000x256xf32>
    %get3A_14 = arith.constant 0 : index
    %get3A_15 = arith.constant 0 : index
    %get3A_16 = vector.load %arg3[%get3A_14, %get3A_15] : memref<2000x64xf32, #tpu.memory_space<vmem>>, vector<2000x64xf32>
    %get3A_17 = arith.constant 0 : index
    %get3A_18 = arith.constant 0 : index
    %get3A_19 = vector.load %arg6[%get3A_17, %get3A_18] : memref<64x256xf32, #tpu.memory_space<vmem>>, vector<64x256xf32>
    %dot_general3A_20 = arith.constant dense<0.000000e+00> : vector<2000x256xf32>
    %dot_general3A_21 = tpu.matmul %get3A_16, %get3A_19, %dot_general3A_20 {dimension_numbers = #tpu.dot_dimension_numbers<[1], [0], [0], [1], [0, 0, 1, 1], [], []>, transpose_lhs_hint = false} : vector<2000x64xf32>, vector<64x256xf32>, vector<2000x256xf32> -> vector<2000x256xf32>
    %add3A_22 = arith.addf %add3A, %dot_general3A_21 : vector<2000x256xf32>
    %get3A_23 = arith.constant 0 : index
    %get3A_24 = arith.constant 0 : index
    %get3A_25 = vector.load %arg7[%get3A_23, %get3A_24] : memref<1x256xf32, #tpu.memory_space<vmem>>, vector<1x256xf32>
    %add3A_26 = vector.broadcast %get3A_25 : vector<1x256xf32> to vector<2000x256xf32>
    %add3A_27 = arith.addf %add3A_22, %add3A_26 : vector<2000x256xf32>
    %max3A = arith.constant 0.000000e+00 : f32
    %max3A_28 = vector.broadcast %max3A : f32 to vector<2000x256xf32>
    %max3A_29 = arith.maximumf %add3A_27, %max3A_28 : vector<2000x256xf32>
    %get3A_30 = arith.constant 0 : index
    %get3A_31 = arith.constant 0 : index
    %get3A_32 = vector.load %arg8[%get3A_30, %get3A_31] : memref<256x256xf32, #tpu.memory_space<vmem>>, vector<256x256xf32>
    %dot_general3A_33 = arith.constant dense<0.000000e+00> : vector<2000x256xf32>
    %dot_general3A_34 = tpu.matmul %max3A_29, %get3A_32, %dot_general3A_33 {dimension_numbers = #tpu.dot_dimension_numbers<[1], [0], [0], [1], [0, 0, 1, 1], [], []>, transpose_lhs_hint = false} : vector<2000x256xf32>, vector<256x256xf32>, vector<2000x256xf32> -> vector<2000x256xf32>
    %get3A_35 = arith.constant 0 : index
    %get3A_36 = arith.constant 0 : index
    %get3A_37 = vector.load %arg9[%get3A_35, %get3A_36] : memref<1x256xf32, #tpu.memory_space<vmem>>, vector<1x256xf32>
    %add3A_38 = vector.broadcast %get3A_37 : vector<1x256xf32> to vector<2000x256xf32>
    %add3A_39 = arith.addf %dot_general3A_34, %add3A_38 : vector<2000x256xf32>
    %max3A_40 = arith.constant 0.000000e+00 : f32
    %max3A_41 = vector.broadcast %max3A_40 : f32 to vector<2000x256xf32>
    %max3A_42 = arith.maximumf %add3A_39, %max3A_41 : vector<2000x256xf32>
    %get3A_43 = arith.constant 0 : index
    %get3A_44 = arith.constant 0 : index
    %get3A_45 = vector.load %arg10[%get3A_43, %get3A_44] : memref<256x256xf32, #tpu.memory_space<vmem>>, vector<256x256xf32>
    %dot_general3A_46 = arith.constant dense<0.000000e+00> : vector<2000x256xf32>
    %dot_general3A_47 = tpu.matmul %max3A_42, %get3A_45, %dot_general3A_46 {dimension_numbers = #tpu.dot_dimension_numbers<[1], [0], [0], [1], [0, 0, 1, 1], [], []>, transpose_lhs_hint = false} : vector<2000x256xf32>, vector<256x256xf32>, vector<2000x256xf32> -> vector<2000x256xf32>
    %get3A_48 = arith.constant 0 : index
    %get3A_49 = arith.constant 0 : index
    %get3A_50 = vector.load %arg11[%get3A_48, %get3A_49] : memref<1x256xf32, #tpu.memory_space<vmem>>, vector<1x256xf32>
    %add3A_51 = vector.broadcast %get3A_50 : vector<1x256xf32> to vector<2000x256xf32>
    %add3A_52 = arith.addf %dot_general3A_47, %add3A_51 : vector<2000x256xf32>
    %max3A_53 = arith.constant 0.000000e+00 : f32
    %max3A_54 = vector.broadcast %max3A_53 : f32 to vector<2000x256xf32>
    %max3A_55 = arith.maximumf %add3A_52, %max3A_54 : vector<2000x256xf32>
    %get3A_56 = arith.constant 0 : index
    %get3A_57 = arith.constant 0 : index
    %get3A_58 = vector.load %arg12[%get3A_56, %get3A_57] : memref<256x64xf32, #tpu.memory_space<vmem>>, vector<256x64xf32>
    %dot_general3A_59 = arith.constant dense<0.000000e+00> : vector<2000x64xf32>
    %dot_general3A_60 = tpu.matmul %max3A_55, %get3A_58, %dot_general3A_59 {dimension_numbers = #tpu.dot_dimension_numbers<[1], [0], [0], [1], [0, 0, 1, 1], [], []>, transpose_lhs_hint = false} : vector<2000x256xf32>, vector<256x64xf32>, vector<2000x64xf32> -> vector<2000x64xf32>
    %get3A_61 = arith.constant 0 : index
    %get3A_62 = arith.constant 0 : index
    %get3A_63 = vector.load %arg13[%get3A_61, %get3A_62] : memref<1x64xf32, #tpu.memory_space<vmem>>, vector<1x64xf32>
    %add3A_64 = vector.broadcast %get3A_63 : vector<1x64xf32> to vector<2000x64xf32>
    %add3A_65 = arith.addf %dot_general3A_60, %add3A_64 : vector<2000x64xf32>
    %slice3A = vector.extract_strided_slice %add3A_65 {offsets = [0, 0], sizes = [1000, 64], strides = [1, 1]} : vector<2000x64xf32> to vector<1000x64xf32>
    %slice3A_66 = vector.extract_strided_slice %add3A_65 {offsets = [1000, 0], sizes = [1000, 64], strides = [1, 1]} : vector<2000x64xf32> to vector<1000x64xf32>
    %concatenate3A = tpu.concatenate %slice3A, %slice3A_66 in 1 : vector<1000x64xf32>, vector<1000x64xf32> -> vector<1000x128xf32>
    %swap3A = arith.constant 0 : index
    %swap3A_67 = arith.constant 0 : index
    %swap3A_68 = vector.load %arg14[%swap3A, %swap3A_67] : memref<1000x128xf32, #tpu.memory_space<vmem>>, vector<1000x128xf32>
    tpu.vector_store %arg14[%swap3A, %swap3A_67], %concatenate3A {strides = array<i32>} : memref<1000x128xf32, #tpu.memory_space<vmem>>, vector<1000x128xf32>,
    return
  }
  func.func @transform_0(%arg0: i32) -> (i32, i32) {
    %c0_i32 = arith.constant 0 : i32
    %c0_i32_0 = arith.constant 0 : i32
    return %arg0, %c0_i32 : i32, i32
  }
  func.func @transform_1(%arg0: i32) -> (i32, i32) {
    %c0_i32 = arith.constant 0 : i32
    %c0_i32_0 = arith.constant 0 : i32
    return %arg0, %c0_i32 : i32, i32
  }
  func.func @transform_2(%arg0: i32) -> (i32, i32) {
    %c0_i32 = arith.constant 0 : i32
    %c0_i32_0 = arith.constant 0 : i32
    return %arg0, %c0_i32 : i32, i32
  }
  func.func @transform_3(%arg0: i32) -> (i32, i32) {
    %c0_i32 = arith.constant 0 : i32
    %c0_i32_0 = arith.constant 0 : i32
    %c0_i32_1 = arith.constant 0 : i32
    return %c0_i32, %c0_i32_0 : i32, i32
  }
  func.func @transform_4(%arg0: i32) -> (i32, i32) {
    %c0_i32 = arith.constant 0 : i32
    %c0_i32_0 = arith.constant 0 : i32
    %c0_i32_1 = arith.constant 0 : i32
    return %c0_i32, %c0_i32_0 : i32, i32
  }
  func.func @transform_5(%arg0: i32) -> (i32, i32) {
    %c0_i32 = arith.constant 0 : i32
    %c0_i32_0 = arith.constant 0 : i32
    %c0_i32_1 = arith.constant 0 : i32
    return %c0_i32, %c0_i32_0 : i32, i32
  }
  func.func @transform_6(%arg0: i32) -> (i32, i32) {
    %c0_i32 = arith.constant 0 : i32
    %c0_i32_0 = arith.constant 0 : i32
    %c0_i32_1 = arith.constant 0 : i32
    return %c0_i32, %c0_i32_0 : i32, i32
  }
  func.func @transform_7(%arg0: i32) -> (i32, i32) {
    %c0_i32 = arith.constant 0 : i32
    %c0_i32_0 = arith.constant 0 : i32
    %c0_i32_1 = arith.constant 0 : i32
    return %c0_i32, %c0_i32_0 : i32, i32
  }
  func.func @transform_8(%arg0: i32) -> (i32, i32) {
    %c0_i32 = arith.constant 0 : i32
    %c0_i32_0 = arith.constant 0 : i32
    %c0_i32_1 = arith.constant 0 : i32
    return %c0_i32, %c0_i32_0 : i32, i32
  }
  func.func @transform_9(%arg0: i32) -> (i32, i32) {
    %c0_i32 = arith.constant 0 : i32
    %c0_i32_0 = arith.constant 0 : i32
    %c0_i32_1 = arith.constant 0 : i32
    return %c0_i32, %c0_i32_0 : i32, i32
  }
  func.func @transform_10(%arg0: i32) -> (i32, i32) {
    %c0_i32 = arith.constant 0 : i32
    %c0_i32_0 = arith.constant 0 : i32
    %c0_i32_1 = arith.constant 0 : i32
    return %c0_i32, %c0_i32_0 : i32, i32
  }
  func.func @transform_11(%arg0: i32) -> (i32, i32) {
    %c0_i32 = arith.constant 0 : i32
    %c0_i32_0 = arith.constant 0 : i32
    %c0_i32_1 = arith.constant 0 : i32
    return %c0_i32, %c0_i32_0 : i32, i32
  }
  func.func @transform_12(%arg0: i32) -> (i32, i32) {
    %c0_i32 = arith.constant 0 : i32
    %c0_i32_0 = arith.constant 0 : i32
    %c0_i32_1 = arith.constant 0 : i32
    return %c0_i32, %c0_i32_0 : i32, i32
  }
  func.func @transform_13(%arg0: i32) -> (i32, i32) {
    %c0_i32 = arith.constant 0 : i32
    %c0_i32_0 = arith.constant 0 : i32
    return %arg0, %c0_i32 : i32, i32
  }
}

</mosaic_0001>

<sc_bundles>
// kernel: kernel.12.cloned.1.call-start
scs
__scs_entry_jumppad:
0x0: {  	(pc) =	sbr.rel $0x88, $3  }
0x1: {  	(tag) =	ssettag $0x0;
	lr =	simm.s32 $0x1  }
0x2: {  	[smem:$0x3F8F] =	sst lr;
	_ =	strace $0xD0000000  }
0x3: {  	_ = 	snop  }
0x4: {  	_ = 	snop  }
0x5: {  	_ = 	snop  }
0x6: {  	_ = 	snop  }
0x7: {  	_ = 	snop  }
__scs_overlays_trampoline_lowered:
0x8: {  	[smem:$0x3F9E] =	sst s0  }
0x9: {  	[smem:$0x3F9F] =	sst s1  }
0xa: {  	[smem:$0x3FA0] =	sst s2  }
0xb: {  	[smem:$0x3FA1] =	sst s3  }
0xc: {  	[smem:$0x3FA2] =	sst s4  }
0xd: {  	[smem:$0x3FA3] =	sst s5  }
0xe: {  	[smem:$0x3FA4] =	sst s6  }
0xf: {  	[smem:$0x3FA5] =	sst s7  }
0x10: {  	[smem:$0x3FA6] =	sst s8  }
0x11: {  	[smem:$0x3FA7] =	sst s9;
	s0 =	simm.s32 @!p0 $0x0  }
0x12: {  	s1 =	sld [smem:$0x3F8D];
	s0 =	simm.s32 @p0 $0x1  }
0x13: {  	[smem:$0x3FA8] =	sst s0;
	s0 =	simm.s32 @!p1 $0x0  }
0x14: {  	s2 =	sld [smem:$0x3F8C];
	s0 =	simm.s32 @p1 $0x1  }
0x15: {  	[smem:$0x3FA9] =	sst s0;
	s0 =	simm.s32 @!p2 $0x0  }
0x16: {  	s3 =	sld [smem:$0x3FDB];
	s0 =	simm.s32 @p2 $0x1  }
0x17: {  	s4 =	simm.s32 $0x1BF5;
	[smem:$0x3FAB] =	sst s0  }
0x18: {  	s0 =	sld [smem:$0x3F8E];
	_ =	swait.ge [sflag:s4], $0x0  }
0x19: {  	s7 =	sld [smem:$0x3F8F]  }
0x1a: {  	s8 =	sadd.s32 $0xFFFFE003, lr  }
0x1b: {  	s9 =	sadd.s32 $0xFFFFFEF7, lr;
	s5 =	simm.s32 $0xFFFFFFFF;
	p2 =	slt.u32 s8, $0xFFFFF086  }
0x1c: {  	p1 =	slt.u32 s9, $0xF7A;
	s5 =	simm.s32 @!p2 $0x0  }
0x1d: {  	s5 =	simm.s32 @p1 $0x1;
	p0 =	seq.s32 s7, s2  }
0x1e: {  	s7 =	smul.u32 @!p0 $0xF7A, s2;
	p2 =	seq.s32 @!p0 s5, $0x0  }
0x1f: {  	s9 =	smul.u32 $0xF7A, s1;
	s8 =	simm.s32 @!p0 $0x1BF5;
	p2 =	por !p2, p0  }
0x20: {  	[sflag:s8] =	ssyncset.s32 @!p0 $0xFFFFF086;
	s6 =	sadd.s32 @!p0 s3, s7;
	s7 =	simm.s32 @!p0 $0x108  }
0x21: {  	s3 =	sadd.s32 s3, s9;
	s6 =	sadd.s32 @!p0 $0x88, s6;
	s7 =	simm.s32 @p2 $0x1082  }
0x22: {  	[simem:s7], [sflag:s8] =	dma.local @!p0 [hbm:s6], $0xF7A  }
0x23: {  	s9 =	sor.u32 $0xD0000000, s2;
	s6 =	simm.s32 $0x108;
	_ =	swait.ge @!p0 [sflag:s8], $0x0  }
0x24: {  	s3 =	sadd.s32 $0x88, s3;
	s6 =	simm.s32 @!p1 $0x1082;
	[sflag:s4] =	ssyncset.s32 $0xFFFFF086  }
0x25: {  	[simem:s6], [sflag:s4] =	dma.local [hbm:s3], $0xF7A  }
0x26: {  	[smem:$0x3F8F] =	sst s1;
	(tag) =	ssettag s2;
	_ =	strace s9  }
0x27: {  	s1 =	sld [smem:$0x3F9F]  }
0x28: {  	s2 =	sld [smem:$0x3FA0]  }
0x29: {  	s4 =	sld [smem:$0x3FA2]  }
0x2a: {  	p0 =	seq.s32 s5, $0x0;
	s5 =	sld [smem:$0x3FA3]  }
0x2b: {  	s6 =	sld [smem:$0x3FA4]  }
0x2c: {  	s7 =	sld [smem:$0x3FA5]  }
0x2d: {  	s3 =	simm.s32 $0x108;
	s8 =	sld [smem:$0x3FA6]  }
0x2e: {  	s3 =	simm.s32 @!p0 $0x1082;
	s9 =	sld [smem:$0x3FA7]  }
0x2f: {  	lr =	sadd.s32 s0, s3;
	s0 =	sld [smem:$0x3F9E]  }
0x30: {  	s3 =	sld [smem:$0x3FA1]  }
0x31: {  	[smem:$0x3FAA] =	sst s10  }
0x32: {  	s10 =	sld [smem:$0x3FA8];
	_ =	sdelay $0x3  }
0x33: {  	p0 =	seq.s32 s10, $0x1;
	s10 =	sld [smem:$0x3FAA];
	_ =	sdelay $0x3  }
0x34: {  	[smem:$0x3FAA] =	sst s10  }
0x35: {  	s10 =	sld [smem:$0x3FA9];
	_ =	sdelay $0x3  }
0x36: {  	p1 =	seq.s32 s10, $0x1;
	s10 =	sld [smem:$0x3FAA];
	_ =	sdelay $0x3  }
0x37: {  	[smem:$0x3FAA] =	sst s10  }
0x38: {  	s10 =	sld [smem:$0x3FAB]  }
0x39: {  	_ = 	snop;
	(pc) =	sbr.ind lr, $3  }
0x3a: {  	_ = 	snop  }
0x3b: {  	_ = 	snop  }
0x3c: {  	p2 =	seq.s32 s10, $0x1;
	s10 =	sld [smem:$0x3FAA]  }
0x3d: {  	_ =	shalt  }
0x3e: {  	_ =	shalt  }
0x3f: {  	_ =	shalt  }
0x40: {  	_ =	shalt  }
0x41: {  	_ =	shalt  }
0x42: {  	_ =	shalt  }
0x43: {  	_ =	shalt  }
0x44: {  	_ =	shalt  }
0x45: {  	_ =	shalt  }
0x46: {  	_ =	shalt  }
0x47: {  	_ =	shalt  }
0x48: {  	_ =	shalt  }
0x49: {  	_ =	shalt  }
0x4a: {  	_ =	shalt  }
0x4b: {  	_ =	shalt  }
0x4c: {  	_ =	shalt  }
0x4d: {  	_ =	shalt  }
0x4e: {  	_ =	shalt  }
0x4f: {  	_ =	shalt  }
0x50: {  	_ =	shalt  }
0x51: {  	_ =	shalt  }
0x52: {  	_ =	shalt  }
0x53: {  	_ =	shalt  }
0x54: {  	_ =	shalt  }
0x55: {  	_ =	shalt  }
0x56: {  	_ =	shalt  }
0x57: {  	_ =	shalt  }
0x58: {  	_ =	shalt  }
0x59: {  	_ =	shalt  }
0x5a: {  	_ =	shalt  }
0x5b: {  	_ =	shalt  }
0x5c: {  	_ =	shalt  }
0x5d: {  	_ =	shalt  }
0x5e: {  	_ =	shalt  }
0x5f: {  	_ =	shalt  }
0x60: {  	_ =	shalt  }
0x61: {  	_ =	shalt  }
0x62: {  	_ =	shalt  }
0x63: {  	_ =	shalt  }
0x64: {  	_ =	shalt  }
0x65: {  	_ =	shalt  }
0x66: {  	_ =	shalt  }
0x67: {  	_ =	shalt  }
0x68: {  	_ =	shalt  }
0x69: {  	_ =	shalt  }
0x6a: {  	_ =	shalt  }
0x6b: {  	_ =	shalt  }
0x6c: {  	_ =	shalt  }
0x6d: {  	_ =	shalt  }
0x6e: {  	_ =	shalt  }
0x6f: {  	_ =	shalt  }
0x70: {  	_ =	shalt  }
0x71: {  	_ =	shalt  }
0x72: {  	_ =	shalt  }
0x73: {  	_ =	shalt  }
0x74: {  	_ =	shalt  }
0x75: {  	_ =	shalt  }
0x76: {  	_ =	shalt  }
0x77: {  	_ =	shalt  }
0x78: {  	_ =	shalt  }
0x79: {  	_ =	shalt  }
0x7a: {  	_ =	shalt  }
0x7b: {  	_ =	shalt  }
0x7c: {  	_ =	shalt  }
0x7d: {  	_ =	shalt  }
0x7e: {  	_ =	shalt  }
0x7f: {  	_ =	shalt  }
0x80: {  	_ =	shalt  }
0x81: {  	_ =	shalt  }
0x82: {  	_ =	shalt  }
0x83: {  	_ =	shalt  }
0x84: {  	_ =	shalt  }
0x85: {  	_ =	shalt  }
0x86: {  	_ =	shalt  }
0x87: {  	_ =	shalt  }
.Lfunc_end0:
.L_simem_size_0:
called_computation.1_lowered:
.L_overlay_start_0:
0x88: {  	s2 =	sld [smem:$0x3FD9]  }
0x89: {  	s3 =	sld [smem:$0x3FFE];
	_ =	sdelay $0x1  }
0x8a: {  	s1 =	srdreg.scid  }
0x8b: {  	s0 =	sand.u32 $0x1, s1  }
0x8c: {  	s17 =	sshll.u32 s0, $0xA;
	s2 =	sadd.s32 s3, s2  }
0x8d: {  	s2 =	sadd.s32 s2, s17  }
0x8e: {  	[smem:$0x3FB6] =	sst s2  }
0x8f: {  	_ = 	snop  }
0x90: {  	s2 =	sld [smem:$0x3FC8]  }
0x91: {  	s18 =	sld [smem:$0x3FC7];
	(tm) =	ssettm $0x1  }
0x92: {  	s4 =	sld [smem:$0x3FFB];
	_ =	sdelay $0x3  }
0x93: {  	_ =	strace s4  }
0x94: {  	s4 =	sld [smem:$0x3FFC];
	_ =	sdelay $0x3  }
0x95: {  	_ =	strace s4  }
0x96: {  	s4 =	sld [smem:$0x3FFD];
	_ =	sdelay $0x3  }
0x97: {  	_ =	strace s4  }
0x98: {  	_ =	strace $0x8FFFFFFF  }
0x99: {  	s19 =	sld [smem:$0x3FDB];
	_ =	sdelay $0x1  }
0x9a: {  	s5 =	simm.s32 $_scs_section_size  }
0x9b: {  	s6 =	simm.s32 $_size__tile_overlayer_lowered;
	s7 =	simm.s32 $_tile_overlayer_lowered  }
0x9c: {  	s22 =	simm.s32 $0x1BFF;
	s21 =	sshll.u32 s7, $0x1;
	s4 =	sadd.s32 s5, s19  }
0x9d: {  	s8 =	simm.s32 $0x0;
	s20 =	sshll.u32 s6, $0x1;
	s6 =	sadd.s32 s21, s4  }
0x9e: {  	[timem:s8], [sflag:s22] =	dma.local [hbm:s6], s20  }
0x9f: {  	_ =	swait.ge [sflag:s22], s20  }
0xa0: {  	s5 =	ssub.s32 $0x0, s20;
	[sflag:s22] =	ssyncset.done $0x0  }
0xa1: {  	[sflag:s22] =	ssyncadd.s32 s5;
	_ =	sdelay $0x1  }
0xa2: {  	s23 =	simm.s32 $0x1B8B  }
0xa3: {  	_ =	swait.ge [sflag:s23], $0x1  }
0xa4: {  	[sflag:s23] =	ssyncset.done $0x0  }
0xa5: {  	s25 =	simm.s32 $0x1B8E;
	s24 =	sld [smem:$0x3FFE];
	[sflag:s23] =	ssyncadd.s32 $0xFFFFFFFF  }
0xa6: {  	s26 =	simm.s32 $execute0_lowered;
	[smem:$0x3FD2] =	sst s25  }
0xa7: {  	s6 =	sshll.u32 s26, $0x1;
	_ =	strace $0x80000049;
	[dreg:$0x1] =	wrdreg $0xFFFFFFFF  }
0xa8: {  	s28 =	simm.s32 $_size_execute0_lowered;
	s4 =	sadd.s32 s4, s6;
	[dreg:$0x0] =	wrdreg $0x0  }
0xa9: {  	s6 =	sshll.u32 s28, $0x1;
	[dreg:$0x2] =	wrdreg s4  }
0xaa: {  	[dreg:$0x3] =	wrdreg s6  }
0xab: {  	[dreg:$0x4] =	wrdreg $0xC0  }
0xac: {  	_ =	task [dreg:s8], $0x5FFFF  }
0xad: {  	[dreg:$0x1] =	wrdreg $0xFFFFFFFF  }
0xae: {  	[dreg:$0x0] =	wrdreg $0x60  }
0xaf: {  	[dreg:$0x2] =	wrdreg s24  }
0xb0: {  	[dreg:$0x3] =	wrdreg s2  }
0xb1: {  	[dreg:$0x4] =	wrdreg s18  }
0xb2: {  	[dreg:$0x5] =	wrdreg $0x9  }
0xb3: {  	_ =	task.clear_ibuf [dreg:s8], $0x6FFFF;
	_ =	strace $0x90000049  }
0xb4: {  	s29 =	simm.s32 $0x9;
	_ =	strace $0x8000004B  }
0xb5: {  	_ =	swait.ge [sflag:s29], $0x1  }
0xb6: {  	[sflag:s29] =	ssyncadd.s32 $0xFFFFFFFF  }
0xb7: {  	_ =	strace $0x9000004B  }
0xb8: {  	_ =	sfence  }
0xb9: {  	s30 =	sld [smem:$0x0];
	_ =	sdelay $0x2  }
0xba: {  	s31 =	sshll.u32 s1, $0xD;
	s1 =	sshrl.u32 s1, $0x2  }
0xbb: {  	s3 =	sand.u32 $0x4000, s31;
	s1 =	sadd.s32 s1, s30  }
0xbc: {  	s0 =	sor.u32 s3, s0;
	s1 =	sshll.u32 s1, $0x11  }
0xbd: {  	s0 =	sor.u32 s1, s0  }
0xbe: {  	s0 =	sadd.s32 $0x8F2B, s0  }
0xbf: {  	[sflag:s0] =	ssyncadd.remote.s32 $0x1  }
0xc0: {  	_ =	sfence.sel $0xFFFF  }
0xc1: {  	[dreg:$0x0] =	wrdreg $0xFFFFFFFF;
	(pc) =	sbr.abs _section_cstart, $3  }
0xc2: {  	[dreg:$0x1] =	wrdreg $0xFFFFFFFF  }
0xc3: {  	_ =	task.clear_ibuf [dreg:s8], $0x2FFFF;
	_ =	strace $0x9FFFFFFF  }
0xc4: {  	(tm) =	ssettm $0x7FFFFFFF  }
0xc5: {  	_ =	shalt  }
tec
execute0_lowered:
.L_overlay_start_1:
0x0: {  	(tag) =	ssettag $0x1  }
0x1: {  	s0 =	rddreg [dreg:$0x0]  }
0x2: {  	s1 =	rddreg [dreg:$0x1]  }
0x3: {  	s4 =	rddreg [dreg:$0x2];
	s2 =	simm.s32 $0x0  }
0x4: {  	s11 =	stileid.u32;
	s3 =	srdreg.scid;
	s12 =	simm.s32 $0x1400  }
0x5: {  	s28 =	simm.s32 $0x11C00;
	s29 =	simm.s32 $0x1100;
	s30 =	simm.s32 $0x12400  }
0x6: {  	s31 =	simm.s32 $0x1180;
	s13 =	simm.s32 $0x1380;
	s14 =	simm.s32 $0x14C00  }
0x7: {  	s15 =	simm.s32 $0x1;
	s16 =	simm.s32 $0x2;
	s18 =	simm.s32 $0x0  }
0x8: {  	[smem:$0x7FF] =	sst s2;
	s5 =	smul.u32 $0x5000, s11;
	s6 =	sand.u32 $0x1, s3  }
0x9: {  	s8 =	smul.u32 $0x500, s11;
	s3 =	sadd.s32 $0x392E00, s0;
	s24 =	sshll.u32 s11, $0x1  }
0xa: {  	s11 =	simm.s32 $0x80;
	s7 =	ssub.s32 $0x2, s6;
	s10 =	smul.u32 $0x280, s6  }
0xb: {  	_ =	strace $0x8000004A;
	s23 =	smul.u32 $0x2800, s6;
	s9 =	sshrl.u32 s7, $0x1  }
0xc: {  	s0 =	sadd.s32 s5, s0;
	s1 =	sadd.s32 s8, s1;
	s25 =	sadd.s32 s8, s4  }
0xd: {  	s4 =	simm.s32 $0x13400;
	s8 =	simm.s32 $0x1300;
	s22 =	ssub.s32 s7, s9  }
0xe: {  	s1 =	sadd.s32 s10, s1;
	s0 =	sadd.s32 s23, s0;
	s7 =	sor.u32 s6, s24  }
0xf: {  	s23 =	simm.s32 $0x10C00;
	s24 =	simm.s32 $0x1000;
	s6 =	simm.s32 $0x13C00  }
0x10: {  	s9 =	simm.s32 $0x14400;
	s5 =	smax.u32 s22, $0x1;
	[dreg:$0x5] =	wrdreg s1  }
.Ltmp0:
0x11: {  	s26 =	sadd.s32 $0x9DEA00, s0;
	[dreg:$0x4] =	wrdreg s5;
	(pc) =	sbr.rel .LBB2_1-.Ltmp0, $4  }
0x12: {  	s1 =	sadd.s32 s10, s25;
	s0 =	sadd.s32 $0xFF9200, s0;
	[dreg:$0x6] =	wrdreg s26  }
0x13: {  	s10 =	simm.s32 $0x3;
	s22 =	simm.s32 $0xF80;
	[dreg:$0x7] =	wrdreg s1  }
0x14: {  	s25 =	simm.s32 $0x11400;
	[dreg:$0x8] =	wrdreg s0;
	s26 =	simm.s32 $0x1080  }
0x15: {  	s0 =	simm.s32 $0x12C00;
	s1 =	simm.s32 $0x1200;
	s5 =	simm.s32 $0x1280  }
.LBB2_9:
0x16: {  	s18 =	rddreg [dreg:$0x9]  }
0x17: {  	s17 =	rddreg [dreg:$0x4];
	s18 =	sadd.s32 $0x1, s18  }
0x18: {  	p0 =	sne.s32 s18, s17  }
.Ltmp1:
0x19: {  	_ = 	snop;
	(pc) =	sbr.rel @!p0 .LBB2_10-.Ltmp1, $1  }
0x1a: {  	_ =	sdelay $0x3  }
.LBB2_1:
.Ltmp2:
0x1b: {  	(pc) =	sbr.rel .LBB2_2-.Ltmp2, $4  }
0x1c: {  	_ = 	snop  }
0x1d: {  	[dreg:$0x9] =	wrdreg s18  }
0x1e: {  	s17 =	rddreg [dreg:$0x6]  }
0x1f: {  	s18 =	rddreg [dreg:$0x5];
	s19 =	simm.s32 $0x0  }
.LBB2_4:
0x20: {  	s19 =	sadd.s32 $0x20, s19  }
0x21: {  	p0 =	sne.s32 s19, $0x280  }
.Ltmp3:
0x22: {  	_ = 	snop;
	(pc) =	sbr.rel @!p0 .LBB2_5-.Ltmp3, $2  }
0x23: {  	_ =	sdelay $0x2  }
0x24: {  	s18 =	sadd.s32 $0x5000, s18;
	s17 =	sadd.s32 $0x50000, s17  }
.LBB2_2:
0x25: {  	s20 =	sadd.s32 s19, s7  }
0x26: {  	p0 =	sgt.u32 s20, $0x270  }
.Ltmp4:
0x27: {  	_ = 	snop;
	(pc) =	sbr.rel @p0 .LBB2_4-.Ltmp4, $1  }
0x28: {  	_ =	sdelay $0x3  }
0x29: {  	[tilespmem:s2], [sflag:$0x3] =	stream.linear.gather [hbm4b:s18+s2], $0x1400, $0x38;
	[tilespmem:$0x15400] =	vst v63  }
0x2a: {  	_ =	swait.ge [sflag:s10], $0x1400  }
0x2b: {  	[sflag:s10] =	ssyncset.done $0x0  }
0x2c: {  	[sflag:s10] =	ssyncadd.s32 $0xFFFFEC00  }
0x2d: {  	[tilespmem:s12], [sflag:$0x1] =	stream.indirect.gather [hbm4b:s3+s11], $0x10, s2, s11, $0xb8;
	[tilespmem:$0x15400] =	vst v63  }
0x2e: {  	s20 =	simm.s32 $0x1C00  }
0x2f: {  	[tilespmem:s20], [sflag:$0x1] =	stream.indirect.gather [hbm4b:s3+s11], $0x10, s11, s11, $0xb8;
	[tilespmem:$0x15400] =	vst v63  }
0x30: {  	s21 =	simm.s32 $0x2400;
	s20 =	simm.s32 $0x100  }
0x31: {  	[tilespmem:s21], [sflag:$0x1] =	stream.indirect.gather [hbm4b:s3+s11], $0x10, s20, s11, $0xb8;
	[tilespmem:$0x15400] =	vst v63  }
0x32: {  	s20 =	simm.s32 $0x180;
	s21 =	simm.s32 $0x2C00  }
0x33: {  	[tilespmem:s21], [sflag:$0x1] =	stream.indirect.gather [hbm4b:s3+s11], $0x10, s20, s11, $0xb8;
	[tilespmem:$0x15400] =	vst v63  }
0x34: {  	s20 =	simm.s32 $0x200;
	s21 =	simm.s32 $0x3400  }
0x35: {  	[tilespmem:s21], [sflag:$0x1] =	stream.indirect.gather [hbm4b:s3+s11], $0x10, s20, s11, $0xb8;
	[tilespmem:$0x15400] =	vst v63  }
0x36: {  	s20 =	simm.s32 $0x280;
	s21 =	simm.s32 $0x3C00  }
0x37: {  	[tilespmem:s21], [sflag:$0x1] =	stream.indirect.gather [hbm4b:s3+s11], $0x10, s20, s11, $0xb8;
	[tilespmem:$0x15400] =	vst v63  }
0x38: {  	s20 =	simm.s32 $0x300;
	s21 =	simm.s32 $0x4400  }
0x39: {  	[tilespmem:s21], [sflag:$0x1] =	stream.indirect.gather [hbm4b:s3+s11], $0x10, s20, s11, $0xb8;
	[tilespmem:$0x15400] =	vst v63  }
0x3a: {  	s20 =	simm.s32 $0x380;
	s21 =	simm.s32 $0x4C00  }
0x3b: {  	[tilespmem:s21], [sflag:$0x1] =	stream.indirect.gather [hbm4b:s3+s11], $0x10, s20, s11, $0xb8;
	[tilespmem:$0x15400] =	vst v63  }
0x3c: {  	s20 =	simm.s32 $0x400;
	s21 =	simm.s32 $0x5400  }
0x3d: {  	[tilespmem:s21], [sflag:$0x1] =	stream.indirect.gather [hbm4b:s3+s11], $0x10, s20, s11, $0xb8;
	[tilespmem:$0x15400] =	vst v63  }
0x3e: {  	s20 =	simm.s32 $0x480;
	s21 =	simm.s32 $0x5C00  }
0x3f: {  	[tilespmem:s21], [sflag:$0x1] =	stream.indirect.gather [hbm4b:s3+s11], $0x10, s20, s11, $0xb8;
	[tilespmem:$0x15400] =	vst v63  }
0x40: {  	s20 =	simm.s32 $0x500;
	s21 =	simm.s32 $0x6400  }
0x41: {  	[tilespmem:s21], [sflag:$0x1] =	stream.indirect.gather [hbm4b:s3+s11], $0x10, s20, s11, $0xb8;
	[tilespmem:$0x15400] =	vst v63  }
0x42: {  	s20 =	simm.s32 $0x580;
	s21 =	simm.s32 $0x6C00  }
0x43: {  	[tilespmem:s21], [sflag:$0x1] =	stream.indirect.gather [hbm4b:s3+s11], $0x10, s20, s11, $0xb8;
	[tilespmem:$0x15400] =	vst v63  }
0x44: {  	s20 =	simm.s32 $0x600;
	s21 =	simm.s32 $0x7400  }
0x45: {  	[tilespmem:s21], [sflag:$0x1] =	stream.indirect.gather [hbm4b:s3+s11], $0x10, s20, s11, $0xb8;
	[tilespmem:$0x15400] =	vst v63  }
0x46: {  	s20 =	simm.s32 $0x680;
	s21 =	simm.s32 $0x7C00  }
0x47: {  	[tilespmem:s21], [sflag:$0x1] =	stream.indirect.gather [hbm4b:s3+s11], $0x10, s20, s11, $0xb8;
	[tilespmem:$0x15400] =	vst v63  }
0x48: {  	s20 =	simm.s32 $0x700;
	s21 =	simm.s32 $0x8400  }
0x49: {  	[tilespmem:s21], [sflag:$0x1] =	stream.indirect.gather [hbm4b:s3+s11], $0x10, s20, s11, $0xb8;
	[tilespmem:$0x15400] =	vst v63  }
0x4a: {  	s20 =	simm.s32 $0x780;
	s21 =	simm.s32 $0x8C00  }
0x4b: {  	[tilespmem:s21], [sflag:$0x1] =	stream.indirect.gather [hbm4b:s3+s11], $0x10, s20, s11, $0xb8;
	[tilespmem:$0x15400] =	vst v63  }
0x4c: {  	s20 =	simm.s32 $0x800;
	s21 =	simm.s32 $0x9400  }
0x4d: {  	[tilespmem:s21], [sflag:$0x1] =	stream.indirect.gather [hbm4b:s3+s11], $0x10, s20, s11, $0xb8;
	[tilespmem:$0x15400] =	vst v63  }
0x4e: {  	s20 =	simm.s32 $0x880;
	s21 =	simm.s32 $0x9C00  }
0x4f: {  	[tilespmem:s21], [sflag:$0x1] =	stream.indirect.gather [hbm4b:s3+s11], $0x10, s20, s11, $0xb8;
	[tilespmem:$0x15400] =	vst v63  }
0x50: {  	s20 =	simm.s32 $0x900;
	s21 =	simm.s32 $0xA400  }
0x51: {  	[tilespmem:s21], [sflag:$0x1] =	stream.indirect.gather [hbm4b:s3+s11], $0x10, s20, s11, $0xb8;
	[tilespmem:$0x15400] =	vst v63  }
0x52: {  	s20 =	simm.s32 $0x980;
	s21 =	simm.s32 $0xAC00  }
0x53: {  	[tilespmem:s21], [sflag:$0x1] =	stream.indirect.gather [hbm4b:s3+s11], $0x10, s20, s11, $0xb8;
	[tilespmem:$0x15400] =	vst v63  }
0x54: {  	s20 =	simm.s32 $0xA00;
	s21 =	simm.s32 $0xB400  }
0x55: {  	[tilespmem:s21], [sflag:$0x1] =	stream.indirect.gather [hbm4b:s3+s11], $0x10, s20, s11, $0xb8;
	[tilespmem:$0x15400] =	vst v63  }
0x56: {  	s20 =	simm.s32 $0xA80;
	s21 =	simm.s32 $0xBC00  }
0x57: {  	[tilespmem:s21], [sflag:$0x1] =	stream.indirect.gather [hbm4b:s3+s11], $0x10, s20, s11, $0xb8;
	[tilespmem:$0x15400] =	vst v63  }
0x58: {  	s20 =	simm.s32 $0xB00;
	s21 =	simm.s32 $0xC400  }
0x59: {  	[tilespmem:s21], [sflag:$0x1] =	stream.indirect.gather [hbm4b:s3+s11], $0x10, s20, s11, $0xb8;
	[tilespmem:$0x15400] =	vst v63  }
0x5a: {  	s20 =	simm.s32 $0xB80;
	s21 =	simm.s32 $0xCC00  }
0x5b: {  	[tilespmem:s21], [sflag:$0x1] =	stream.indirect.gather [hbm4b:s3+s11], $0x10, s20, s11, $0xb8;
	[tilespmem:$0x15400] =	vst v63  }
0x5c: {  	s20 =	simm.s32 $0xC00;
	s21 =	simm.s32 $0xD400  }
0x5d: {  	[tilespmem:s21], [sflag:$0x1] =	stream.indirect.gather [hbm4b:s3+s11], $0x10, s20, s11, $0xb8;
	[tilespmem:$0x15400] =	vst v63  }
0x5e: {  	s20 =	simm.s32 $0xC80;
	s21 =	simm.s32 $0xDC00  }
0x5f: {  	[tilespmem:s21], [sflag:$0x1] =	stream.indirect.gather [hbm4b:s3+s11], $0x10, s20, s11, $0xb8;
	[tilespmem:$0x15400] =	vst v63  }
0x60: {  	s20 =	simm.s32 $0xD00;
	s21 =	simm.s32 $0xE400  }
0x61: {  	[tilespmem:s21], [sflag:$0x1] =	stream.indirect.gather [hbm4b:s3+s11], $0x10, s20, s11, $0xb8;
	[tilespmem:$0x15400] =	vst v63  }
0x62: {  	s20 =	simm.s32 $0xD80;
	s21 =	simm.s32 $0xEC00  }
0x63: {  	[tilespmem:s21], [sflag:$0x1] =	stream.indirect.gather [hbm4b:s3+s11], $0x10, s20, s11, $0xb8;
	[tilespmem:$0x15400] =	vst v63  }
0x64: {  	s20 =	simm.s32 $0xE00;
	s21 =	simm.s32 $0xF400  }
0x65: {  	[tilespmem:s21], [sflag:$0x1] =	stream.indirect.gather [hbm4b:s3+s11], $0x10, s20, s11, $0xb8;
	[tilespmem:$0x15400] =	vst v63  }
0x66: {  	s20 =	simm.s32 $0xE80;
	s21 =	simm.s32 $0xFC00  }
0x67: {  	[tilespmem:s21], [sflag:$0x1] =	stream.indirect.gather [hbm4b:s3+s11], $0x10, s20, s11, $0xb8;
	[tilespmem:$0x15400] =	vst v63  }
0x68: {  	s20 =	simm.s32 $0xF00;
	s21 =	simm.s32 $0x10400  }
0x69: {  	[tilespmem:s21], [sflag:$0x1] =	stream.indirect.gather [hbm4b:s3+s11], $0x10, s20, s11, $0xb8;
	[tilespmem:$0x15400] =	vst v63  }
0x6a: {  	_ = 	snop  }
0x6b: {  	[tilespmem:s23], [sflag:$0x1] =	stream.indirect.gather [hbm4b:s3+s11], $0x10, s22, s11, $0xb8;
	[tilespmem:$0x15400] =	vst v63  }
0x6c: {  	_ = 	snop  }
0x6d: {  	[tilespmem:s25], [sflag:$0x1] =	stream.indirect.gather [hbm4b:s3+s11], $0x10, s24, s11, $0xb8;
	[tilespmem:$0x15400] =	vst v63  }
0x6e: {  	_ = 	snop  }
0x6f: {  	[tilespmem:s28], [sflag:$0x1] =	stream.indirect.gather [hbm4b:s3+s11], $0x10, s26, s11, $0xb8;
	[tilespmem:$0x15400] =	vst v63  }
0x70: {  	_ = 	snop  }
0x71: {  	[tilespmem:s30], [sflag:$0x1] =	stream.indirect.gather [hbm4b:s3+s11], $0x10, s29, s11, $0xb8;
	[tilespmem:$0x15400] =	vst v63  }
0x72: {  	_ = 	snop  }
0x73: {  	[tilespmem:s0], [sflag:$0x1] =	stream.indirect.gather [hbm4b:s3+s11], $0x10, s31, s11, $0xb8;
	[tilespmem:$0x15400] =	vst v63  }
0x74: {  	_ = 	snop  }
0x75: {  	[tilespmem:s4], [sflag:$0x1] =	stream.indirect.gather [hbm4b:s3+s11], $0x10, s1, s11, $0xb8;
	[tilespmem:$0x15400] =	vst v63  }
0x76: {  	_ = 	snop  }
0x77: {  	[tilespmem:s6], [sflag:$0x1] =	stream.indirect.gather [hbm4b:s3+s11], $0x10, s5, s11, $0xb8;
	[tilespmem:$0x15400] =	vst v63  }
0x78: {  	_ = 	snop  }
0x79: {  	[tilespmem:s9], [sflag:$0x1] =	stream.indirect.gather [hbm4b:s3+s11], $0x10, s8, s11, $0xb8;
	[tilespmem:$0x15400] =	vst v63  }
0x7a: {  	_ = 	snop  }
0x7b: {  	[tilespmem:s14], [sflag:$0x1] =	stream.indirect.gather [hbm4b:s3+s11], $0x10, s13, s11, $0xb8;
	[tilespmem:$0x15400] =	vst v63  }
0x7c: {  	_ =	swait.ge [sflag:s15], $0x14000  }
0x7d: {  	[sflag:s15] =	ssyncset.done $0x0  }
.Ltmp5:
0x7e: {  	[sflag:s15] =	ssyncadd.s32 $0xFFFEC000;
	(pc) =	sbr.rel .LBB2_4-.Ltmp5, $4  }
0x7f: {  	[hbm4b:s17+s2] =	stream.linear.scatter [tilespmem:s12], [sflag:$0x2], $0x14000, $0x38;
	[tilespmem:$0x15400] =	vst v63  }
0x80: {  	_ =	swait.ge [sflag:s16], $0x14000  }
0x81: {  	[sflag:s16] =	ssyncset.done $0x0  }
0x82: {  	[sflag:s16] =	ssyncadd.s32 $0xFFFEC000  }
.LBB2_5:
.Ltmp6:
0x83: {  	(pc) =	sbr.rel .LBB2_6-.Ltmp6, $3  }
0x84: {  	_ =	sdelay $0x1  }
0x85: {  	s18 =	rddreg [dreg:$0x8]  }
0x86: {  	s17 =	simm.s32 $0x0;
	s19 =	rddreg [dreg:$0x7]  }
.LBB2_8:
0x87: {  	s17 =	sadd.s32 $0x20, s17  }
0x88: {  	p0 =	sne.s32 s17, $0x280  }
.Ltmp7:
0x89: {  	_ = 	snop;
	(pc) =	sbr.rel @!p0 .LBB2_9-.Ltmp7, $2  }
0x8a: {  	_ =	sdelay $0x2  }
0x8b: {  	s19 =	sadd.s32 $0x5000, s19;
	s18 =	sadd.s32 $0x50000, s18  }
.LBB2_6:
0x8c: {  	s20 =	sadd.s32 s17, s7  }
0x8d: {  	p0 =	sgt.u32 s20, $0x270  }
.Ltmp8:
0x8e: {  	_ = 	snop;
	(pc) =	sbr.rel @p0 .LBB2_8-.Ltmp8, $1  }
0x8f: {  	_ =	sdelay $0x3  }
0x90: {  	[tilespmem:s2], [sflag:$0x3] =	stream.linear.gather [hbm4b:s19+s2], $0x1400, $0x38;
	[tilespmem:$0x15400] =	vst v63  }
0x91: {  	_ =	swait.ge [sflag:s10], $0x1400  }
0x92: {  	[sflag:s10] =	ssyncset.done $0x0  }
0x93: {  	[sflag:s10] =	ssyncadd.s32 $0xFFFFEC00  }
0x94: {  	[tilespmem:s12], [sflag:$0x1] =	stream.indirect.gather [hbm4b:s3+s11], $0x10, s2, s11, $0xb8;
	[tilespmem:$0x15400] =	vst v63  }
0x95: {  	s20 =	simm.s32 $0x1C00  }
0x96: {  	[tilespmem:s20], [sflag:$0x1] =	stream.indirect.gather [hbm4b:s3+s11], $0x10, s11, s11, $0xb8;
	[tilespmem:$0x15400] =	vst v63  }
0x97: {  	s21 =	simm.s32 $0x2400;
	s20 =	simm.s32 $0x100  }
0x98: {  	[tilespmem:s21], [sflag:$0x1] =	stream.indirect.gather [hbm4b:s3+s11], $0x10, s20, s11, $0xb8;
	[tilespmem:$0x15400] =	vst v63  }
0x99: {  	s20 =	simm.s32 $0x180;
	s21 =	simm.s32 $0x2C00  }
0x9a: {  	[tilespmem:s21], [sflag:$0x1] =	stream.indirect.gather [hbm4b:s3+s11], $0x10, s20, s11, $0xb8;
	[tilespmem:$0x15400] =	vst v63  }
0x9b: {  	s20 =	simm.s32 $0x200;
	s21 =	simm.s32 $0x3400  }
0x9c: {  	[tilespmem:s21], [sflag:$0x1] =	stream.indirect.gather [hbm4b:s3+s11], $0x10, s20, s11, $0xb8;
	[tilespmem:$0x15400] =	vst v63  }
0x9d: {  	s20 =	simm.s32 $0x280;
	s21 =	simm.s32 $0x3C00  }
0x9e: {  	[tilespmem:s21], [sflag:$0x1] =	stream.indirect.gather [hbm4b:s3+s11], $0x10, s20, s11, $0xb8;
	[tilespmem:$0x15400] =	vst v63  }
0x9f: {  	s20 =	simm.s32 $0x300;
	s21 =	simm.s32 $0x4400  }
0xa0: {  	[tilespmem:s21], [sflag:$0x1] =	stream.indirect.gather [hbm4b:s3+s11], $0x10, s20, s11, $0xb8;
	[tilespmem:$0x15400] =	vst v63  }
0xa1: {  	s20 =	simm.s32 $0x380;
	s21 =	simm.s32 $0x4C00  }
0xa2: {  	[tilespmem:s21], [sflag:$0x1] =	stream.indirect.gather [hbm4b:s3+s11], $0x10, s20, s11, $0xb8;
	[tilespmem:$0x15400] =	vst v63  }
0xa3: {  	s20 =	simm.s32 $0x400;
	s21 =	simm.s32 $0x5400  }
0xa4: {  	[tilespmem:s21], [sflag:$0x1] =	stream.indirect.gather [hbm4b:s3+s11], $0x10, s20, s11, $0xb8;
	[tilespmem:$0x15400] =	vst v63  }
0xa5: {  	s20 =	simm.s32 $0x480;
	s21 =	simm.s32 $0x5C00  }
0xa6: {  	[tilespmem:s21], [sflag:$0x1] =	stream.indirect.gather [hbm4b:s3+s11], $0x10, s20, s11, $0xb8;
	[tilespmem:$0x15400] =	vst v63  }
0xa7: {  	s20 =	simm.s32 $0x500;
	s21 =	simm.s32 $0x6400  }
0xa8: {  	[tilespmem:s21], [sflag:$0x1] =	stream.indirect.gather [hbm4b:s3+s11], $0x10, s20, s11, $0xb8;
	[tilespmem:$0x15400] =	vst v63  }
0xa9: {  	s20 =	simm.s32 $0x580;
	s21 =	simm.s32 $0x6C00  }
0xaa: {  	[tilespmem:s21], [sflag:$0x1] =	stream.indirect.gather [hbm4b:s3+s11], $0x10, s20, s11, $0xb8;
	[tilespmem:$0x15400] =	vst v63  }
0xab: {  	s20 =	simm.s32 $0x600;
	s21 =	simm.s32 $0x7400  }
0xac: {  	[tilespmem:s21], [sflag:$0x1] =	stream.indirect.gather [hbm4b:s3+s11], $0x10, s20, s11, $0xb8;
	[tilespmem:$0x15400] =	vst v63  }
0xad: {  	s20 =	simm.s32 $0x680;
	s21 =	simm.s32 $0x7C00  }
0xae: {  	[tilespmem:s21], [sflag:$0x1] =	stream.indirect.gather [hbm4b:s3+s11], $0x10, s20, s11, $0xb8;
	[tilespmem:$0x15400] =	vst v63  }
0xaf: {  	s20 =	simm.s32 $0x700;
	s21 =	simm.s32 $0x8400  }
0xb0: {  	[tilespmem:s21], [sflag:$0x1] =	stream.indirect.gather [hbm4b:s3+s11], $0x10, s20, s11, $0xb8;
	[tilespmem:$0x15400] =	vst v63  }
0xb1: {  	s20 =	simm.s32 $0x780;
	s21 =	simm.s32 $0x8C00  }
0xb2: {  	[tilespmem:s21], [sflag:$0x1] =	stream.indirect.gather [hbm4b:s3+s11], $0x10, s20, s11, $0xb8;
	[tilespmem:$0x15400] =	vst v63  }
0xb3: {  	s20 =	simm.s32 $0x800;
	s21 =	simm.s32 $0x9400  }
0xb4: {  	[tilespmem:s21], [sflag:$0x1] =	stream.indirect.gather [hbm4b:s3+s11], $0x10, s20, s11, $0xb8;
	[tilespmem:$0x15400] =	vst v63  }
0xb5: {  	s20 =	simm.s32 $0x880;
	s21 =	simm.s32 $0x9C00  }
0xb6: {  	[tilespmem:s21], [sflag:$0x1] =	stream.indirect.gather [hbm4b:s3+s11], $0x10, s20, s11, $0xb8;
	[tilespmem:$0x15400] =	vst v63  }
0xb7: {  	s20 =	simm.s32 $0x900;
	s21 =	simm.s32 $0xA400  }
0xb8: {  	[tilespmem:s21], [sflag:$0x1] =	stream.indirect.gather [hbm4b:s3+s11], $0x10, s20, s11, $0xb8;
	[tilespmem:$0x15400] =	vst v63  }
0xb9: {  	s20 =	simm.s32 $0x980;
	s21 =	simm.s32 $0xAC00  }
0xba: {  	[tilespmem:s21], [sflag:$0x1] =	stream.indirect.gather [hbm4b:s3+s11], $0x10, s20, s11, $0xb8;
	[tilespmem:$0x15400] =	vst v63  }
0xbb: {  	s20 =	simm.s32 $0xA00;
	s21 =	simm.s32 $0xB400  }
0xbc: {  	[tilespmem:s21], [sflag:$0x1] =	stream.indirect.gather [hbm4b:s3+s11], $0x10, s20, s11, $0xb8;
	[tilespmem:$0x15400] =	vst v63  }
0xbd: {  	s20 =	simm.s32 $0xA80;
	s21 =	simm.s32 $0xBC00  }
0xbe: {  	[tilespmem:s21], [sflag:$0x1] =	stream.indirect.gather [hbm4b:s3+s11], $0x10, s20, s11, $0xb8;
	[tilespmem:$0x15400] =	vst v63  }
0xbf: {  	s20 =	simm.s32 $0xB00;
	s21 =	simm.s32 $0xC400  }
0xc0: {  	[tilespmem:s21], [sflag:$0x1] =	stream.indirect.gather [hbm4b:s3+s11], $0x10, s20, s11, $0xb8;
	[tilespmem:$0x15400] =	vst v63  }
0xc1: {  	s20 =	simm.s32 $0xB80;
	s21 =	simm.s32 $0xCC00  }
0xc2: {  	[tilespmem:s21], [sflag:$0x1] =	stream.indirect.gather [hbm4b:s3+s11], $0x10, s20, s11, $0xb8;
	[tilespmem:$0x15400] =	vst v63  }
0xc3: {  	s20 =	simm.s32 $0xC00;
	s21 =	simm.s32 $0xD400  }
0xc4: {  	[tilespmem:s21], [sflag:$0x1] =	stream.indirect.gather [hbm4b:s3+s11], $0x10, s20, s11, $0xb8;
	[tilespmem:$0x15400] =	vst v63  }
0xc5: {  	s20 =	simm.s32 $0xC80;
	s21 =	simm.s32 $0xDC00  }
0xc6: {  	[tilespmem:s21], [sflag:$0x1] =	stream.indirect.gather [hbm4b:s3+s11], $0x10, s20, s11, $0xb8;
	[tilespmem:$0x15400] =	vst v63  }
0xc7: {  	s20 =	simm.s32 $0xD00;
	s21 =	simm.s32 $0xE400  }
0xc8: {  	[tilespmem:s21], [sflag:$0x1] =	stream.indirect.gather [hbm4b:s3+s11], $0x10, s20, s11, $0xb8;
	[tilespmem:$0x15400] =	vst v63  }
0xc9: {  	s20 =	simm.s32 $0xD80;
	s21 =	simm.s32 $0xEC00  }
0xca: {  	[tilespmem:s21], [sflag:$0x1] =	stream.indirect.gather [hbm4b:s3+s11], $0x10, s20, s11, $0xb8;
	[tilespmem:$0x15400] =	vst v63  }
0xcb: {  	s20 =	simm.s32 $0xE00;
	s21 =	simm.s32 $0xF400  }
0xcc: {  	[tilespmem:s21], [sflag:$0x1] =	stream.indirect.gather [hbm4b:s3+s11], $0x10, s20, s11, $0xb8;
	[tilespmem:$0x15400] =	vst v63  }
0xcd: {  	s20 =	simm.s32 $0xE80;
	s21 =	simm.s32 $0xFC00  }
0xce: {  	[tilespmem:s21], [sflag:$0x1] =	stream.indirect.gather [hbm4b:s3+s11], $0x10, s20, s11, $0xb8;
	[tilespmem:$0x15400] =	vst v63  }
0xcf: {  	s20 =	simm.s32 $0xF00;
	s21 =	simm.s32 $0x10400  }
0xd0: {  	[tilespmem:s21], [sflag:$0x1] =	stream.indirect.gather [hbm4b:s3+s11], $0x10, s20, s11, $0xb8;
	[tilespmem:$0x15400] =	vst v63  }
0xd1: {  	_ = 	snop  }
0xd2: {  	[tilespmem:s23], [sflag:$0x1] =	stream.indirect.gather [hbm4b:s3+s11], $0x10, s22, s11, $0xb8;
	[tilespmem:$0x15400] =	vst v63  }
0xd3: {  	_ = 	snop  }
0xd4: {  	[tilespmem:s25], [sflag:$0x1] =	stream.indirect.gather [hbm4b:s3+s11], $0x10, s24, s11, $0xb8;
	[tilespmem:$0x15400] =	vst v63  }
0xd5: {  	_ = 	snop  }
0xd6: {  	[tilespmem:s28], [sflag:$0x1] =	stream.indirect.gather [hbm4b:s3+s11], $0x10, s26, s11, $0xb8;
	[tilespmem:$0x15400] =	vst v63  }
0xd7: {  	_ = 	snop  }
0xd8: {  	[tilespmem:s30], [sflag:$0x1] =	stream.indirect.gather [hbm4b:s3+s11], $0x10, s29, s11, $0xb8;
	[tilespmem:$0x15400] =	vst v63  }
0xd9: {  	_ = 	snop  }
0xda: {  	[tilespmem:s0], [sflag:$0x1] =	stream.indirect.gather [hbm4b:s3+s11], $0x10, s31, s11, $0xb8;
	[tilespmem:$0x15400] =	vst v63  }
0xdb: {  	_ = 	snop  }
0xdc: {  	[tilespmem:s4], [sflag:$0x1] =	stream.indirect.gather [hbm4b:s3+s11], $0x10, s1, s11, $0xb8;
	[tilespmem:$0x15400] =	vst v63  }
0xdd: {  	_ = 	snop  }
0xde: {  	[tilespmem:s6], [sflag:$0x1] =	stream.indirect.gather [hbm4b:s3+s11], $0x10, s5, s11, $0xb8;
	[tilespmem:$0x15400] =	vst v63  }
0xdf: {  	_ = 	snop  }
0xe0: {  	[tilespmem:s9], [sflag:$0x1] =	stream.indirect.gather [hbm4b:s3+s11], $0x10, s8, s11, $0xb8;
	[tilespmem:$0x15400] =	vst v63  }
0xe1: {  	_ = 	snop  }
0xe2: {  	[tilespmem:s14], [sflag:$0x1] =	stream.indirect.gather [hbm4b:s3+s11], $0x10, s13, s11, $0xb8;
	[tilespmem:$0x15400] =	vst v63  }
0xe3: {  	_ =	swait.ge [sflag:s15], $0x14000  }
0xe4: {  	[sflag:s15] =	ssyncset.done $0x0  }
.Ltmp9:
0xe5: {  	[sflag:s15] =	ssyncadd.s32 $0xFFFEC000;
	(pc) =	sbr.rel .LBB2_8-.Ltmp9, $4  }
0xe6: {  	[hbm4b:s18+s2] =	stream.linear.scatter [tilespmem:s12], [sflag:$0x2], $0x14000, $0x38;
	[tilespmem:$0x15400] =	vst v63  }
0xe7: {  	_ =	swait.ge [sflag:s16], $0x14000  }
0xe8: {  	[sflag:s16] =	ssyncset.done $0x0  }
0xe9: {  	[sflag:s16] =	ssyncadd.s32 $0xFFFEC000  }
.LBB2_10:
0xea: {  	_ =	sfence.sel $0x180000  }
0xeb: {  	[bflag:$0x0] =	sbarrier.arrive $0xFFFF  }
0xec: {  	_ =	strace $0x9000004A  }
0xed: {  	s0 =	stileid.u32;
	[bflag:$0x2] =	sbarrier.arrive $0xFFFF  }
0xee: {  	p0 =	sne.s32 s0, $0x0;
	s0 =	rddreg [dreg:$0x3]  }
0xef: {  	s0 =	sadd.s32 @!p0 $0x100000, s0  }
0xf0: {  	[sflag:s0] =	ssyncadd.tile.s32 @!p0 $0x1;
	_ =	shalt  }
.Lfunc_end2:
_tile_overlayer_lowered:
.L_overlay_start_2:
0xf1: {  	(tag) =	ssettag $0x2  }
0xf2: {  	s0 =	rddreg [dreg:$0x0];
	s2 =	stileid.u32  }
0xf3: {  	s1 =	rddreg [dreg:$0x1];
	p0 =	sne.s32 s2, $0x0  }
0xf4: {  	s3 =	rddreg [dreg:$0x2];
	[bflag:$0x3] =	sbarrier.arrive $0xFFFF;
	s2 =	simm.s32 @!p0 $0x1C02  }
0xf5: {  	[timem:s3], [sflag:s2] =	dma.local @!p0 [hbm:s0], s1  }
0xf6: {  	s0 =	simm.s32 @!p0 $0x2  }
0xf7: {  	_ =	swait.ge @!p0 [sflag:s0], s1  }
0xf8: {  	s1 =	ssub.s32 @!p0 $0x0, s1;
	[sflag:s0] =	ssyncset.done @!p0 $0x0  }
0xf9: {  	[sflag:s0] =	ssyncadd.s32 @!p0 s1  }
0xfa: {  	[bflag:$0x3] =	sbarrier.arrive $0xFFFF  }
0xfb: {  	_ =	shalt  }

// kernel: kernel.15.cloned.1.call-start
scs
__scs_entry_jumppad:
0x0: {  	(pc) =	sbr.rel $0x88, $3  }
0x1: {  	(tag) =	ssettag $0x0;
	lr =	simm.s32 $0x1  }
0x2: {  	[smem:$0x3F8F] =	sst lr;
	_ =	strace $0xD0000000  }
0x3: {  	_ = 	snop  }
0x4: {  	_ = 	snop  }
0x5: {  	_ = 	snop  }
0x6: {  	_ = 	snop  }
0x7: {  	_ = 	snop  }
__scs_overlays_trampoline_lowered:
0x8: {  	[smem:$0x3F9E] =	sst s0  }
0x9: {  	[smem:$0x3F9F] =	sst s1  }
0xa: {  	[smem:$0x3FA0] =	sst s2  }
0xb: {  	[smem:$0x3FA1] =	sst s3  }
0xc: {  	[smem:$0x3FA2] =	sst s4  }
0xd: {  	[smem:$0x3FA3] =	sst s5  }
0xe: {  	[smem:$0x3FA4] =	sst s6  }
0xf: {  	[smem:$0x3FA5] =	sst s7  }
0x10: {  	[smem:$0x3FA6] =	sst s8  }
0x11: {  	[smem:$0x3FA7] =	sst s9;
	s0 =	simm.s32 @!p0 $0x0  }
0x12: {  	s1 =	sld [smem:$0x3F8D];
	s0 =	simm.s32 @p0 $0x1  }
0x13: {  	[smem:$0x3FA8] =	sst s0;
	s0 =	simm.s32 @!p1 $0x0  }
0x14: {  	s2 =	sld [smem:$0x3F8C];
	s0 =	simm.s32 @p1 $0x1  }
0x15: {  	[smem:$0x3FA9] =	sst s0;
	s0 =	simm.s32 @!p2 $0x0  }
0x16: {  	s3 =	sld [smem:$0x3FDB];
	s0 =	simm.s32 @p2 $0x1  }
0x17: {  	s4 =	simm.s32 $0x1BF5;
	[smem:$0x3FAB] =	sst s0  }
0x18: {  	s0 =	sld [smem:$0x3F8E];
	_ =	swait.ge [sflag:s4], $0x0  }
0x19: {  	s7 =	sld [smem:$0x3F8F]  }
0x1a: {  	s8 =	sadd.s32 $0xFFFFE003, lr  }
0x1b: {  	s9 =	sadd.s32 $0xFFFFFEF7, lr;
	s5 =	simm.s32 $0xFFFFFFFF;
	p2 =	slt.u32 s8, $0xFFFFF086  }
0x1c: {  	p1 =	slt.u32 s9, $0xF7A;
	s5 =	simm.s32 @!p2 $0x0  }
0x1d: {  	s5 =	simm.s32 @p1 $0x1;
	p0 =	seq.s32 s7, s2  }
0x1e: {  	s7 =	smul.u32 @!p0 $0xF7A, s2;
	p2 =	seq.s32 @!p0 s5, $0x0  }
0x1f: {  	s9 =	smul.u32 $0xF7A, s1;
	s8 =	simm.s32 @!p0 $0x1BF5;
	p2 =	por !p2, p0  }
0x20: {  	[sflag:s8] =	ssyncset.s32 @!p0 $0xFFFFF086;
	s6 =	sadd.s32 @!p0 s3, s7;
	s7 =	simm.s32 @!p0 $0x108  }
0x21: {  	s3 =	sadd.s32 s3, s9;
	s6 =	sadd.s32 @!p0 $0x88, s6;
	s7 =	simm.s32 @p2 $0x1082  }
0x22: {  	[simem:s7], [sflag:s8] =	dma.local @!p0 [hbm:s6], $0xF7A  }
0x23: {  	s9 =	sor.u32 $0xD0000000, s2;
	s6 =	simm.s32 $0x108;
	_ =	swait.ge @!p0 [sflag:s8], $0x0  }
0x24: {  	s3 =	sadd.s32 $0x88, s3;
	s6 =	simm.s32 @!p1 $0x1082;
	[sflag:s4] =	ssyncset.s32 $0xFFFFF086  }
0x25: {  	[simem:s6], [sflag:s4] =	dma.local [hbm:s3], $0xF7A  }
0x26: {  	[smem:$0x3F8F] =	sst s1;
	(tag) =	ssettag s2;
	_ =	strace s9  }
0x27: {  	s1 =	sld [smem:$0x3F9F]  }
0x28: {  	s2 =	sld [smem:$0x3FA0]  }
0x29: {  	s4 =	sld [smem:$0x3FA2]  }
0x2a: {  	p0 =	seq.s32 s5, $0x0;
	s5 =	sld [smem:$0x3FA3]  }
0x2b: {  	s6 =	sld [smem:$0x3FA4]  }
0x2c: {  	s7 =	sld [smem:$0x3FA5]  }
0x2d: {  	s3 =	simm.s32 $0x108;
	s8 =	sld [smem:$0x3FA6]  }
0x2e: {  	s3 =	simm.s32 @!p0 $0x1082;
	s9 =	sld [smem:$0x3FA7]  }
0x2f: {  	lr =	sadd.s32 s0, s3;
	s0 =	sld [smem:$0x3F9E]  }
0x30: {  	s3 =	sld [smem:$0x3FA1]  }
0x31: {  	[smem:$0x3FAA] =	sst s10  }
0x32: {  	s10 =	sld [smem:$0x3FA8];
	_ =	sdelay $0x3  }
0x33: {  	p0 =	seq.s32 s10, $0x1;
	s10 =	sld [smem:$0x3FAA];
	_ =	sdelay $0x3  }
0x34: {  	[smem:$0x3FAA] =	sst s10  }
0x35: {  	s10 =	sld [smem:$0x3FA9];
	_ =	sdelay $0x3  }
0x36: {  	p1 =	seq.s32 s10, $0x1;
	s10 =	sld [smem:$0x3FAA];
	_ =	sdelay $0x3  }
0x37: {  	[smem:$0x3FAA] =	sst s10  }
0x38: {  	s10 =	sld [smem:$0x3FAB]  }
0x39: {  	_ = 	snop;
	(pc) =	sbr.ind lr, $3  }
0x3a: {  	_ = 	snop  }
0x3b: {  	_ = 	snop  }
0x3c: {  	p2 =	seq.s32 s10, $0x1;
	s10 =	sld [smem:$0x3FAA]  }
0x3d: {  	_ =	shalt  }
0x3e: {  	_ =	shalt  }
0x3f: {  	_ =	shalt  }
0x40: {  	_ =	shalt  }
0x41: {  	_ =	shalt  }
0x42: {  	_ =	shalt  }
0x43: {  	_ =	shalt  }
0x44: {  	_ =	shalt  }
0x45: {  	_ =	shalt  }
0x46: {  	_ =	shalt  }
0x47: {  	_ =	shalt  }
0x48: {  	_ =	shalt  }
0x49: {  	_ =	shalt  }
0x4a: {  	_ =	shalt  }
0x4b: {  	_ =	shalt  }
0x4c: {  	_ =	shalt  }
0x4d: {  	_ =	shalt  }
0x4e: {  	_ =	shalt  }
0x4f: {  	_ =	shalt  }
0x50: {  	_ =	shalt  }
0x51: {  	_ =	shalt  }
0x52: {  	_ =	shalt  }
0x53: {  	_ =	shalt  }
0x54: {  	_ =	shalt  }
0x55: {  	_ =	shalt  }
0x56: {  	_ =	shalt  }
0x57: {  	_ =	shalt  }
0x58: {  	_ =	shalt  }
0x59: {  	_ =	shalt  }
0x5a: {  	_ =	shalt  }
0x5b: {  	_ =	shalt  }
0x5c: {  	_ =	shalt  }
0x5d: {  	_ =	shalt  }
0x5e: {  	_ =	shalt  }
0x5f: {  	_ =	shalt  }
0x60: {  	_ =	shalt  }
0x61: {  	_ =	shalt  }
0x62: {  	_ =	shalt  }
0x63: {  	_ =	shalt  }
0x64: {  	_ =	shalt  }
0x65: {  	_ =	shalt  }
0x66: {  	_ =	shalt  }
0x67: {  	_ =	shalt  }
0x68: {  	_ =	shalt  }
0x69: {  	_ =	shalt  }
0x6a: {  	_ =	shalt  }
0x6b: {  	_ =	shalt  }
0x6c: {  	_ =	shalt  }
0x6d: {  	_ =	shalt  }
0x6e: {  	_ =	shalt  }
0x6f: {  	_ =	shalt  }
0x70: {  	_ =	shalt  }
0x71: {  	_ =	shalt  }
0x72: {  	_ =	shalt  }
0x73: {  	_ =	shalt  }
0x74: {  	_ =	shalt  }
0x75: {  	_ =	shalt  }
0x76: {  	_ =	shalt  }
0x77: {  	_ =	shalt  }
0x78: {  	_ =	shalt  }
0x79: {  	_ =	shalt  }
0x7a: {  	_ =	shalt  }
0x7b: {  	_ =	shalt  }
0x7c: {  	_ =	shalt  }
0x7d: {  	_ =	shalt  }
0x7e: {  	_ =	shalt  }
0x7f: {  	_ =	shalt  }
0x80: {  	_ =	shalt  }
0x81: {  	_ =	shalt  }
0x82: {  	_ =	shalt  }
0x83: {  	_ =	shalt  }
0x84: {  	_ =	shalt  }
0x85: {  	_ =	shalt  }
0x86: {  	_ =	shalt  }
0x87: {  	_ =	shalt  }
.Lfunc_end0:
.L_simem_size_0:
called_computation.2_lowered:
.L_overlay_start_0:
0x88: {  	s2 =	sld [smem:$0x3FD9]  }
0x89: {  	s3 =	sld [smem:$0x3FFE];
	_ =	sdelay $0x1  }
0x8a: {  	s1 =	srdreg.scid  }
0x8b: {  	s0 =	sand.u32 $0x1, s1  }
0x8c: {  	s16 =	sshll.u32 s0, $0xA;
	s2 =	sadd.s32 s3, s2  }
0x8d: {  	s2 =	sadd.s32 s2, s16  }
0x8e: {  	[smem:$0x3FB6] =	sst s2  }
0x8f: {  	_ = 	snop  }
0x90: {  	(tm) =	ssettm $0x1  }
0x91: {  	s17 =	sld [smem:$0x3FFB];
	_ =	sdelay $0x3  }
0x92: {  	_ =	strace s17  }
0x93: {  	s2 =	sld [smem:$0x3FFC];
	_ =	sdelay $0x3  }
0x94: {  	_ =	strace s2  }
0x95: {  	s2 =	sld [smem:$0x3FFD];
	_ =	sdelay $0x3  }
0x96: {  	_ =	strace s2  }
0x97: {  	_ =	strace $0x8FFFFFFF  }
0x98: {  	s18 =	sld [smem:$0x3FDB];
	_ =	sdelay $0x1  }
0x99: {  	s19 =	simm.s32 $_scs_section_size  }
0x9a: {  	s4 =	simm.s32 $_size__tile_overlayer_lowered;
	s5 =	simm.s32 $_tile_overlayer_lowered  }
0x9b: {  	s22 =	simm.s32 $0x1BFF;
	s21 =	sshll.u32 s5, $0x1;
	s2 =	sadd.s32 s19, s18  }
0x9c: {  	s6 =	simm.s32 $0x0;
	s20 =	sshll.u32 s4, $0x1;
	s4 =	sadd.s32 s21, s2  }
0x9d: {  	[timem:s6], [sflag:s22] =	dma.local [hbm:s4], s20  }
0x9e: {  	_ =	swait.ge [sflag:s22], s20  }
0x9f: {  	s3 =	ssub.s32 $0x0, s20;
	[sflag:s22] =	ssyncset.done $0x0  }
0xa0: {  	[sflag:s22] =	ssyncadd.s32 s3;
	_ =	sdelay $0x1  }
0xa1: {  	s23 =	simm.s32 $0x1B8B  }
0xa2: {  	_ =	swait.ge [sflag:s23], $0x1  }
0xa3: {  	[sflag:s23] =	ssyncset.done $0x0  }
0xa4: {  	s25 =	simm.s32 $0x1B8E;
	s24 =	sld [smem:$0x3FFE];
	[sflag:s23] =	ssyncadd.s32 $0xFFFFFFFF  }
0xa5: {  	s26 =	simm.s32 $execute0_lowered;
	[smem:$0x3FD2] =	sst s25  }
0xa6: {  	s4 =	sshll.u32 s26, $0x1;
	_ =	strace $0x8000004C;
	[dreg:$0x1] =	wrdreg $0xFFFFFFFF  }
0xa7: {  	s28 =	simm.s32 $_size_execute0_lowered;
	s2 =	sadd.s32 s2, s4;
	[dreg:$0x0] =	wrdreg $0x0  }
0xa8: {  	s4 =	sshll.u32 s28, $0x1;
	[dreg:$0x2] =	wrdreg s2  }
0xa9: {  	[dreg:$0x3] =	wrdreg s4  }
0xaa: {  	[dreg:$0x4] =	wrdreg $0xC0  }
0xab: {  	_ =	task [dreg:s6], $0x5FFFF  }
0xac: {  	[dreg:$0x1] =	wrdreg $0xFFFFFFFF  }
0xad: {  	[dreg:$0x0] =	wrdreg $0x60  }
0xae: {  	[dreg:$0x2] =	wrdreg s24  }
0xaf: {  	[dreg:$0x3] =	wrdreg $0xB4000  }
0xb0: {  	[dreg:$0x4] =	wrdreg $0x9  }
0xb1: {  	_ =	task.clear_ibuf [dreg:s6], $0x5FFFF;
	_ =	strace $0x9000004C  }
0xb2: {  	s29 =	simm.s32 $0x9;
	_ =	strace $0x8000004E  }
0xb3: {  	_ =	swait.ge [sflag:s29], $0x1  }
0xb4: {  	[sflag:s29] =	ssyncadd.s32 $0xFFFFFFFF  }
0xb5: {  	_ =	strace $0x9000004E  }
0xb6: {  	_ =	sfence  }
0xb7: {  	s30 =	sld [smem:$0x0];
	_ =	sdelay $0x2  }
0xb8: {  	s31 =	sshll.u32 s1, $0xD;
	s1 =	sshrl.u32 s1, $0x2  }
0xb9: {  	s3 =	sand.u32 $0x4000, s31;
	s1 =	sadd.s32 s1, s30  }
0xba: {  	s0 =	sor.u32 s3, s0;
	s1 =	sshll.u32 s1, $0x11  }
0xbb: {  	s0 =	sor.u32 s1, s0  }
0xbc: {  	s0 =	sadd.s32 $0x8F2B, s0  }
0xbd: {  	[sflag:s0] =	ssyncadd.remote.s32 $0x1  }
0xbe: {  	_ =	sfence.sel $0xFFFF  }
0xbf: {  	[dreg:$0x0] =	wrdreg $0xFFFFFFFF;
	(pc) =	sbr.abs _section_cstart, $3  }
0xc0: {  	[dreg:$0x1] =	wrdreg $0xFFFFFFFF  }
0xc1: {  	_ =	task.clear_ibuf [dreg:s6], $0x2FFFF;
	_ =	strace $0x9FFFFFFF  }
0xc2: {  	(tm) =	ssettm $0x7FFFFFFF  }
0xc3: {  	_ =	shalt  }
tec
execute0_lowered:
.L_overlay_start_1:
0x0: {  	(tag) =	ssettag $0x1  }
0x1: {  	s0 =	rddreg [dreg:$0x0]  }
0x2: {  	s2 =	rddreg [dreg:$0x1]  }
0x3: {  	s11 =	stileid.u32;
	s5 =	srdreg.scid;
	s3 =	simm.s32 $0x0  }
0x4: {  	s13 =	simm.s32 $0x1400;
	s14 =	simm.s32 $0x80;
	s28 =	simm.s32 $0x9400  }
0x5: {  	s29 =	simm.s32 $0x1080;
	s30 =	simm.s32 $0x9800;
	s31 =	simm.s32 $0x1100  }
0x6: {  	s15 =	simm.s32 $0x1380;
	s16 =	simm.s32 $0xB000;
	s1 =	smul.u32 $0x2800, s11  }
0x7: {  	s17 =	simm.s32 $0x1;
	s18 =	simm.s32 $0x0;
	s4 =	smul.u32 $0x500, s11  }
0x8: {  	s6 =	smul.u32 $0xC380, s11;
	s5 =	sand.u32 $0x1, s5;
	[smem:$0x7FF] =	sst s3  }
0x9: {  	s23 =	sshll.u32 s11, $0x1;
	s11 =	sshll.u32 s11, $0x6;
	s7 =	smul.u32 $0xC3800, s5  }
0xa: {  	_ =	strace $0x8000004D;
	s9 =	ssub.s32 $0x2, s5;
	s22 =	smul.u32 $0x280, s5  }
0xb: {  	s12 =	smul.u32 $0x1400, s5;
	s20 =	sor.u32 $0x1C02, s11;
	s11 =	simm.s32 $0xAC00  }
0xc: {  	s1 =	sadd.s32 s1, s0;
	s4 =	sadd.s32 s4, s0;
	s8 =	sshrl.u32 s6, $0x3  }
0xd: {  	s10 =	sshrl.u32 s9, $0x1;
	[dreg:$0x4] =	wrdreg s20;
	s7 =	sadd.s32 s6, s7  }
0xe: {  	s8 =	sadd.s32 s8, s0;
	s21 =	ssub.s32 s9, s10;
	s6 =	sadd.s32 s6, s2  }
0xf: {  	s24 =	sadd.s32 s22, s4;
	s1 =	sadd.s32 s12, s1;
	s10 =	sor.u32 s5, s23  }
0x10: {  	s12 =	simm.s32 $0x2;
	s4 =	simm.s32 $0xA000;
	s9 =	simm.s32 $0xA800  }
0x11: {  	s5 =	simm.s32 $0x1300;
	s7 =	sshrl.u32 s7, $0x3;
	s8 =	sadd.s32 $0x37A600, s8  }
0x12: {  	s25 =	smax.u32 s21, $0x1;
	s26 =	sadd.s32 $0x6D200, s1;
	s21 =	sshrl.u32 s6, $0x3  }
0x13: {  	s1 =	simm.s32 $0x1180;
	s6 =	simm.s32 $0x1200;
	[dreg:$0x3] =	wrdreg s8  }
.Ltmp0:
0x14: {  	s0 =	sadd.s32 s7, s0;
	[dreg:$0x6] =	wrdreg s25;
	(pc) =	sbr.rel .LBB2_1-.Ltmp0, $4  }
0x15: {  	[dreg:$0x8] =	wrdreg s26;
	s25 =	simm.s32 $0x9000;
	s26 =	simm.s32 $0x1000  }
0x16: {  	s7 =	simm.s32 $0xA400;
	[dreg:$0x9] =	wrdreg s21;
	s0 =	sadd.s32 $0x392E00, s0  }
0x17: {  	s8 =	simm.s32 $0x1280;
	[dreg:$0x5] =	wrdreg s0;
	s0 =	sadd.s32 $0xB600, s24  }
0x18: {  	s24 =	simm.s32 $0xF80;
	[dreg:$0x7] =	wrdreg s0;
	s0 =	simm.s32 $0x9C00  }
.LBB2_5:
0x19: {  	[bflag:$0x0] =	sbarrier.arrive $0xFFFF  }
0x1a: {  	s20 =	rddreg [dreg:$0x4]  }
0x1b: {  	s19 =	rddreg [dreg:$0x5]  }
0x1c: {  	s21 =	rddreg [dreg:$0x9]  }
0x1d: {  	[hbm:s19], [sflag:s20] =	dma.local [spmem:s21], $0x1870  }
0x1e: {  	_ =	swait.ge [sflag:s12], $0x1870  }
0x1f: {  	s18 =	sadd.s32 $0x1, s18;
	s23 =	rddreg [dreg:$0x6]  }
0x20: {  	p0 =	sne.s32 s18, s23  }
.Ltmp1:
0x21: {  	_ = 	snop;
	(pc) =	sbr.rel @!p0 .LBB2_6-.Ltmp1, $3  }
0x22: {  	_ =	sdelay $0x1  }
0x23: {  	[sflag:s12] =	ssyncset.done $0x0  }
0x24: {  	[sflag:s12] =	ssyncadd.s32 $0xFFFFE790  }
.LBB2_1:
0x25: {  	s19 =	rddreg [dreg:$0x3]  }
0x26: {  	[spmem:s21], [sflag:s20] =	dma.local [hbm:s19], $0x1870  }
0x27: {  	_ =	swait.ge [sflag:s12], $0x1870  }
.Ltmp2:
0x28: {  	[sflag:s12] =	ssyncset.done $0x0;
	(pc) =	sbr.rel .LBB2_2-.Ltmp2, $4  }
0x29: {  	[sflag:s12] =	ssyncadd.s32 $0xFFFFE790  }
0x2a: {  	[bflag:$0x0] =	sbarrier.arrive $0xFFFF  }
0x2b: {  	s19 =	rddreg [dreg:$0x8]  }
0x2c: {  	s21 =	simm.s32 $0x0;
	s20 =	rddreg [dreg:$0x7]  }
.LBB2_4:
0x2d: {  	s21 =	sadd.s32 $0x20, s21  }
0x2e: {  	p0 =	sne.s32 s21, $0x280  }
.Ltmp3:
0x2f: {  	_ = 	snop;
	(pc) =	sbr.rel @!p0 .LBB2_5-.Ltmp3, $2  }
0x30: {  	_ =	sdelay $0x2  }
0x31: {  	s20 =	sadd.s32 $0x5000, s20;
	s19 =	sadd.s32 $0x28000, s19  }
.LBB2_2:
0x32: {  	s22 =	sadd.s32 s21, s10  }
0x33: {  	p0 =	sgt.u32 s22, $0x270  }
.Ltmp4:
0x34: {  	_ = 	snop;
	(pc) =	sbr.rel @p0 .LBB2_4-.Ltmp4, $1  }
0x35: {  	_ =	sdelay $0x3  }
0x36: {  	[tilespmem:s3], [sflag:$0x2] =	stream.linear.gather [hbm4b:s20+s3], $0x1400, $0x38;
	[tilespmem:$0x17780] =	vst v63  }
0x37: {  	_ =	swait.ge [sflag:s12], $0x1400  }
0x38: {  	[sflag:s12] =	ssyncset.done $0x0  }
0x39: {  	[sflag:s12] =	ssyncadd.s32 $0xFFFFEC00  }
0x3a: {  	[tilespmem:s13], [sflag:$0x2] =	stream.linear.gather [hbm4b:s19+s3], $0xA000, $0x38;
	[tilespmem:$0x17780] =	vst v63  }
0x3b: {  	_ =	swait.ge [sflag:s12], $0xA000  }
0x3c: {  	[sflag:s12] =	ssyncset.done $0x0  }
0x3d: {  	[sflag:s12] =	ssyncadd.s32 $0xFFFF6000  }
0x3e: {  	[spmem:s2] =	stream.indirect.scatter.add.f32 [tilespmem:s13], [sflag:$0x1], $0x8, s3, s14, $0xb8;
	[tilespmem:$0x17780] =	vst v63  }
0x3f: {  	s22 =	simm.s32 $0x1800  }
0x40: {  	[spmem:s2] =	stream.indirect.scatter.add.f32 [tilespmem:s22], [sflag:$0x1], $0x8, s14, s14, $0xb8;
	[tilespmem:$0x17780] =	vst v63  }
0x41: {  	s23 =	simm.s32 $0x1C00;
	s22 =	simm.s32 $0x100  }
0x42: {  	[spmem:s2] =	stream.indirect.scatter.add.f32 [tilespmem:s23], [sflag:$0x1], $0x8, s22, s14, $0xb8;
	[tilespmem:$0x17780] =	vst v63  }
0x43: {  	s22 =	simm.s32 $0x180;
	s23 =	simm.s32 $0x2000  }
0x44: {  	[spmem:s2] =	stream.indirect.scatter.add.f32 [tilespmem:s23], [sflag:$0x1], $0x8, s22, s14, $0xb8;
	[tilespmem:$0x17780] =	vst v63  }
0x45: {  	s22 =	simm.s32 $0x200;
	s23 =	simm.s32 $0x2400  }
0x46: {  	[spmem:s2] =	stream.indirect.scatter.add.f32 [tilespmem:s23], [sflag:$0x1], $0x8, s22, s14, $0xb8;
	[tilespmem:$0x17780] =	vst v63  }
0x47: {  	s22 =	simm.s32 $0x280;
	s23 =	simm.s32 $0x2800  }
0x48: {  	[spmem:s2] =	stream.indirect.scatter.add.f32 [tilespmem:s23], [sflag:$0x1], $0x8, s22, s14, $0xb8;
	[tilespmem:$0x17780] =	vst v63  }
0x49: {  	s22 =	simm.s32 $0x300;
	s23 =	simm.s32 $0x2C00  }
0x4a: {  	[spmem:s2] =	stream.indirect.scatter.add.f32 [tilespmem:s23], [sflag:$0x1], $0x8, s22, s14, $0xb8;
	[tilespmem:$0x17780] =	vst v63  }
0x4b: {  	s22 =	simm.s32 $0x380;
	s23 =	simm.s32 $0x3000  }
0x4c: {  	[spmem:s2] =	stream.indirect.scatter.add.f32 [tilespmem:s23], [sflag:$0x1], $0x8, s22, s14, $0xb8;
	[tilespmem:$0x17780] =	vst v63  }
0x4d: {  	s22 =	simm.s32 $0x400;
	s23 =	simm.s32 $0x3400  }
0x4e: {  	[spmem:s2] =	stream.indirect.scatter.add.f32 [tilespmem:s23], [sflag:$0x1], $0x8, s22, s14, $0xb8;
	[tilespmem:$0x17780] =	vst v63  }
0x4f: {  	s22 =	simm.s32 $0x480;
	s23 =	simm.s32 $0x3800  }
0x50: {  	[spmem:s2] =	stream.indirect.scatter.add.f32 [tilespmem:s23], [sflag:$0x1], $0x8, s22, s14, $0xb8;
	[tilespmem:$0x17780] =	vst v63  }
0x51: {  	s22 =	simm.s32 $0x500;
	s23 =	simm.s32 $0x3C00  }
0x52: {  	[spmem:s2] =	stream.indirect.scatter.add.f32 [tilespmem:s23], [sflag:$0x1], $0x8, s22, s14, $0xb8;
	[tilespmem:$0x17780] =	vst v63  }
0x53: {  	s22 =	simm.s32 $0x580;
	s23 =	simm.s32 $0x4000  }
0x54: {  	[spmem:s2] =	stream.indirect.scatter.add.f32 [tilespmem:s23], [sflag:$0x1], $0x8, s22, s14, $0xb8;
	[tilespmem:$0x17780] =	vst v63  }
0x55: {  	s22 =	simm.s32 $0x600;
	s23 =	simm.s32 $0x4400  }
0x56: {  	[spmem:s2] =	stream.indirect.scatter.add.f32 [tilespmem:s23], [sflag:$0x1], $0x8, s22, s14, $0xb8;
	[tilespmem:$0x17780] =	vst v63  }
0x57: {  	s22 =	simm.s32 $0x680;
	s23 =	simm.s32 $0x4800  }
0x58: {  	[spmem:s2] =	stream.indirect.scatter.add.f32 [tilespmem:s23], [sflag:$0x1], $0x8, s22, s14, $0xb8;
	[tilespmem:$0x17780] =	vst v63  }
0x59: {  	s22 =	simm.s32 $0x700;
	s23 =	simm.s32 $0x4C00  }
0x5a: {  	[spmem:s2] =	stream.indirect.scatter.add.f32 [tilespmem:s23], [sflag:$0x1], $0x8, s22, s14, $0xb8;
	[tilespmem:$0x17780] =	vst v63  }
0x5b: {  	s22 =	simm.s32 $0x780;
	s23 =	simm.s32 $0x5000  }
0x5c: {  	[spmem:s2] =	stream.indirect.scatter.add.f32 [tilespmem:s23], [sflag:$0x1], $0x8, s22, s14, $0xb8;
	[tilespmem:$0x17780] =	vst v63  }
0x5d: {  	s22 =	simm.s32 $0x800;
	s23 =	simm.s32 $0x5400  }
0x5e: {  	[spmem:s2] =	stream.indirect.scatter.add.f32 [tilespmem:s23], [sflag:$0x1], $0x8, s22, s14, $0xb8;
	[tilespmem:$0x17780] =	vst v63  }
0x5f: {  	s22 =	simm.s32 $0x880;
	s23 =	simm.s32 $0x5800  }
0x60: {  	[spmem:s2] =	stream.indirect.scatter.add.f32 [tilespmem:s23], [sflag:$0x1], $0x8, s22, s14, $0xb8;
	[tilespmem:$0x17780] =	vst v63  }
0x61: {  	s22 =	simm.s32 $0x900;
	s23 =	simm.s32 $0x5C00  }
0x62: {  	[spmem:s2] =	stream.indirect.scatter.add.f32 [tilespmem:s23], [sflag:$0x1], $0x8, s22, s14, $0xb8;
	[tilespmem:$0x17780] =	vst v63  }
0x63: {  	s22 =	simm.s32 $0x980;
	s23 =	simm.s32 $0x6000  }
0x64: {  	[spmem:s2] =	stream.indirect.scatter.add.f32 [tilespmem:s23], [sflag:$0x1], $0x8, s22, s14, $0xb8;
	[tilespmem:$0x17780] =	vst v63  }
0x65: {  	s22 =	simm.s32 $0xA00;
	s23 =	simm.s32 $0x6400  }
0x66: {  	[spmem:s2] =	stream.indirect.scatter.add.f32 [tilespmem:s23], [sflag:$0x1], $0x8, s22, s14, $0xb8;
	[tilespmem:$0x17780] =	vst v63  }
0x67: {  	s22 =	simm.s32 $0xA80;
	s23 =	simm.s32 $0x6800  }
0x68: {  	[spmem:s2] =	stream.indirect.scatter.add.f32 [tilespmem:s23], [sflag:$0x1], $0x8, s22, s14, $0xb8;
	[tilespmem:$0x17780] =	vst v63  }
0x69: {  	s22 =	simm.s32 $0xB00;
	s23 =	simm.s32 $0x6C00  }
0x6a: {  	[spmem:s2] =	stream.indirect.scatter.add.f32 [tilespmem:s23], [sflag:$0x1], $0x8, s22, s14, $0xb8;
	[tilespmem:$0x17780] =	vst v63  }
0x6b: {  	s22 =	simm.s32 $0xB80;
	s23 =	simm.s32 $0x7000  }
0x6c: {  	[spmem:s2] =	stream.indirect.scatter.add.f32 [tilespmem:s23], [sflag:$0x1], $0x8, s22, s14, $0xb8;
	[tilespmem:$0x17780] =	vst v63  }
0x6d: {  	s22 =	simm.s32 $0xC00;
	s23 =	simm.s32 $0x7400  }
0x6e: {  	[spmem:s2] =	stream.indirect.scatter.add.f32 [tilespmem:s23], [sflag:$0x1], $0x8, s22, s14, $0xb8;
	[tilespmem:$0x17780] =	vst v63  }
0x6f: {  	s22 =	simm.s32 $0xC80;
	s23 =	simm.s32 $0x7800  }
0x70: {  	[spmem:s2] =	stream.indirect.scatter.add.f32 [tilespmem:s23], [sflag:$0x1], $0x8, s22, s14, $0xb8;
	[tilespmem:$0x17780] =	vst v63  }
0x71: {  	s22 =	simm.s32 $0xD00;
	s23 =	simm.s32 $0x7C00  }
0x72: {  	[spmem:s2] =	stream.indirect.scatter.add.f32 [tilespmem:s23], [sflag:$0x1], $0x8, s22, s14, $0xb8;
	[tilespmem:$0x17780] =	vst v63  }
0x73: {  	s22 =	simm.s32 $0xD80;
	s23 =	simm.s32 $0x8000  }
0x74: {  	[spmem:s2] =	stream.indirect.scatter.add.f32 [tilespmem:s23], [sflag:$0x1], $0x8, s22, s14, $0xb8;
	[tilespmem:$0x17780] =	vst v63  }
0x75: {  	s22 =	simm.s32 $0xE00;
	s23 =	simm.s32 $0x8400  }
0x76: {  	[spmem:s2] =	stream.indirect.scatter.add.f32 [tilespmem:s23], [sflag:$0x1], $0x8, s22, s14, $0xb8;
	[tilespmem:$0x17780] =	vst v63  }
0x77: {  	s22 =	simm.s32 $0xE80;
	s23 =	simm.s32 $0x8800  }
0x78: {  	[spmem:s2] =	stream.indirect.scatter.add.f32 [tilespmem:s23], [sflag:$0x1], $0x8, s22, s14, $0xb8;
	[tilespmem:$0x17780] =	vst v63  }
0x79: {  	s22 =	simm.s32 $0xF00;
	s23 =	simm.s32 $0x8C00  }
0x7a: {  	[spmem:s2] =	stream.indirect.scatter.add.f32 [tilespmem:s23], [sflag:$0x1], $0x8, s22, s14, $0xb8;
	[tilespmem:$0x17780] =	vst v63  }
0x7b: {  	_ = 	snop  }
0x7c: {  	[spmem:s2] =	stream.indirect.scatter.add.f32 [tilespmem:s25], [sflag:$0x1], $0x8, s24, s14, $0xb8;
	[tilespmem:$0x17780] =	vst v63  }
0x7d: {  	_ = 	snop  }
0x7e: {  	[spmem:s2] =	stream.indirect.scatter.add.f32 [tilespmem:s28], [sflag:$0x1], $0x8, s26, s14, $0xb8;
	[tilespmem:$0x17780] =	vst v63  }
0x7f: {  	_ = 	snop  }
0x80: {  	[spmem:s2] =	stream.indirect.scatter.add.f32 [tilespmem:s30], [sflag:$0x1], $0x8, s29, s14, $0xb8;
	[tilespmem:$0x17780] =	vst v63  }
0x81: {  	_ = 	snop  }
0x82: {  	[spmem:s2] =	stream.indirect.scatter.add.f32 [tilespmem:s0], [sflag:$0x1], $0x8, s31, s14, $0xb8;
	[tilespmem:$0x17780] =	vst v63  }
0x83: {  	_ = 	snop  }
0x84: {  	[spmem:s2] =	stream.indirect.scatter.add.f32 [tilespmem:s4], [sflag:$0x1], $0x8, s1, s14, $0xb8;
	[tilespmem:$0x17780] =	vst v63  }
0x85: {  	_ = 	snop  }
0x86: {  	[spmem:s2] =	stream.indirect.scatter.add.f32 [tilespmem:s7], [sflag:$0x1], $0x8, s6, s14, $0xb8;
	[tilespmem:$0x17780] =	vst v63  }
0x87: {  	_ = 	snop  }
0x88: {  	[spmem:s2] =	stream.indirect.scatter.add.f32 [tilespmem:s9], [sflag:$0x1], $0x8, s8, s14, $0xb8;
	[tilespmem:$0x17780] =	vst v63  }
0x89: {  	_ = 	snop  }
0x8a: {  	[spmem:s2] =	stream.indirect.scatter.add.f32 [tilespmem:s11], [sflag:$0x1], $0x8, s5, s14, $0xb8;
	[tilespmem:$0x17780] =	vst v63  }
.Ltmp5:
0x8b: {  	_ = 	snop;
	(pc) =	sbr.rel .LBB2_4-.Ltmp5, $4  }
0x8c: {  	[spmem:s2] =	stream.indirect.scatter.add.f32 [tilespmem:s16], [sflag:$0x1], $0x8, s15, s14, $0xb8;
	[tilespmem:$0x17780] =	vst v63  }
0x8d: {  	_ =	swait.ge [sflag:s17], $0xA000  }
0x8e: {  	[sflag:s17] =	ssyncset.done $0x0  }
0x8f: {  	[sflag:s17] =	ssyncadd.s32 $0xFFFF6000  }
.LBB2_6:
0x90: {  	_ =	sfence.sel $0x180000  }
0x91: {  	[bflag:$0x0] =	sbarrier.arrive $0xFFFF  }
0x92: {  	_ =	strace $0x9000004D  }
0x93: {  	s0 =	stileid.u32;
	[bflag:$0x2] =	sbarrier.arrive $0xFFFF  }
0x94: {  	p0 =	sne.s32 s0, $0x0;
	s0 =	rddreg [dreg:$0x2]  }
0x95: {  	s0 =	sadd.s32 @!p0 $0x100000, s0  }
0x96: {  	[sflag:s0] =	ssyncadd.tile.s32 @!p0 $0x1;
	_ =	shalt  }
.Lfunc_end2:
_tile_overlayer_lowered:
.L_overlay_start_2:
0x97: {  	(tag) =	ssettag $0x2  }
0x98: {  	s0 =	rddreg [dreg:$0x0];
	s2 =	stileid.u32  }
0x99: {  	s1 =	rddreg [dreg:$0x1];
	p0 =	sne.s32 s2, $0x0  }
0x9a: {  	s3 =	rddreg [dreg:$0x2];
	[bflag:$0x3] =	sbarrier.arrive $0xFFFF;
	s2 =	simm.s32 @!p0 $0x1C02  }
0x9b: {  	[timem:s3], [sflag:s2] =	dma.local @!p0 [hbm:s0], s1  }
0x9c: {  	s0 =	simm.s32 @!p0 $0x2  }
0x9d: {  	_ =	swait.ge @!p0 [sflag:s0], s1  }
0x9e: {  	s1 =	ssub.s32 @!p0 $0x0, s1;
	[sflag:s0] =	ssyncset.done @!p0 $0x0  }
0x9f: {  	[sflag:s0] =	ssyncadd.s32 @!p0 s1  }
0xa0: {  	[bflag:$0x3] =	sbarrier.arrive $0xFFFF  }
0xa1: {  	_ =	shalt  }

// kernel: kernel.9.cloned.1.call-start
scs
__scs_entry_jumppad:
0x0: {  	(pc) =	sbr.rel $0x88, $3  }
0x1: {  	(tag) =	ssettag $0x0;
	lr =	simm.s32 $0x1  }
0x2: {  	[smem:$0x3F8F] =	sst lr;
	_ =	strace $0xD0000000  }
0x3: {  	_ = 	snop  }
0x4: {  	_ = 	snop  }
0x5: {  	_ = 	snop  }
0x6: {  	_ = 	snop  }
0x7: {  	_ = 	snop  }
__scs_overlays_trampoline_lowered:
0x8: {  	[smem:$0x3F9E] =	sst s0  }
0x9: {  	[smem:$0x3F9F] =	sst s1  }
0xa: {  	[smem:$0x3FA0] =	sst s2  }
0xb: {  	[smem:$0x3FA1] =	sst s3  }
0xc: {  	[smem:$0x3FA2] =	sst s4  }
0xd: {  	[smem:$0x3FA3] =	sst s5  }
0xe: {  	[smem:$0x3FA4] =	sst s6  }
0xf: {  	[smem:$0x3FA5] =	sst s7  }
0x10: {  	[smem:$0x3FA6] =	sst s8  }
0x11: {  	[smem:$0x3FA7] =	sst s9;
	s0 =	simm.s32 @!p0 $0x0  }
0x12: {  	s1 =	sld [smem:$0x3F8D];
	s0 =	simm.s32 @p0 $0x1  }
0x13: {  	[smem:$0x3FA8] =	sst s0;
	s0 =	simm.s32 @!p1 $0x0  }
0x14: {  	s2 =	sld [smem:$0x3F8C];
	s0 =	simm.s32 @p1 $0x1  }
0x15: {  	[smem:$0x3FA9] =	sst s0;
	s0 =	simm.s32 @!p2 $0x0  }
0x16: {  	s3 =	sld [smem:$0x3FDB];
	s0 =	simm.s32 @p2 $0x1  }
0x17: {  	s4 =	simm.s32 $0x1BF5;
	[smem:$0x3FAB] =	sst s0  }
0x18: {  	s0 =	sld [smem:$0x3F8E];
	_ =	swait.ge [sflag:s4], $0x0  }
0x19: {  	s7 =	sld [smem:$0x3F8F]  }
0x1a: {  	s8 =	sadd.s32 $0xFFFFE003, lr  }
0x1b: {  	s9 =	sadd.s32 $0xFFFFFEF7, lr;
	s5 =	simm.s32 $0xFFFFFFFF;
	p2 =	slt.u32 s8, $0xFFFFF086  }
0x1c: {  	p1 =	slt.u32 s9, $0xF7A;
	s5 =	simm.s32 @!p2 $0x0  }
0x1d: {  	s5 =	simm.s32 @p1 $0x1;
	p0 =	seq.s32 s7, s2  }
0x1e: {  	s7 =	smul.u32 @!p0 $0xF7A, s2;
	p2 =	seq.s32 @!p0 s5, $0x0  }
0x1f: {  	s9 =	smul.u32 $0xF7A, s1;
	s8 =	simm.s32 @!p0 $0x1BF5;
	p2 =	por !p2, p0  }
0x20: {  	[sflag:s8] =	ssyncset.s32 @!p0 $0xFFFFF086;
	s6 =	sadd.s32 @!p0 s3, s7;
	s7 =	simm.s32 @!p0 $0x108  }
0x21: {  	s3 =	sadd.s32 s3, s9;
	s6 =	sadd.s32 @!p0 $0x88, s6;
	s7 =	simm.s32 @p2 $0x1082  }
0x22: {  	[simem:s7], [sflag:s8] =	dma.local @!p0 [hbm:s6], $0xF7A  }
0x23: {  	s9 =	sor.u32 $0xD0000000, s2;
	s6 =	simm.s32 $0x108;
	_ =	swait.ge @!p0 [sflag:s8], $0x0  }
0x24: {  	s3 =	sadd.s32 $0x88, s3;
	s6 =	simm.s32 @!p1 $0x1082;
	[sflag:s4] =	ssyncset.s32 $0xFFFFF086  }
0x25: {  	[simem:s6], [sflag:s4] =	dma.local [hbm:s3], $0xF7A  }
0x26: {  	[smem:$0x3F8F] =	sst s1;
	(tag) =	ssettag s2;
	_ =	strace s9  }
0x27: {  	s1 =	sld [smem:$0x3F9F]  }
0x28: {  	s2 =	sld [smem:$0x3FA0]  }
0x29: {  	s4 =	sld [smem:$0x3FA2]  }
0x2a: {  	p0 =	seq.s32 s5, $0x0;
	s5 =	sld [smem:$0x3FA3]  }
0x2b: {  	s6 =	sld [smem:$0x3FA4]  }
0x2c: {  	s7 =	sld [smem:$0x3FA5]  }
0x2d: {  	s3 =	simm.s32 $0x108;
	s8 =	sld [smem:$0x3FA6]  }
0x2e: {  	s3 =	simm.s32 @!p0 $0x1082;
	s9 =	sld [smem:$0x3FA7]  }
0x2f: {  	lr =	sadd.s32 s0, s3;
	s0 =	sld [smem:$0x3F9E]  }
0x30: {  	s3 =	sld [smem:$0x3FA1]  }
0x31: {  	[smem:$0x3FAA] =	sst s10  }
0x32: {  	s10 =	sld [smem:$0x3FA8];
	_ =	sdelay $0x3  }
0x33: {  	p0 =	seq.s32 s10, $0x1;
	s10 =	sld [smem:$0x3FAA];
	_ =	sdelay $0x3  }
0x34: {  	[smem:$0x3FAA] =	sst s10  }
0x35: {  	s10 =	sld [smem:$0x3FA9];
	_ =	sdelay $0x3  }
0x36: {  	p1 =	seq.s32 s10, $0x1;
	s10 =	sld [smem:$0x3FAA];
	_ =	sdelay $0x3  }
0x37: {  	[smem:$0x3FAA] =	sst s10  }
0x38: {  	s10 =	sld [smem:$0x3FAB]  }
0x39: {  	_ = 	snop;
	(pc) =	sbr.ind lr, $3  }
0x3a: {  	_ = 	snop  }
0x3b: {  	_ = 	snop  }
0x3c: {  	p2 =	seq.s32 s10, $0x1;
	s10 =	sld [smem:$0x3FAA]  }
0x3d: {  	_ =	shalt  }
0x3e: {  	_ =	shalt  }
0x3f: {  	_ =	shalt  }
0x40: {  	_ =	shalt  }
0x41: {  	_ =	shalt  }
0x42: {  	_ =	shalt  }
0x43: {  	_ =	shalt  }
0x44: {  	_ =	shalt  }
0x45: {  	_ =	shalt  }
0x46: {  	_ =	shalt  }
0x47: {  	_ =	shalt  }
0x48: {  	_ =	shalt  }
0x49: {  	_ =	shalt  }
0x4a: {  	_ =	shalt  }
0x4b: {  	_ =	shalt  }
0x4c: {  	_ =	shalt  }
0x4d: {  	_ =	shalt  }
0x4e: {  	_ =	shalt  }
0x4f: {  	_ =	shalt  }
0x50: {  	_ =	shalt  }
0x51: {  	_ =	shalt  }
0x52: {  	_ =	shalt  }
0x53: {  	_ =	shalt  }
0x54: {  	_ =	shalt  }
0x55: {  	_ =	shalt  }
0x56: {  	_ =	shalt  }
0x57: {  	_ =	shalt  }
0x58: {  	_ =	shalt  }
0x59: {  	_ =	shalt  }
0x5a: {  	_ =	shalt  }
0x5b: {  	_ =	shalt  }
0x5c: {  	_ =	shalt  }
0x5d: {  	_ =	shalt  }
0x5e: {  	_ =	shalt  }
0x5f: {  	_ =	shalt  }
0x60: {  	_ =	shalt  }
0x61: {  	_ =	shalt  }
0x62: {  	_ =	shalt  }
0x63: {  	_ =	shalt  }
0x64: {  	_ =	shalt  }
0x65: {  	_ =	shalt  }
0x66: {  	_ =	shalt  }
0x67: {  	_ =	shalt  }
0x68: {  	_ =	shalt  }
0x69: {  	_ =	shalt  }
0x6a: {  	_ =	shalt  }
0x6b: {  	_ =	shalt  }
0x6c: {  	_ =	shalt  }
0x6d: {  	_ =	shalt  }
0x6e: {  	_ =	shalt  }
0x6f: {  	_ =	shalt  }
0x70: {  	_ =	shalt  }
0x71: {  	_ =	shalt  }
0x72: {  	_ =	shalt  }
0x73: {  	_ =	shalt  }
0x74: {  	_ =	shalt  }
0x75: {  	_ =	shalt  }
0x76: {  	_ =	shalt  }
0x77: {  	_ =	shalt  }
0x78: {  	_ =	shalt  }
0x79: {  	_ =	shalt  }
0x7a: {  	_ =	shalt  }
0x7b: {  	_ =	shalt  }
0x7c: {  	_ =	shalt  }
0x7d: {  	_ =	shalt  }
0x7e: {  	_ =	shalt  }
0x7f: {  	_ =	shalt  }
0x80: {  	_ =	shalt  }
0x81: {  	_ =	shalt  }
0x82: {  	_ =	shalt  }
0x83: {  	_ =	shalt  }
0x84: {  	_ =	shalt  }
0x85: {  	_ =	shalt  }
0x86: {  	_ =	shalt  }
0x87: {  	_ =	shalt  }
.Lfunc_end0:
.L_simem_size_0:
called_computation_lowered:
.L_overlay_start_0:
0x88: {  	s2 =	sld [smem:$0x3FD9]  }
0x89: {  	s3 =	sld [smem:$0x3FFE];
	_ =	sdelay $0x1  }
0x8a: {  	s1 =	srdreg.scid  }
0x8b: {  	s0 =	sand.u32 $0x1, s1  }
0x8c: {  	s16 =	sshll.u32 s0, $0xA;
	s2 =	sadd.s32 s3, s2  }
0x8d: {  	s2 =	sadd.s32 s2, s16  }
0x8e: {  	[smem:$0x3FB6] =	sst s2  }
0x8f: {  	_ = 	snop  }
0x90: {  	(tm) =	ssettm $0x1  }
0x91: {  	s17 =	sld [smem:$0x3FFB];
	_ =	sdelay $0x3  }
0x92: {  	_ =	strace s17  }
0x93: {  	s2 =	sld [smem:$0x3FFC];
	_ =	sdelay $0x3  }
0x94: {  	_ =	strace s2  }
0x95: {  	s2 =	sld [smem:$0x3FFD];
	_ =	sdelay $0x3  }
0x96: {  	_ =	strace s2  }
0x97: {  	_ =	strace $0x8FFFFFFF  }
0x98: {  	s18 =	sld [smem:$0x3FDB];
	_ =	sdelay $0x1  }
0x99: {  	s19 =	simm.s32 $_scs_section_size  }
0x9a: {  	s4 =	simm.s32 $_size__tile_overlayer_lowered;
	s5 =	simm.s32 $_tile_overlayer_lowered  }
0x9b: {  	s22 =	simm.s32 $0x1BFF;
	s21 =	sshll.u32 s5, $0x1;
	s2 =	sadd.s32 s19, s18  }
0x9c: {  	s6 =	simm.s32 $0x0;
	s20 =	sshll.u32 s4, $0x1;
	s4 =	sadd.s32 s21, s2  }
0x9d: {  	[timem:s6], [sflag:s22] =	dma.local [hbm:s4], s20  }
0x9e: {  	_ =	swait.ge [sflag:s22], s20  }
0x9f: {  	s3 =	ssub.s32 $0x0, s20;
	[sflag:s22] =	ssyncset.done $0x0  }
0xa0: {  	[sflag:s22] =	ssyncadd.s32 s3;
	_ =	sdelay $0x1  }
0xa1: {  	s23 =	simm.s32 $0x1B8B  }
0xa2: {  	_ =	swait.ge [sflag:s23], $0x1  }
0xa3: {  	[sflag:s23] =	ssyncset.done $0x0  }
0xa4: {  	s25 =	simm.s32 $0x1B8E;
	s24 =	sld [smem:$0x3FFE];
	[sflag:s23] =	ssyncadd.s32 $0xFFFFFFFF  }
0xa5: {  	s26 =	simm.s32 $execute0_lowered;
	[smem:$0x3FD2] =	sst s25  }
0xa6: {  	s4 =	sshll.u32 s26, $0x1;
	_ =	strace $0x80000046;
	[dreg:$0x1] =	wrdreg $0xFFFFFFFF  }
0xa7: {  	s28 =	simm.s32 $_size_execute0_lowered;
	s2 =	sadd.s32 s2, s4;
	[dreg:$0x0] =	wrdreg $0x0  }
0xa8: {  	s4 =	sshll.u32 s28, $0x1;
	[dreg:$0x2] =	wrdreg s2  }
0xa9: {  	[dreg:$0x3] =	wrdreg s4  }
0xaa: {  	[dreg:$0x4] =	wrdreg $0xC0  }
0xab: {  	_ =	task [dreg:s6], $0x5FFFF  }
0xac: {  	[dreg:$0x1] =	wrdreg $0xFFFFFFFF  }
0xad: {  	[dreg:$0x0] =	wrdreg $0x60  }
0xae: {  	[dreg:$0x2] =	wrdreg s24  }
0xaf: {  	[dreg:$0x3] =	wrdreg $0xB4000  }
0xb0: {  	[dreg:$0x4] =	wrdreg $0x9  }
0xb1: {  	_ =	task.clear_ibuf [dreg:s6], $0x5FFFF;
	_ =	strace $0x90000046  }
0xb2: {  	s29 =	simm.s32 $0x9;
	_ =	strace $0x80000048  }
0xb3: {  	_ =	swait.ge [sflag:s29], $0x1  }
0xb4: {  	[sflag:s29] =	ssyncadd.s32 $0xFFFFFFFF  }
0xb5: {  	_ =	strace $0x90000048  }
0xb6: {  	_ =	sfence  }
0xb7: {  	s30 =	sld [smem:$0x0];
	_ =	sdelay $0x2  }
0xb8: {  	s31 =	sshll.u32 s1, $0xD;
	s1 =	sshrl.u32 s1, $0x2  }
0xb9: {  	s3 =	sand.u32 $0x4000, s31;
	s1 =	sadd.s32 s1, s30  }
0xba: {  	s0 =	sor.u32 s3, s0;
	s1 =	sshll.u32 s1, $0x11  }
0xbb: {  	s0 =	sor.u32 s1, s0  }
0xbc: {  	s0 =	sadd.s32 $0x8F2B, s0  }
0xbd: {  	[sflag:s0] =	ssyncadd.remote.s32 $0x1  }
0xbe: {  	_ =	sfence.sel $0xFFFF  }
0xbf: {  	[dreg:$0x0] =	wrdreg $0xFFFFFFFF;
	(pc) =	sbr.abs _section_cstart, $3  }
0xc0: {  	[dreg:$0x1] =	wrdreg $0xFFFFFFFF  }
0xc1: {  	_ =	task.clear_ibuf [dreg:s6], $0x2FFFF;
	_ =	strace $0x9FFFFFFF  }
0xc2: {  	(tm) =	ssettm $0x7FFFFFFF  }
0xc3: {  	_ =	shalt  }
tec
execute0_lowered:
.L_overlay_start_1:
0x0: {  	(tag) =	ssettag $0x1  }
0x1: {  	s0 =	rddreg [dreg:$0x0]  }
0x2: {  	s2 =	rddreg [dreg:$0x1]  }
0x3: {  	s11 =	stileid.u32;
	s5 =	srdreg.scid;
	s3 =	simm.s32 $0x0  }
0x4: {  	s13 =	simm.s32 $0x1400;
	s14 =	simm.s32 $0x80;
	s28 =	simm.s32 $0x9400  }
0x5: {  	s29 =	simm.s32 $0x1080;
	s30 =	simm.s32 $0x9800;
	s31 =	simm.s32 $0x1100  }
0x6: {  	s15 =	simm.s32 $0x1380;
	s16 =	simm.s32 $0xB000;
	s1 =	smul.u32 $0x2800, s11  }
0x7: {  	s17 =	simm.s32 $0x1;
	s18 =	simm.s32 $0x0;
	s4 =	smul.u32 $0x500, s11  }
0x8: {  	s6 =	smul.u32 $0xC380, s11;
	s5 =	sand.u32 $0x1, s5;
	[smem:$0x7FF] =	sst s3  }
0x9: {  	s23 =	sshll.u32 s11, $0x1;
	s11 =	sshll.u32 s11, $0x6;
	s7 =	smul.u32 $0xC3800, s5  }
0xa: {  	_ =	strace $0x80000047;
	s9 =	ssub.s32 $0x2, s5;
	s22 =	smul.u32 $0x280, s5  }
0xb: {  	s12 =	smul.u32 $0x1400, s5;
	s20 =	sor.u32 $0x1C02, s11;
	s11 =	simm.s32 $0xAC00  }
0xc: {  	s1 =	sadd.s32 s1, s0;
	s4 =	sadd.s32 s4, s0;
	s8 =	sshrl.u32 s6, $0x3  }
0xd: {  	s10 =	sshrl.u32 s9, $0x1;
	[dreg:$0x4] =	wrdreg s20;
	s7 =	sadd.s32 s6, s7  }
0xe: {  	s8 =	sadd.s32 s8, s0;
	s21 =	ssub.s32 s9, s10;
	s6 =	sadd.s32 s6, s2  }
0xf: {  	s24 =	sadd.s32 s22, s4;
	s1 =	sadd.s32 s12, s1;
	s10 =	sor.u32 s5, s23  }
0x10: {  	s12 =	simm.s32 $0x2;
	s4 =	simm.s32 $0xA000;
	s9 =	simm.s32 $0xA800  }
0x11: {  	s5 =	simm.s32 $0x1300;
	s7 =	sshrl.u32 s7, $0x3;
	s8 =	sadd.s32 $0x37A600, s8  }
0x12: {  	s25 =	smax.u32 s21, $0x1;
	s26 =	sadd.s32 $0x6D200, s1;
	s21 =	sshrl.u32 s6, $0x3  }
0x13: {  	s1 =	simm.s32 $0x1180;
	s6 =	simm.s32 $0x1200;
	[dreg:$0x3] =	wrdreg s8  }
.Ltmp0:
0x14: {  	s0 =	sadd.s32 s7, s0;
	[dreg:$0x6] =	wrdreg s25;
	(pc) =	sbr.rel .LBB2_1-.Ltmp0, $4  }
0x15: {  	[dreg:$0x8] =	wrdreg s26;
	s25 =	simm.s32 $0x9000;
	s26 =	simm.s32 $0x1000  }
0x16: {  	s7 =	simm.s32 $0xA400;
	[dreg:$0x9] =	wrdreg s21;
	s0 =	sadd.s32 $0x392E00, s0  }
0x17: {  	s8 =	simm.s32 $0x1280;
	[dreg:$0x5] =	wrdreg s0;
	s0 =	sadd.s32 $0xB600, s24  }
0x18: {  	s24 =	simm.s32 $0xF80;
	[dreg:$0x7] =	wrdreg s0;
	s0 =	simm.s32 $0x9C00  }
.LBB2_5:
0x19: {  	[bflag:$0x0] =	sbarrier.arrive $0xFFFF  }
0x1a: {  	s20 =	rddreg [dreg:$0x4]  }
0x1b: {  	s19 =	rddreg [dreg:$0x5]  }
0x1c: {  	s21 =	rddreg [dreg:$0x9]  }
0x1d: {  	[hbm:s19], [sflag:s20] =	dma.local [spmem:s21], $0x1870  }
0x1e: {  	_ =	swait.ge [sflag:s12], $0x1870  }
0x1f: {  	s18 =	sadd.s32 $0x1, s18;
	s23 =	rddreg [dreg:$0x6]  }
0x20: {  	p0 =	sne.s32 s18, s23  }
.Ltmp1:
0x21: {  	_ = 	snop;
	(pc) =	sbr.rel @!p0 .LBB2_6-.Ltmp1, $3  }
0x22: {  	_ =	sdelay $0x1  }
0x23: {  	[sflag:s12] =	ssyncset.done $0x0  }
0x24: {  	[sflag:s12] =	ssyncadd.s32 $0xFFFFE790  }
.LBB2_1:
0x25: {  	s19 =	rddreg [dreg:$0x3]  }
0x26: {  	[spmem:s21], [sflag:s20] =	dma.local [hbm:s19], $0x1870  }
0x27: {  	_ =	swait.ge [sflag:s12], $0x1870  }
.Ltmp2:
0x28: {  	[sflag:s12] =	ssyncset.done $0x0;
	(pc) =	sbr.rel .LBB2_2-.Ltmp2, $4  }
0x29: {  	[sflag:s12] =	ssyncadd.s32 $0xFFFFE790  }
0x2a: {  	[bflag:$0x0] =	sbarrier.arrive $0xFFFF  }
0x2b: {  	s19 =	rddreg [dreg:$0x8]  }
0x2c: {  	s21 =	simm.s32 $0x0;
	s20 =	rddreg [dreg:$0x7]  }
.LBB2_4:
0x2d: {  	s21 =	sadd.s32 $0x20, s21  }
0x2e: {  	p0 =	sne.s32 s21, $0x280  }
.Ltmp3:
0x2f: {  	_ = 	snop;
	(pc) =	sbr.rel @!p0 .LBB2_5-.Ltmp3, $2  }
0x30: {  	_ =	sdelay $0x2  }
0x31: {  	s20 =	sadd.s32 $0x5000, s20;
	s19 =	sadd.s32 $0x28000, s19  }
.LBB2_2:
0x32: {  	s22 =	sadd.s32 s21, s10  }
0x33: {  	p0 =	sgt.u32 s22, $0x270  }
.Ltmp4:
0x34: {  	_ = 	snop;
	(pc) =	sbr.rel @p0 .LBB2_4-.Ltmp4, $1  }
0x35: {  	_ =	sdelay $0x3  }
0x36: {  	[tilespmem:s3], [sflag:$0x2] =	stream.linear.gather [hbm4b:s20+s3], $0x1400, $0x38;
	[tilespmem:$0x17780] =	vst v63  }
0x37: {  	_ =	swait.ge [sflag:s12], $0x1400  }
0x38: {  	[sflag:s12] =	ssyncset.done $0x0  }
0x39: {  	[sflag:s12] =	ssyncadd.s32 $0xFFFFEC00  }
0x3a: {  	[tilespmem:s13], [sflag:$0x2] =	stream.linear.gather [hbm4b:s19+s3], $0xA000, $0x38;
	[tilespmem:$0x17780] =	vst v63  }
0x3b: {  	_ =	swait.ge [sflag:s12], $0xA000  }
0x3c: {  	[sflag:s12] =	ssyncset.done $0x0  }
0x3d: {  	[sflag:s12] =	ssyncadd.s32 $0xFFFF6000  }
0x3e: {  	[spmem:s2] =	stream.indirect.scatter.add.f32 [tilespmem:s13], [sflag:$0x1], $0x8, s3, s14, $0xb8;
	[tilespmem:$0x17780] =	vst v63  }
0x3f: {  	s22 =	simm.s32 $0x1800  }
0x40: {  	[spmem:s2] =	stream.indirect.scatter.add.f32 [tilespmem:s22], [sflag:$0x1], $0x8, s14, s14, $0xb8;
	[tilespmem:$0x17780] =	vst v63  }
0x41: {  	s23 =	simm.s32 $0x1C00;
	s22 =	simm.s32 $0x100  }
0x42: {  	[spmem:s2] =	stream.indirect.scatter.add.f32 [tilespmem:s23], [sflag:$0x1], $0x8, s22, s14, $0xb8;
	[tilespmem:$0x17780] =	vst v63  }
0x43: {  	s22 =	simm.s32 $0x180;
	s23 =	simm.s32 $0x2000  }
0x44: {  	[spmem:s2] =	stream.indirect.scatter.add.f32 [tilespmem:s23], [sflag:$0x1], $0x8, s22, s14, $0xb8;
	[tilespmem:$0x17780] =	vst v63  }
0x45: {  	s22 =	simm.s32 $0x200;
	s23 =	simm.s32 $0x2400  }
0x46: {  	[spmem:s2] =	stream.indirect.scatter.add.f32 [tilespmem:s23], [sflag:$0x1], $0x8, s22, s14, $0xb8;
	[tilespmem:$0x17780] =	vst v63  }
0x47: {  	s22 =	simm.s32 $0x280;
	s23 =	simm.s32 $0x2800  }
0x48: {  	[spmem:s2] =	stream.indirect.scatter.add.f32 [tilespmem:s23], [sflag:$0x1], $0x8, s22, s14, $0xb8;
	[tilespmem:$0x17780] =	vst v63  }
0x49: {  	s22 =	simm.s32 $0x300;
	s23 =	simm.s32 $0x2C00  }
0x4a: {  	[spmem:s2] =	stream.indirect.scatter.add.f32 [tilespmem:s23], [sflag:$0x1], $0x8, s22, s14, $0xb8;
	[tilespmem:$0x17780] =	vst v63  }
0x4b: {  	s22 =	simm.s32 $0x380;
	s23 =	simm.s32 $0x3000  }
0x4c: {  	[spmem:s2] =	stream.indirect.scatter.add.f32 [tilespmem:s23], [sflag:$0x1], $0x8, s22, s14, $0xb8;
	[tilespmem:$0x17780] =	vst v63  }
0x4d: {  	s22 =	simm.s32 $0x400;
	s23 =	simm.s32 $0x3400  }
0x4e: {  	[spmem:s2] =	stream.indirect.scatter.add.f32 [tilespmem:s23], [sflag:$0x1], $0x8, s22, s14, $0xb8;
	[tilespmem:$0x17780] =	vst v63  }
0x4f: {  	s22 =	simm.s32 $0x480;
	s23 =	simm.s32 $0x3800  }
0x50: {  	[spmem:s2] =	stream.indirect.scatter.add.f32 [tilespmem:s23], [sflag:$0x1], $0x8, s22, s14, $0xb8;
	[tilespmem:$0x17780] =	vst v63  }
0x51: {  	s22 =	simm.s32 $0x500;
	s23 =	simm.s32 $0x3C00  }
0x52: {  	[spmem:s2] =	stream.indirect.scatter.add.f32 [tilespmem:s23], [sflag:$0x1], $0x8, s22, s14, $0xb8;
	[tilespmem:$0x17780] =	vst v63  }
0x53: {  	s22 =	simm.s32 $0x580;
	s23 =	simm.s32 $0x4000  }
0x54: {  	[spmem:s2] =	stream.indirect.scatter.add.f32 [tilespmem:s23], [sflag:$0x1], $0x8, s22, s14, $0xb8;
	[tilespmem:$0x17780] =	vst v63  }
0x55: {  	s22 =	simm.s32 $0x600;
	s23 =	simm.s32 $0x4400  }
0x56: {  	[spmem:s2] =	stream.indirect.scatter.add.f32 [tilespmem:s23], [sflag:$0x1], $0x8, s22, s14, $0xb8;
	[tilespmem:$0x17780] =	vst v63  }
0x57: {  	s22 =	simm.s32 $0x680;
	s23 =	simm.s32 $0x4800  }
0x58: {  	[spmem:s2] =	stream.indirect.scatter.add.f32 [tilespmem:s23], [sflag:$0x1], $0x8, s22, s14, $0xb8;
	[tilespmem:$0x17780] =	vst v63  }
0x59: {  	s22 =	simm.s32 $0x700;
	s23 =	simm.s32 $0x4C00  }
0x5a: {  	[spmem:s2] =	stream.indirect.scatter.add.f32 [tilespmem:s23], [sflag:$0x1], $0x8, s22, s14, $0xb8;
	[tilespmem:$0x17780] =	vst v63  }
0x5b: {  	s22 =	simm.s32 $0x780;
	s23 =	simm.s32 $0x5000  }
0x5c: {  	[spmem:s2] =	stream.indirect.scatter.add.f32 [tilespmem:s23], [sflag:$0x1], $0x8, s22, s14, $0xb8;
	[tilespmem:$0x17780] =	vst v63  }
0x5d: {  	s22 =	simm.s32 $0x800;
	s23 =	simm.s32 $0x5400  }
0x5e: {  	[spmem:s2] =	stream.indirect.scatter.add.f32 [tilespmem:s23], [sflag:$0x1], $0x8, s22, s14, $0xb8;
	[tilespmem:$0x17780] =	vst v63  }
0x5f: {  	s22 =	simm.s32 $0x880;
	s23 =	simm.s32 $0x5800  }
0x60: {  	[spmem:s2] =	stream.indirect.scatter.add.f32 [tilespmem:s23], [sflag:$0x1], $0x8, s22, s14, $0xb8;
	[tilespmem:$0x17780] =	vst v63  }
0x61: {  	s22 =	simm.s32 $0x900;
	s23 =	simm.s32 $0x5C00  }
0x62: {  	[spmem:s2] =	stream.indirect.scatter.add.f32 [tilespmem:s23], [sflag:$0x1], $0x8, s22, s14, $0xb8;
	[tilespmem:$0x17780] =	vst v63  }
0x63: {  	s22 =	simm.s32 $0x980;
	s23 =	simm.s32 $0x6000  }
0x64: {  	[spmem:s2] =	stream.indirect.scatter.add.f32 [tilespmem:s23], [sflag:$0x1], $0x8, s22, s14, $0xb8;
	[tilespmem:$0x17780] =	vst v63  }
0x65: {  	s22 =	simm.s32 $0xA00;
	s23 =	simm.s32 $0x6400  }
0x66: {  	[spmem:s2] =	stream.indirect.scatter.add.f32 [tilespmem:s23], [sflag:$0x1], $0x8, s22, s14, $0xb8;
	[tilespmem:$0x17780] =	vst v63  }
0x67: {  	s22 =	simm.s32 $0xA80;
	s23 =	simm.s32 $0x6800  }
0x68: {  	[spmem:s2] =	stream.indirect.scatter.add.f32 [tilespmem:s23], [sflag:$0x1], $0x8, s22, s14, $0xb8;
	[tilespmem:$0x17780] =	vst v63  }
0x69: {  	s22 =	simm.s32 $0xB00;
	s23 =	simm.s32 $0x6C00  }
0x6a: {  	[spmem:s2] =	stream.indirect.scatter.add.f32 [tilespmem:s23], [sflag:$0x1], $0x8, s22, s14, $0xb8;
	[tilespmem:$0x17780] =	vst v63  }
0x6b: {  	s22 =	simm.s32 $0xB80;
	s23 =	simm.s32 $0x7000  }
0x6c: {  	[spmem:s2] =	stream.indirect.scatter.add.f32 [tilespmem:s23], [sflag:$0x1], $0x8, s22, s14, $0xb8;
	[tilespmem:$0x17780] =	vst v63  }
0x6d: {  	s22 =	simm.s32 $0xC00;
	s23 =	simm.s32 $0x7400  }
0x6e: {  	[spmem:s2] =	stream.indirect.scatter.add.f32 [tilespmem:s23], [sflag:$0x1], $0x8, s22, s14, $0xb8;
	[tilespmem:$0x17780] =	vst v63  }
0x6f: {  	s22 =	simm.s32 $0xC80;
	s23 =	simm.s32 $0x7800  }
0x70: {  	[spmem:s2] =	stream.indirect.scatter.add.f32 [tilespmem:s23], [sflag:$0x1], $0x8, s22, s14, $0xb8;
	[tilespmem:$0x17780] =	vst v63  }
0x71: {  	s22 =	simm.s32 $0xD00;
	s23 =	simm.s32 $0x7C00  }
0x72: {  	[spmem:s2] =	stream.indirect.scatter.add.f32 [tilespmem:s23], [sflag:$0x1], $0x8, s22, s14, $0xb8;
	[tilespmem:$0x17780] =	vst v63  }
0x73: {  	s22 =	simm.s32 $0xD80;
	s23 =	simm.s32 $0x8000  }
0x74: {  	[spmem:s2] =	stream.indirect.scatter.add.f32 [tilespmem:s23], [sflag:$0x1], $0x8, s22, s14, $0xb8;
	[tilespmem:$0x17780] =	vst v63  }
0x75: {  	s22 =	simm.s32 $0xE00;
	s23 =	simm.s32 $0x8400  }
0x76: {  	[spmem:s2] =	stream.indirect.scatter.add.f32 [tilespmem:s23], [sflag:$0x1], $0x8, s22, s14, $0xb8;
	[tilespmem:$0x17780] =	vst v63  }
0x77: {  	s22 =	simm.s32 $0xE80;
	s23 =	simm.s32 $0x8800  }
0x78: {  	[spmem:s2] =	stream.indirect.scatter.add.f32 [tilespmem:s23], [sflag:$0x1], $0x8, s22, s14, $0xb8;
	[tilespmem:$0x17780] =	vst v63  }
0x79: {  	s22 =	simm.s32 $0xF00;
	s23 =	simm.s32 $0x8C00  }
0x7a: {  	[spmem:s2] =	stream.indirect.scatter.add.f32 [tilespmem:s23], [sflag:$0x1], $0x8, s22, s14, $0xb8;
	[tilespmem:$0x17780] =	vst v63  }
0x7b: {  	_ = 	snop  }
0x7c: {  	[spmem:s2] =	stream.indirect.scatter.add.f32 [tilespmem:s25], [sflag:$0x1], $0x8, s24, s14, $0xb8;
	[tilespmem:$0x17780] =	vst v63  }
0x7d: {  	_ = 	snop  }
0x7e: {  	[spmem:s2] =	stream.indirect.scatter.add.f32 [tilespmem:s28], [sflag:$0x1], $0x8, s26, s14, $0xb8;
	[tilespmem:$0x17780] =	vst v63  }
0x7f: {  	_ = 	snop  }
0x80: {  	[spmem:s2] =	stream.indirect.scatter.add.f32 [tilespmem:s30], [sflag:$0x1], $0x8, s29, s14, $0xb8;
	[tilespmem:$0x17780] =	vst v63  }
0x81: {  	_ = 	snop  }
0x82: {  	[spmem:s2] =	stream.indirect.scatter.add.f32 [tilespmem:s0], [sflag:$0x1], $0x8, s31, s14, $0xb8;
	[tilespmem:$0x17780] =	vst v63  }
0x83: {  	_ = 	snop  }
0x84: {  	[spmem:s2] =	stream.indirect.scatter.add.f32 [tilespmem:s4], [sflag:$0x1], $0x8, s1, s14, $0xb8;
	[tilespmem:$0x17780] =	vst v63  }
0x85: {  	_ = 	snop  }
0x86: {  	[spmem:s2] =	stream.indirect.scatter.add.f32 [tilespmem:s7], [sflag:$0x1], $0x8, s6, s14, $0xb8;
	[tilespmem:$0x17780] =	vst v63  }
0x87: {  	_ = 	snop  }
0x88: {  	[spmem:s2] =	stream.indirect.scatter.add.f32 [tilespmem:s9], [sflag:$0x1], $0x8, s8, s14, $0xb8;
	[tilespmem:$0x17780] =	vst v63  }
0x89: {  	_ = 	snop  }
0x8a: {  	[spmem:s2] =	stream.indirect.scatter.add.f32 [tilespmem:s11], [sflag:$0x1], $0x8, s5, s14, $0xb8;
	[tilespmem:$0x17780] =	vst v63  }
.Ltmp5:
0x8b: {  	_ = 	snop;
	(pc) =	sbr.rel .LBB2_4-.Ltmp5, $4  }
0x8c: {  	[spmem:s2] =	stream.indirect.scatter.add.f32 [tilespmem:s16], [sflag:$0x1], $0x8, s15, s14, $0xb8;
	[tilespmem:$0x17780] =	vst v63  }
0x8d: {  	_ =	swait.ge [sflag:s17], $0xA000  }
0x8e: {  	[sflag:s17] =	ssyncset.done $0x0  }
0x8f: {  	[sflag:s17] =	ssyncadd.s32 $0xFFFF6000  }
.LBB2_6:
0x90: {  	_ =	sfence.sel $0x180000  }
0x91: {  	[bflag:$0x0] =	sbarrier.arrive $0xFFFF  }
0x92: {  	_ =	strace $0x90000047  }
0x93: {  	s0 =	stileid.u32;
	[bflag:$0x2] =	sbarrier.arrive $0xFFFF  }
0x94: {  	p0 =	sne.s32 s0, $0x0;
	s0 =	rddreg [dreg:$0x2]  }
0x95: {  	s0 =	sadd.s32 @!p0 $0x100000, s0  }
0x96: {  	[sflag:s0] =	ssyncadd.tile.s32 @!p0 $0x1;
	_ =	shalt  }
.Lfunc_end2:
_tile_overlayer_lowered:
.L_overlay_start_2:
0x97: {  	(tag) =	ssettag $0x2  }
0x98: {  	s0 =	rddreg [dreg:$0x0];
	s2 =	stileid.u32  }
0x99: {  	s1 =	rddreg [dreg:$0x1];
	p0 =	sne.s32 s2, $0x0  }
0x9a: {  	s3 =	rddreg [dreg:$0x2];
	[bflag:$0x3] =	sbarrier.arrive $0xFFFF;
	s2 =	simm.s32 @!p0 $0x1C02  }
0x9b: {  	[timem:s3], [sflag:s2] =	dma.local @!p0 [hbm:s0], s1  }
0x9c: {  	s0 =	simm.s32 @!p0 $0x2  }
0x9d: {  	_ =	swait.ge @!p0 [sflag:s0], s1  }
0x9e: {  	s1 =	ssub.s32 @!p0 $0x0, s1;
	[sflag:s0] =	ssyncset.done @!p0 $0x0  }
0x9f: {  	[sflag:s0] =	ssyncadd.s32 @!p0 s1  }
0xa0: {  	[bflag:$0x3] =	sbarrier.arrive $0xFFFF  }
0xa1: {  	_ =	shalt  }

</sc_bundles>
